<compile_context>
chip_gen: v7x
topology: tpu7x:2x2x1
jax: 0.10.2.dev20260603
libtpu: 0.0.44.dev20260713+nightly
codegen_flags: <defaults>
</compile_context>

<pallas_src>
import jax
import jax.numpy as jnp
from jax import lax
from jax.experimental import pallas as pl
from jax.experimental.pallas import tpu as pltpu
from jax.experimental.pallas import tpu_sc as plsc

N = 10000
D = 128
E = 640000

NP = 10240
NR = NP // 128
NC, NS = 2, 16
NW = NC * NS
CH = 128
CPW = 160
EP = NW * CPW * CH
RPW = NP // NS

_mesh = plsc.VectorSubcoreMesh(core_axis_name="c", subcore_axis_name="s")
_sc_params = pltpu.CompilerParams(needs_layout_passes=False)
_sc_params_lin = pltpu.CompilerParams(
    needs_layout_passes=False, use_tc_tiling_on_sc=False
)


def _worker(cid, sid):
    return sid * NC + cid


def _zero_acc(acc_v):
    zero16 = jnp.zeros((16,), jnp.float32)

    @pl.loop(0, NR)
    def _z(i):
        for j in range(8):
            acc_v[i, pl.ds(j * 16, 16)] = zero16


def _split_rc(idx):
    return lax.shift_right_logical(idx, 7), lax.bitwise_and(idx, 127)


def _sc_deg_body(e_ref, out_ref, idx_v, acc_v):
    w = _worker(lax.axis_index("c"), lax.axis_index("s"))
    _zero_acc(acc_v)
    pltpu.sync_copy(e_ref.at[1, pl.ds(w * CPW, CPW)], idx_v)
    ones16 = jnp.ones((16,), jnp.float32)

    @pl.loop(0, CPW)
    def _edges(g):
        for j in range(8):
            r, c = _split_rc(idx_v[g, pl.ds(j * 16, 16)])
            plsc.addupdate_scatter(acc_v, [r, c], ones16)

    pltpu.sync_copy(acc_v, out_ref.at[w])


_sc_deg = pl.kernel(
    _sc_deg_body,
    out_type=jax.ShapeDtypeStruct((NW, NR, 128), jnp.float32),
    mesh=_mesh,
    compiler_params=_sc_params,
    scratch_types=[
        pltpu.VMEM((CPW, CH), jnp.int32),
        pltpu.VMEM((NR, 128), jnp.float32),
    ],
)


FH = 64
ACH = 128
CPC = EP // ACH
CPT = CPC // NS
GRP = 16
NGT = CPT // GRP
NB = 4
DELTA = 3


def _sc_agg_body(u_ref, e_ref, z_ref, out_ref, src_v, dst_v, *bufs):
    rows = bufs[:NB]
    sg = bufs[NB:2 * NB]
    ss = bufs[2 * NB:3 * NB]
    cid = lax.axis_index("c")
    sid = lax.axis_index("s")
    acc_sh = bufs[3 * NB]
    u_sh = bufs[3 * NB + 1]
    pltpu.sync_copy(z_ref, acc_sh.at[pl.ds(sid * RPW, RPW)])
    pltpu.sync_copy(u_ref.at[cid, pl.ds(sid * RPW, RPW)], u_sh.at[pl.ds(sid * RPW, RPW)])
    plsc.subcore_barrier()

    def stage(gg, par):
        base = sid * CPT + gg * GRP
        pltpu.sync_copy(e_ref.at[0, pl.ds(base, GRP)], src_v.at[par])
        pltpu.sync_copy(e_ref.at[1, pl.ds(base, GRP)], dst_v.at[par])

    def gather_start(par, j, rb):
        pltpu.async_copy(u_sh.at[src_v.at[par, j]], rows[rb], sg[rb])

    def gather_wait(rb):
        pltpu.make_async_copy(u_ref.at[cid, pl.ds(0, ACH)], rows[rb], sg[rb]).wait()

    def scatter_start(par, j, rb):
        pltpu.async_copy(rows[rb], acc_sh.at[dst_v.at[par, j]], ss[rb], add=True)

    def scatter_wait(rb):
        pltpu.make_async_copy(rows[rb], acc_sh.at[pl.ds(0, ACH)], ss[rb]).wait()

    stage(0, 0)
    for j in range(GRP):
        rb = j % NB
        if j >= NB:
            scatter_wait(rb)
        gather_start(0, j, rb)
        if j >= DELTA:
            gather_wait((j - DELTA) % NB)
            scatter_start(0, j - DELTA, (j - DELTA) % NB)

    @pl.loop(1, NGT)
    def _grp(gg):
        par = lax.bitwise_and(gg, 1)
        stage(gg, par)
        for j in range(GRP):
            rb = j % NB
            scatter_wait(rb)
            gather_start(par, j, rb)
            rb2 = (j - DELTA) % NB
            gather_wait(rb2)
            if j >= DELTA:
                scatter_start(par, j - DELTA, rb2)
            else:
                scatter_start(1 - par, j + GRP - DELTA, rb2)

    for j in range(GRP - DELTA, GRP):
        rb2 = j % NB
        gather_wait(rb2)
        scatter_start((NGT - 1) % 2, j, rb2)
    for rb in range(NB):
        scatter_wait(rb)

    plsc.subcore_barrier()
    pltpu.sync_copy(
        acc_sh.at[pl.ds(sid * RPW, RPW)], out_ref.at[cid, pl.ds(sid * RPW, RPW)]
    )


_sc_agg = pl.kernel(
    _sc_agg_body,
    out_type=jax.ShapeDtypeStruct((NC, NP, FH), jnp.float32),
    mesh=_mesh,
    compiler_params=_sc_params_lin,
    scratch_types=[
        pltpu.VMEM((2, GRP, ACH), jnp.int32),
        pltpu.VMEM((2, GRP, ACH), jnp.int32),
        *[pltpu.VMEM((ACH, FH), jnp.float32) for _ in range(NB)],
        *[pltpu.SemaphoreType.DMA for _ in range(2 * NB)],
        pltpu.VMEM_SHARED((NP, FH), jnp.float32),
        pltpu.VMEM_SHARED((NP, FH), jnp.float32),
    ],
)


def _sc_sagg_body(t_ref, e_ref, out_ref, src_v, dst_v, t_v, acc_v):
    w = _worker(lax.axis_index("c"), lax.axis_index("s"))
    pltpu.sync_copy(t_ref, t_v)
    pltpu.sync_copy(e_ref.at[0, pl.ds(w * CPW, CPW)], src_v)
    pltpu.sync_copy(e_ref.at[1, pl.ds(w * CPW, CPW)], dst_v)
    _zero_acc(acc_v)

    @pl.loop(0, CPW)
    def _edges(g):
        for j in range(8):
            rs, cs = _split_rc(src_v[g, pl.ds(j * 16, 16)])
            vals = plsc.load_gather(t_v, [rs, cs])
            rd, cd = _split_rc(dst_v[g, pl.ds(j * 16, 16)])
            plsc.addupdate_scatter(acc_v, [rd, cd], vals)

    pltpu.sync_copy(acc_v, out_ref.at[w])


_sc_sagg = pl.kernel(
    _sc_sagg_body,
    out_type=jax.ShapeDtypeStruct((NW, NR, 128), jnp.float32),
    mesh=_mesh,
    compiler_params=_sc_params,
    scratch_types=[
        pltpu.VMEM((CPW, CH), jnp.int32),
        pltpu.VMEM((CPW, CH), jnp.int32),
        pltpu.VMEM((NR, 128), jnp.float32),
        pltpu.VMEM((NR, 128), jnp.float32),
    ],
)


BM = 1024


def _tc_dis_body(degp_ref, dis_ref):
    deg = jnp.sum(degp_ref[...], axis=0) + 1.0
    dis_ref[...] = lax.rsqrt(deg)


_tc_dis = pl.pallas_call(
    _tc_dis_body,
    out_shape=jax.ShapeDtypeStruct((NR, 128), jnp.float32),
)


def _tc_u_body(x_ref, w1_ref, dis_ref, u_ref):
    h = jnp.dot(x_ref[...], w1_ref[...], preferred_element_type=jnp.float32)
    u = dis_ref[...] * h
    u_ref[0] = u[:, :FH]
    u_ref[1] = u[:, FH:]


_tc_u = pl.pallas_call(
    _tc_u_body,
    grid=(NP // BM,),
    in_specs=[
        pl.BlockSpec((BM, D), lambda i: (i, 0)),
        pl.BlockSpec((D, D), lambda i: (0, 0)),
        pl.BlockSpec((BM, 1), lambda i: (i, 0)),
    ],
    out_specs=pl.BlockSpec((NC, BM, FH), lambda i: (0, i, 0)),
    out_shape=jax.ShapeDtypeStruct((NC, NP, FH), jnp.float32),
)


def _tc_t_body(aggp_ref, u_ref, dis_ref, b1_ref, w2_ref, t_ref):
    dis = dis_ref[...]
    b1 = b1_ref[...]
    halves = [
        jnp.maximum(dis * (aggp_ref[k] + u_ref[k]) + b1[k:k + 1], 0.0)
        for k in range(NC)
    ]
    r = jnp.concatenate(halves, axis=1)
    s = jnp.dot(r, w2_ref[...], preferred_element_type=jnp.float32)
    t_ref[...] = dis * s


_tc_t = pl.pallas_call(
    _tc_t_body,
    grid=(NP // BM,),
    in_specs=[
        pl.BlockSpec((NC, BM, FH), lambda i: (0, i, 0)),
        pl.BlockSpec((NC, BM, FH), lambda i: (0, i, 0)),
        pl.BlockSpec((BM, 1), lambda i: (i, 0)),
        pl.BlockSpec((NC, FH), lambda i: (0, 0)),
        pl.BlockSpec((D, 1), lambda i: (0, 0)),
    ],
    out_specs=pl.BlockSpec((BM, 1), lambda i: (i, 0)),
    out_shape=jax.ShapeDtypeStruct((NP, 1), jnp.float32),
)


def _tc_out_body(qp_ref, t_ref, dis_ref, b2_ref, o_ref):
    q = jnp.sum(qp_ref[...], axis=0)
    o_ref[...] = dis_ref[...] * (q + t_ref[...]) + b2_ref[0, 0]


_tc_out = pl.pallas_call(
    _tc_out_body,
    out_shape=jax.ShapeDtypeStruct((NR, 128), jnp.float32),
)


def kernel(x, edge_index, W1, b1, W2, b2):
    xp = jnp.zeros((NP, D), jnp.float32).at[:N].set(x)
    ep = jnp.pad(edge_index, ((0, 0), (0, EP - E)), constant_values=NP - 1)
    e3 = ep.reshape(2, EP // CH, CH)

    degp = _sc_deg(e3)
    dis80 = _tc_dis(degp)
    dis_col = dis80.reshape(NP, 1)
    u2 = _tc_u(xp, W1, dis_col)
    zeros = jnp.zeros((RPW, FH), jnp.float32)
    e3b = ep.reshape(2, EP // ACH, ACH)
    aggp = _sc_agg(u2, e3b, zeros)
    t_col = _tc_t(aggp, u2, dis_col, b1.reshape(NC, FH), W2)
    t80 = t_col.reshape(NR, 128)
    qp = _sc_sagg(t80, e3)
    o80 = _tc_out(qp, t80, dis80, b2.reshape(1, 1))
    return o80.reshape(NP, 1)[:N]

# --- scband reference (transcript-rebuilt; emitter-appended) ---
"""Pipeline reference for scband-gnnmodel-63247688401329 (READ-ONLY COPY).

The authoritative reference and input builder live on the scoring server;
editing this copy changes nothing except your own understanding.
"""

import jax
import jax.numpy as jnp
import numpy as np

N = 10000
E = 640000
D_IN = 128
D_H = 128
D_OUT = 1


def setup_inputs(seed: int = 0) -> dict:
    key = jax.random.key(seed)
    k1, k2, k3, k4 = jax.random.split(key, 4)
    x = jax.random.normal(k1, (N, D_IN), dtype=jnp.float32)
    edge_index = jax.random.randint(k2, (2, E), 0, N, dtype=jnp.int32)
    W1 = jax.random.normal(k3, (D_IN, D_H), dtype=jnp.float32) * (1.0 / np.sqrt(D_IN))
    b1 = jnp.zeros((D_H,), dtype=jnp.float32)
    W2 = jax.random.normal(k4, (D_H, D_OUT), dtype=jnp.float32) * (1.0 / np.sqrt(D_H))
    b2 = jnp.zeros((D_OUT,), dtype=jnp.float32)
    return {"x": x, "edge_index": edge_index, "W1": W1, "b1": b1, "W2": W2, "b2": b2}


def gcn_conv(x, edge_index, W, b):
    # Faithful GCNConv: x' = D^{-1/2} (A + I) D^{-1/2} (x W) + b
    n = x.shape[0]
    h = x @ W
    loop = jnp.arange(n, dtype=edge_index.dtype)
    src = jnp.concatenate([edge_index[0], loop])
    dst = jnp.concatenate([edge_index[1], loop])
    deg = jnp.zeros((n,), dtype=h.dtype).at[dst].add(1.0)
    deg_inv_sqrt = jnp.where(deg > 0, deg ** -0.5, 0.0)
    norm = deg_inv_sqrt[src] * deg_inv_sqrt[dst]
    msgs = norm[:, None] * jnp.take(h, src, axis=0)
    out = jnp.zeros((n, W.shape[1]), dtype=h.dtype).at[dst].add(msgs)
    return out + b


def reference(x, edge_index, W1, b1, W2, b2):
    h = gcn_conv(x, edge_index, W1, b1)
    h = jax.nn.relu(h)
    # dropout in eval mode -> identity (deterministic reference)
    out = gcn_conv(h, edge_index, W2, b2)
    return out

if __name__ == "__main__":
    import jax
    _d = setup_inputs()
    print(jax.jit(kernel)(*tuple(_d.values())))

</pallas_src>

<mosaic_0001>
#map = affine_map<(d0, d1) -> (0, 0, 0)>
#map1 = affine_map<(d0, d1) -> (0, 0)>
module attributes {stable_mosaic.version = 14 : i64} {
  func.func @_sc_agg_body(%arg0: i32, %arg1: i32, %arg2: memref<2x10240x64xf32, #tpu.memory_space<hbm>>, %arg3: memref<2x5120x128xi32, #tpu.memory_space<hbm>>, %arg4: memref<640x64xf32, #tpu.memory_space<hbm>>, %arg5: memref<2x10240x64xf32, #tpu.memory_space<hbm>>, %arg6: memref<2x16x128xi32, #tpu.memory_space<vmem>>, %arg7: memref<2x16x128xi32, #tpu.memory_space<vmem>>, %arg8: memref<128x64xf32, #tpu.memory_space<vmem>>, %arg9: memref<128x64xf32, #tpu.memory_space<vmem>>, %arg10: memref<128x64xf32, #tpu.memory_space<vmem>>, %arg11: memref<128x64xf32, #tpu.memory_space<vmem>>, %arg12: memref<!tpu.dma_semaphore, #tpu.memory_space<semaphore_mem>>, %arg13: memref<!tpu.dma_semaphore, #tpu.memory_space<semaphore_mem>>, %arg14: memref<!tpu.dma_semaphore, #tpu.memory_space<semaphore_mem>>, %arg15: memref<!tpu.dma_semaphore, #tpu.memory_space<semaphore_mem>>, %arg16: memref<!tpu.dma_semaphore, #tpu.memory_space<semaphore_mem>>, %arg17: memref<!tpu.dma_semaphore, #tpu.memory_space<semaphore_mem>>, %arg18: memref<!tpu.dma_semaphore, #tpu.memory_space<semaphore_mem>>, %arg19: memref<!tpu.dma_semaphore, #tpu.memory_space<semaphore_mem>>, %arg20: memref<10240x64xf32, #tpu.memory_space<vmem_shared>>, %arg21: memref<10240x64xf32, #tpu.memory_space<vmem_shared>>) attributes {dimension_semantics = [#tpu.dimension_semantics<core_parallel>, #tpu.dimension_semantics<subcore_parallel>], iteration_bounds = array<i64: 2, 16>, scalar_prefetch = 0 : i64, scratch_operands = 16 : i64, tpu.core_type = #tpu.core_type<sc_vector_subcore>, window_params = [{transform_indices = #map}, {transform_indices = #map}, {transform_indices = #map1}, {transform_indices = #map}]} {
    %mul3A = arith.constant 640 : i32
    %mul3A_0 = arith.muli %arg1, %mul3A : i32
    "tpu.region"() ({
      %run_scoped3A_498 = tpu.sem_alloc : memref<!tpu.dma_semaphore, #tpu.memory_space<semaphore_mem>>
      %dma_start3A_499 = arith.constant 0 : i32
      %dma_start3A_500 = tpu.memref_slice %arg20[%mul3A_0, %dma_start3A_499] : memref<10240x64xf32, #tpu.memory_space<vmem_shared>> -> memref<640x64xf32, #tpu.memory_space<vmem_shared>>
      tpu.enqueue_dma source(%arg4 : memref<640x64xf32, #tpu.memory_space<hbm>>) target(%dma_start3A_500 : memref<640x64xf32, #tpu.memory_space<vmem_shared>>) target_semaphore(%run_scoped3A_498 : memref<!tpu.dma_semaphore, #tpu.memory_space<semaphore_mem>>)
      %dma_wait3A_501 = arith.constant 0 : i32
      %dma_wait3A_502 = tpu.memref_slice %arg20[%mul3A_0, %dma_wait3A_501] : memref<10240x64xf32, #tpu.memory_space<vmem_shared>> -> memref<640x64xf32, #tpu.memory_space<vmem_shared>>
      tpu.wait_dma2 semaphore(%run_scoped3A_498 : memref<!tpu.dma_semaphore, #tpu.memory_space<semaphore_mem>>) src(%arg4 : memref<640x64xf32, #tpu.memory_space<hbm>>) dst(%dma_wait3A_502 : memref<640x64xf32, #tpu.memory_space<vmem_shared>>)
      tpu.yield
    }) : () -> ()
    %mul3A_1 = arith.constant 640 : i32
    %mul3A_2 = arith.muli %arg1, %mul3A_1 : i32
    %mul3A_3 = arith.constant 640 : i32
    %mul3A_4 = arith.muli %arg1, %mul3A_3 : i32
    "tpu.region"() ({
      %run_scoped3A_498 = tpu.sem_alloc : memref<!tpu.dma_semaphore, #tpu.memory_space<semaphore_mem>>
      %dma_start3A_499 = arith.constant 0 : i32
      %dma_start3A_500 = tpu.memref_slice %arg21[%mul3A_4, %dma_start3A_499] : memref<10240x64xf32, #tpu.memory_space<vmem_shared>> -> memref<640x64xf32, #tpu.memory_space<vmem_shared>>
      %dma_start3A_501 = arith.constant 0 : i32
      %dma_start3A_502 = tpu.memref_slice %arg2[%arg0, %mul3A_2, %dma_start3A_501] : memref<2x10240x64xf32, #tpu.memory_space<hbm>> -> memref<1x640x64xf32, #tpu.memory_space<hbm>>
      %dma_start3A_503 = tpu.memref_squeeze %dma_start3A_502 : memref<1x640x64xf32, #tpu.memory_space<hbm>> -> memref<640x64xf32, #tpu.memory_space<hbm>>
      tpu.enqueue_dma source(%dma_start3A_503 : memref<640x64xf32, #tpu.memory_space<hbm>>) target(%dma_start3A_500 : memref<640x64xf32, #tpu.memory_space<vmem_shared>>) target_semaphore(%run_scoped3A_498 : memref<!tpu.dma_semaphore, #tpu.memory_space<semaphore_mem>>)
      %dma_wait3A_504 = arith.constant 0 : i32
      %dma_wait3A_505 = tpu.memref_slice %arg21[%mul3A_4, %dma_wait3A_504] : memref<10240x64xf32, #tpu.memory_space<vmem_shared>> -> memref<640x64xf32, #tpu.memory_space<vmem_shared>>
      %dma_wait3A_506 = arith.constant 0 : i32
      %dma_wait3A_507 = tpu.memref_slice %arg2[%arg0, %mul3A_2, %dma_wait3A_506] : memref<2x10240x64xf32, #tpu.memory_space<hbm>> -> memref<1x640x64xf32, #tpu.memory_space<hbm>>
      %dma_wait3A_508 = tpu.memref_squeeze %dma_wait3A_507 : memref<1x640x64xf32, #tpu.memory_space<hbm>> -> memref<640x64xf32, #tpu.memory_space<hbm>>
      tpu.wait_dma2 semaphore(%run_scoped3A_498 : memref<!tpu.dma_semaphore, #tpu.memory_space<semaphore_mem>>) src(%dma_wait3A_508 : memref<640x64xf32, #tpu.memory_space<hbm>>) dst(%dma_wait3A_505 : memref<640x64xf32, #tpu.memory_space<vmem_shared>>)
      tpu.yield
    }) : () -> ()
    %barrier3A = arith.constant 0 : index
    tpu.barrier barrier_id(%barrier3A)
    %mul3A_5 = arith.constant 320 : i32
    %mul3A_6 = arith.muli %arg1, %mul3A_5 : i32
    %add3A = arith.constant 0 : i32
    %add3A_7 = arith.addi %mul3A_6, %add3A : i32
    %run_scoped3A = arith.constant 0 : i32
    %run_scoped3A_8 = arith.constant 0 : i32
    "tpu.region"() ({
      %run_scoped3A_498 = tpu.sem_alloc : memref<!tpu.dma_semaphore, #tpu.memory_space<semaphore_mem>>
      %dma_start3A_499 = arith.constant 0 : i32
      %dma_start3A_500 = arith.constant 0 : i32
      %dma_start3A_501 = tpu.memref_slice %arg6[%run_scoped3A_8, %dma_start3A_499, %dma_start3A_500] : memref<2x16x128xi32, #tpu.memory_space<vmem>> -> memref<1x16x128xi32, #tpu.memory_space<vmem>>
      %dma_start3A_502 = tpu.memref_squeeze %dma_start3A_501 : memref<1x16x128xi32, #tpu.memory_space<vmem>> -> memref<16x128xi32, #tpu.memory_space<vmem>>
      %dma_start3A_503 = arith.constant 0 : i32
      %dma_start3A_504 = tpu.memref_slice %arg3[%run_scoped3A, %add3A_7, %dma_start3A_503] : memref<2x5120x128xi32, #tpu.memory_space<hbm>> -> memref<1x16x128xi32, #tpu.memory_space<hbm>>
      %dma_start3A_505 = tpu.memref_squeeze %dma_start3A_504 : memref<1x16x128xi32, #tpu.memory_space<hbm>> -> memref<16x128xi32, #tpu.memory_space<hbm>>
      %dma_start3A_506 = arith.constant 0 : i32
      %dma_start3A_507 = arith.constant 0 : i32
      %dma_start3A_508 = tpu.memref_slice %arg6[%run_scoped3A_8, %dma_start3A_506, %dma_start3A_507] : memref<2x16x128xi32, #tpu.memory_space<vmem>> -> memref<1x16x128xi32, #tpu.memory_space<vmem>>
      %dma_start3A_509 = tpu.memref_squeeze %dma_start3A_508 : memref<1x16x128xi32, #tpu.memory_space<vmem>> -> memref<16x128xi32, #tpu.memory_space<vmem>>
      %dma_start3A_510 = arith.constant 0 : i32
      %dma_start3A_511 = tpu.memref_slice %arg3[%run_scoped3A, %add3A_7, %dma_start3A_510] : memref<2x5120x128xi32, #tpu.memory_space<hbm>> -> memref<1x16x128xi32, #tpu.memory_space<hbm>>
      %dma_start3A_512 = tpu.memref_squeeze %dma_start3A_511 : memref<1x16x128xi32, #tpu.memory_space<hbm>> -> memref<16x128xi32, #tpu.memory_space<hbm>>
      tpu.enqueue_dma source(%dma_start3A_512 : memref<16x128xi32, #tpu.memory_space<hbm>>) target(%dma_start3A_509 : memref<16x128xi32, #tpu.memory_space<vmem>>) target_semaphore(%run_scoped3A_498 : memref<!tpu.dma_semaphore, #tpu.memory_space<semaphore_mem>>)
      %dma_wait3A_513 = arith.constant 0 : i32
      %dma_wait3A_514 = arith.constant 0 : i32
      %dma_wait3A_515 = tpu.memref_slice %arg6[%run_scoped3A_8, %dma_wait3A_513, %dma_wait3A_514] : memref<2x16x128xi32, #tpu.memory_space<vmem>> -> memref<1x16x128xi32, #tpu.memory_space<vmem>>
      %dma_wait3A_516 = tpu.memref_squeeze %dma_wait3A_515 : memref<1x16x128xi32, #tpu.memory_space<vmem>> -> memref<16x128xi32, #tpu.memory_space<vmem>>
      %dma_wait3A_517 = arith.constant 0 : i32
      %dma_wait3A_518 = tpu.memref_slice %arg3[%run_scoped3A, %add3A_7, %dma_wait3A_517] : memref<2x5120x128xi32, #tpu.memory_space<hbm>> -> memref<1x16x128xi32, #tpu.memory_space<hbm>>
      %dma_wait3A_519 = tpu.memref_squeeze %dma_wait3A_518 : memref<1x16x128xi32, #tpu.memory_space<hbm>> -> memref<16x128xi32, #tpu.memory_space<hbm>>
      %dma_wait3A_520 = arith.constant 0 : i32
      %dma_wait3A_521 = arith.constant 0 : i32
      %dma_wait3A_522 = tpu.memref_slice %arg6[%run_scoped3A_8, %dma_wait3A_520, %dma_wait3A_521] : memref<2x16x128xi32, #tpu.memory_space<vmem>> -> memref<1x16x128xi32, #tpu.memory_space<vmem>>
      %dma_wait3A_523 = tpu.memref_squeeze %dma_wait3A_522 : memref<1x16x128xi32, #tpu.memory_space<vmem>> -> memref<16x128xi32, #tpu.memory_space<vmem>>
      %dma_wait3A_524 = arith.constant 0 : i32
      %dma_wait3A_525 = tpu.memref_slice %arg3[%run_scoped3A, %add3A_7, %dma_wait3A_524] : memref<2x5120x128xi32, #tpu.memory_space<hbm>> -> memref<1x16x128xi32, #tpu.memory_space<hbm>>
      %dma_wait3A_526 = tpu.memref_squeeze %dma_wait3A_525 : memref<1x16x128xi32, #tpu.memory_space<hbm>> -> memref<16x128xi32, #tpu.memory_space<hbm>>
      tpu.wait_dma2 semaphore(%run_scoped3A_498 : memref<!tpu.dma_semaphore, #tpu.memory_space<semaphore_mem>>) src(%dma_wait3A_526 : memref<16x128xi32, #tpu.memory_space<hbm>>) dst(%dma_wait3A_523 : memref<16x128xi32, #tpu.memory_space<vmem>>)
      tpu.yield
    }) : () -> ()
    %run_scoped3A_9 = arith.constant 1 : i32
    %run_scoped3A_10 = arith.constant 0 : i32
    "tpu.region"() ({
      %run_scoped3A_498 = tpu.sem_alloc : memref<!tpu.dma_semaphore, #tpu.memory_space<semaphore_mem>>
      %dma_start3A_499 = arith.constant 0 : i32
      %dma_start3A_500 = arith.constant 0 : i32
      %dma_start3A_501 = tpu.memref_slice %arg7[%run_scoped3A_10, %dma_start3A_499, %dma_start3A_500] : memref<2x16x128xi32, #tpu.memory_space<vmem>> -> memref<1x16x128xi32, #tpu.memory_space<vmem>>
      %dma_start3A_502 = tpu.memref_squeeze %dma_start3A_501 : memref<1x16x128xi32, #tpu.memory_space<vmem>> -> memref<16x128xi32, #tpu.memory_space<vmem>>
      %dma_start3A_503 = arith.constant 0 : i32
      %dma_start3A_504 = tpu.memref_slice %arg3[%run_scoped3A_9, %add3A_7, %dma_start3A_503] : memref<2x5120x128xi32, #tpu.memory_space<hbm>> -> memref<1x16x128xi32, #tpu.memory_space<hbm>>
      %dma_start3A_505 = tpu.memref_squeeze %dma_start3A_504 : memref<1x16x128xi32, #tpu.memory_space<hbm>> -> memref<16x128xi32, #tpu.memory_space<hbm>>
      %dma_start3A_506 = arith.constant 0 : i32
      %dma_start3A_507 = arith.constant 0 : i32
      %dma_start3A_508 = tpu.memref_slice %arg7[%run_scoped3A_10, %dma_start3A_506, %dma_start3A_507] : memref<2x16x128xi32, #tpu.memory_space<vmem>> -> memref<1x16x128xi32, #tpu.memory_space<vmem>>
      %dma_start3A_509 = tpu.memref_squeeze %dma_start3A_508 : memref<1x16x128xi32, #tpu.memory_space<vmem>> -> memref<16x128xi32, #tpu.memory_space<vmem>>
      %dma_start3A_510 = arith.constant 0 : i32
      %dma_start3A_511 = tpu.memref_slice %arg3[%run_scoped3A_9, %add3A_7, %dma_start3A_510] : memref<2x5120x128xi32, #tpu.memory_space<hbm>> -> memref<1x16x128xi32, #tpu.memory_space<hbm>>
      %dma_start3A_512 = tpu.memref_squeeze %dma_start3A_511 : memref<1x16x128xi32, #tpu.memory_space<hbm>> -> memref<16x128xi32, #tpu.memory_space<hbm>>
      tpu.enqueue_dma source(%dma_start3A_512 : memref<16x128xi32, #tpu.memory_space<hbm>>) target(%dma_start3A_509 : memref<16x128xi32, #tpu.memory_space<vmem>>) target_semaphore(%run_scoped3A_498 : memref<!tpu.dma_semaphore, #tpu.memory_space<semaphore_mem>>)
      %dma_wait3A_513 = arith.constant 0 : i32
      %dma_wait3A_514 = arith.constant 0 : i32
      %dma_wait3A_515 = tpu.memref_slice %arg7[%run_scoped3A_10, %dma_wait3A_513, %dma_wait3A_514] : memref<2x16x128xi32, #tpu.memory_space<vmem>> -> memref<1x16x128xi32, #tpu.memory_space<vmem>>
      %dma_wait3A_516 = tpu.memref_squeeze %dma_wait3A_515 : memref<1x16x128xi32, #tpu.memory_space<vmem>> -> memref<16x128xi32, #tpu.memory_space<vmem>>
      %dma_wait3A_517 = arith.constant 0 : i32
      %dma_wait3A_518 = tpu.memref_slice %arg3[%run_scoped3A_9, %add3A_7, %dma_wait3A_517] : memref<2x5120x128xi32, #tpu.memory_space<hbm>> -> memref<1x16x128xi32, #tpu.memory_space<hbm>>
      %dma_wait3A_519 = tpu.memref_squeeze %dma_wait3A_518 : memref<1x16x128xi32, #tpu.memory_space<hbm>> -> memref<16x128xi32, #tpu.memory_space<hbm>>
      %dma_wait3A_520 = arith.constant 0 : i32
      %dma_wait3A_521 = arith.constant 0 : i32
      %dma_wait3A_522 = tpu.memref_slice %arg7[%run_scoped3A_10, %dma_wait3A_520, %dma_wait3A_521] : memref<2x16x128xi32, #tpu.memory_space<vmem>> -> memref<1x16x128xi32, #tpu.memory_space<vmem>>
      %dma_wait3A_523 = tpu.memref_squeeze %dma_wait3A_522 : memref<1x16x128xi32, #tpu.memory_space<vmem>> -> memref<16x128xi32, #tpu.memory_space<vmem>>
      %dma_wait3A_524 = arith.constant 0 : i32
      %dma_wait3A_525 = tpu.memref_slice %arg3[%run_scoped3A_9, %add3A_7, %dma_wait3A_524] : memref<2x5120x128xi32, #tpu.memory_space<hbm>> -> memref<1x16x128xi32, #tpu.memory_space<hbm>>
      %dma_wait3A_526 = tpu.memref_squeeze %dma_wait3A_525 : memref<1x16x128xi32, #tpu.memory_space<hbm>> -> memref<16x128xi32, #tpu.memory_space<hbm>>
      tpu.wait_dma2 semaphore(%run_scoped3A_498 : memref<!tpu.dma_semaphore, #tpu.memory_space<semaphore_mem>>) src(%dma_wait3A_526 : memref<16x128xi32, #tpu.memory_space<hbm>>) dst(%dma_wait3A_523 : memref<16x128xi32, #tpu.memory_space<vmem>>)
      tpu.yield
    }) : () -> ()
    %dma_start3A = arith.constant 0 : i32
    %dma_start3A_11 = arith.constant 0 : i32
    %dma_start3A_12 = arith.constant 0 : i32
    %dma_start3A_13 = tpu.memref_slice %arg6[%dma_start3A, %dma_start3A_11, %dma_start3A_12] : memref<2x16x128xi32, #tpu.memory_space<vmem>> -> memref<1x1x128xi32, #tpu.memory_space<vmem>>
    %dma_start3A_14 = tpu.memref_squeeze %dma_start3A_13 : memref<1x1x128xi32, #tpu.memory_space<vmem>> -> memref<128xi32, #tpu.memory_space<vmem>>
    %dma_start3A_15 = arith.constant 0 : i32
    %dma_start3A_16 = arith.constant 0 : i32
    %dma_start3A_17 = tpu.memref_slice %arg21[%dma_start3A_15, %dma_start3A_16] : memref<10240x64xf32, #tpu.memory_space<vmem_shared>> -> memref<10240x64xf32, #tpu.memory_space<vmem_shared>>
    tpu.enqueue_indirect_dma source(%dma_start3A_17 : memref<10240x64xf32, #tpu.memory_space<vmem_shared>>) target(%arg8 : memref<128x64xf32, #tpu.memory_space<vmem>>) offsets(%dma_start3A_14 : memref<128xi32, #tpu.memory_space<vmem>>) semaphore(%arg12 : memref<!tpu.dma_semaphore, #tpu.memory_space<semaphore_mem>>)
    %dma_start3A_18 = arith.constant 0 : i32
    %dma_start3A_19 = arith.constant 1 : i32
    %dma_start3A_20 = arith.constant 0 : i32
    %dma_start3A_21 = tpu.memref_slice %arg6[%dma_start3A_18, %dma_start3A_19, %dma_start3A_20] : memref<2x16x128xi32, #tpu.memory_space<vmem>> -> memref<1x1x128xi32, #tpu.memory_space<vmem>>
    %dma_start3A_22 = tpu.memref_squeeze %dma_start3A_21 : memref<1x1x128xi32, #tpu.memory_space<vmem>> -> memref<128xi32, #tpu.memory_space<vmem>>
    %dma_start3A_23 = arith.constant 0 : i32
    %dma_start3A_24 = arith.constant 0 : i32
    %dma_start3A_25 = tpu.memref_slice %arg21[%dma_start3A_23, %dma_start3A_24] : memref<10240x64xf32, #tpu.memory_space<vmem_shared>> -> memref<10240x64xf32, #tpu.memory_space<vmem_shared>>
    tpu.enqueue_indirect_dma source(%dma_start3A_25 : memref<10240x64xf32, #tpu.memory_space<vmem_shared>>) target(%arg9 : memref<128x64xf32, #tpu.memory_space<vmem>>) offsets(%dma_start3A_22 : memref<128xi32, #tpu.memory_space<vmem>>) semaphore(%arg13 : memref<!tpu.dma_semaphore, #tpu.memory_space<semaphore_mem>>)
    %dma_start3A_26 = arith.constant 0 : i32
    %dma_start3A_27 = arith.constant 2 : i32
    %dma_start3A_28 = arith.constant 0 : i32
    %dma_start3A_29 = tpu.memref_slice %arg6[%dma_start3A_26, %dma_start3A_27, %dma_start3A_28] : memref<2x16x128xi32, #tpu.memory_space<vmem>> -> memref<1x1x128xi32, #tpu.memory_space<vmem>>
    %dma_start3A_30 = tpu.memref_squeeze %dma_start3A_29 : memref<1x1x128xi32, #tpu.memory_space<vmem>> -> memref<128xi32, #tpu.memory_space<vmem>>
    %dma_start3A_31 = arith.constant 0 : i32
    %dma_start3A_32 = arith.constant 0 : i32
    %dma_start3A_33 = tpu.memref_slice %arg21[%dma_start3A_31, %dma_start3A_32] : memref<10240x64xf32, #tpu.memory_space<vmem_shared>> -> memref<10240x64xf32, #tpu.memory_space<vmem_shared>>
    tpu.enqueue_indirect_dma source(%dma_start3A_33 : memref<10240x64xf32, #tpu.memory_space<vmem_shared>>) target(%arg10 : memref<128x64xf32, #tpu.memory_space<vmem>>) offsets(%dma_start3A_30 : memref<128xi32, #tpu.memory_space<vmem>>) semaphore(%arg14 : memref<!tpu.dma_semaphore, #tpu.memory_space<semaphore_mem>>)
    %dma_start3A_34 = arith.constant 0 : i32
    %dma_start3A_35 = arith.constant 3 : i32
    %dma_start3A_36 = arith.constant 0 : i32
    %dma_start3A_37 = tpu.memref_slice %arg6[%dma_start3A_34, %dma_start3A_35, %dma_start3A_36] : memref<2x16x128xi32, #tpu.memory_space<vmem>> -> memref<1x1x128xi32, #tpu.memory_space<vmem>>
    %dma_start3A_38 = tpu.memref_squeeze %dma_start3A_37 : memref<1x1x128xi32, #tpu.memory_space<vmem>> -> memref<128xi32, #tpu.memory_space<vmem>>
    %dma_start3A_39 = arith.constant 0 : i32
    %dma_start3A_40 = arith.constant 0 : i32
    %dma_start3A_41 = tpu.memref_slice %arg21[%dma_start3A_39, %dma_start3A_40] : memref<10240x64xf32, #tpu.memory_space<vmem_shared>> -> memref<10240x64xf32, #tpu.memory_space<vmem_shared>>
    tpu.enqueue_indirect_dma source(%dma_start3A_41 : memref<10240x64xf32, #tpu.memory_space<vmem_shared>>) target(%arg11 : memref<128x64xf32, #tpu.memory_space<vmem>>) offsets(%dma_start3A_38 : memref<128xi32, #tpu.memory_space<vmem>>) semaphore(%arg15 : memref<!tpu.dma_semaphore, #tpu.memory_space<semaphore_mem>>)
    %dma_wait3A = arith.constant 0 : i32
    %dma_wait3A_42 = arith.constant 0 : i32
    %dma_wait3A_43 = tpu.memref_slice %arg2[%arg0, %dma_wait3A, %dma_wait3A_42] : memref<2x10240x64xf32, #tpu.memory_space<hbm>> -> memref<1x128x64xf32, #tpu.memory_space<hbm>>
    %dma_wait3A_44 = tpu.memref_squeeze %dma_wait3A_43 : memref<1x128x64xf32, #tpu.memory_space<hbm>> -> memref<128x64xf32, #tpu.memory_space<hbm>>
    %dma_wait3A_45 = arith.constant 0 : i32
    %dma_wait3A_46 = arith.constant 0 : i32
    %dma_wait3A_47 = tpu.memref_slice %arg2[%arg0, %dma_wait3A_45, %dma_wait3A_46] : memref<2x10240x64xf32, #tpu.memory_space<hbm>> -> memref<1x128x64xf32, #tpu.memory_space<hbm>>
    %dma_wait3A_48 = tpu.memref_squeeze %dma_wait3A_47 : memref<1x128x64xf32, #tpu.memory_space<hbm>> -> memref<128x64xf32, #tpu.memory_space<hbm>>
    tpu.wait_dma2 semaphore(%arg12 : memref<!tpu.dma_semaphore, #tpu.memory_space<semaphore_mem>>) src(%dma_wait3A_48 : memref<128x64xf32, #tpu.memory_space<hbm>>) dst(%arg8 : memref<128x64xf32, #tpu.memory_space<vmem>>)
    %dma_start3A_49 = arith.constant 0 : i32
    %dma_start3A_50 = arith.constant 0 : i32
    %dma_start3A_51 = arith.constant 0 : i32
    %dma_start3A_52 = tpu.memref_slice %arg7[%dma_start3A_49, %dma_start3A_50, %dma_start3A_51] : memref<2x16x128xi32, #tpu.memory_space<vmem>> -> memref<1x1x128xi32, #tpu.memory_space<vmem>>
    %dma_start3A_53 = tpu.memref_squeeze %dma_start3A_52 : memref<1x1x128xi32, #tpu.memory_space<vmem>> -> memref<128xi32, #tpu.memory_space<vmem>>
    %dma_start3A_54 = arith.constant 0 : i32
    %dma_start3A_55 = arith.constant 0 : i32
    %dma_start3A_56 = tpu.memref_slice %arg20[%dma_start3A_54, %dma_start3A_55] : memref<10240x64xf32, #tpu.memory_space<vmem_shared>> -> memref<10240x64xf32, #tpu.memory_space<vmem_shared>>
    tpu.enqueue_indirect_dma source(%arg8 : memref<128x64xf32, #tpu.memory_space<vmem>>) target(%dma_start3A_56 : memref<10240x64xf32, #tpu.memory_space<vmem_shared>>) offsets(%dma_start3A_53 : memref<128xi32, #tpu.memory_space<vmem>>) semaphore(%arg16 : memref<!tpu.dma_semaphore, #tpu.memory_space<semaphore_mem>>) {add = true}
    %dma_wait3A_57 = arith.constant 0 : i32
    %dma_wait3A_58 = arith.constant 0 : i32
    %dma_wait3A_59 = tpu.memref_slice %arg20[%dma_wait3A_57, %dma_wait3A_58] : memref<10240x64xf32, #tpu.memory_space<vmem_shared>> -> memref<128x64xf32, #tpu.memory_space<vmem_shared>>
    %dma_wait3A_60 = arith.constant 0 : i32
    %dma_wait3A_61 = arith.constant 0 : i32
    %dma_wait3A_62 = tpu.memref_slice %arg20[%dma_wait3A_60, %dma_wait3A_61] : memref<10240x64xf32, #tpu.memory_space<vmem_shared>> -> memref<128x64xf32, #tpu.memory_space<vmem_shared>>
    tpu.wait_dma2 semaphore(%arg16 : memref<!tpu.dma_semaphore, #tpu.memory_space<semaphore_mem>>) src(%arg8 : memref<128x64xf32, #tpu.memory_space<vmem>>) dst(%dma_wait3A_62 : memref<128x64xf32, #tpu.memory_space<vmem_shared>>)
    %dma_start3A_63 = arith.constant 0 : i32
    %dma_start3A_64 = arith.constant 4 : i32
    %dma_start3A_65 = arith.constant 0 : i32
    %dma_start3A_66 = tpu.memref_slice %arg6[%dma_start3A_63, %dma_start3A_64, %dma_start3A_65] : memref<2x16x128xi32, #tpu.memory_space<vmem>> -> memref<1x1x128xi32, #tpu.memory_space<vmem>>
    %dma_start3A_67 = tpu.memref_squeeze %dma_start3A_66 : memref<1x1x128xi32, #tpu.memory_space<vmem>> -> memref<128xi32, #tpu.memory_space<vmem>>
    %dma_start3A_68 = arith.constant 0 : i32
    %dma_start3A_69 = arith.constant 0 : i32
    %dma_start3A_70 = tpu.memref_slice %arg21[%dma_start3A_68, %dma_start3A_69] : memref<10240x64xf32, #tpu.memory_space<vmem_shared>> -> memref<10240x64xf32, #tpu.memory_space<vmem_shared>>
    tpu.enqueue_indirect_dma source(%dma_start3A_70 : memref<10240x64xf32, #tpu.memory_space<vmem_shared>>) target(%arg8 : memref<128x64xf32, #tpu.memory_space<vmem>>) offsets(%dma_start3A_67 : memref<128xi32, #tpu.memory_space<vmem>>) semaphore(%arg12 : memref<!tpu.dma_semaphore, #tpu.memory_space<semaphore_mem>>)
    %dma_wait3A_71 = arith.constant 0 : i32
    %dma_wait3A_72 = arith.constant 0 : i32
    %dma_wait3A_73 = tpu.memref_slice %arg2[%arg0, %dma_wait3A_71, %dma_wait3A_72] : memref<2x10240x64xf32, #tpu.memory_space<hbm>> -> memref<1x128x64xf32, #tpu.memory_space<hbm>>
    %dma_wait3A_74 = tpu.memref_squeeze %dma_wait3A_73 : memref<1x128x64xf32, #tpu.memory_space<hbm>> -> memref<128x64xf32, #tpu.memory_space<hbm>>
    %dma_wait3A_75 = arith.constant 0 : i32
    %dma_wait3A_76 = arith.constant 0 : i32
    %dma_wait3A_77 = tpu.memref_slice %arg2[%arg0, %dma_wait3A_75, %dma_wait3A_76] : memref<2x10240x64xf32, #tpu.memory_space<hbm>> -> memref<1x128x64xf32, #tpu.memory_space<hbm>>
    %dma_wait3A_78 = tpu.memref_squeeze %dma_wait3A_77 : memref<1x128x64xf32, #tpu.memory_space<hbm>> -> memref<128x64xf32, #tpu.memory_space<hbm>>
    tpu.wait_dma2 semaphore(%arg13 : memref<!tpu.dma_semaphore, #tpu.memory_space<semaphore_mem>>) src(%dma_wait3A_78 : memref<128x64xf32, #tpu.memory_space<hbm>>) dst(%arg9 : memref<128x64xf32, #tpu.memory_space<vmem>>)
    %dma_start3A_79 = arith.constant 0 : i32
    %dma_start3A_80 = arith.constant 1 : i32
    %dma_start3A_81 = arith.constant 0 : i32
    %dma_start3A_82 = tpu.memref_slice %arg7[%dma_start3A_79, %dma_start3A_80, %dma_start3A_81] : memref<2x16x128xi32, #tpu.memory_space<vmem>> -> memref<1x1x128xi32, #tpu.memory_space<vmem>>
    %dma_start3A_83 = tpu.memref_squeeze %dma_start3A_82 : memref<1x1x128xi32, #tpu.memory_space<vmem>> -> memref<128xi32, #tpu.memory_space<vmem>>
    %dma_start3A_84 = arith.constant 0 : i32
    %dma_start3A_85 = arith.constant 0 : i32
    %dma_start3A_86 = tpu.memref_slice %arg20[%dma_start3A_84, %dma_start3A_85] : memref<10240x64xf32, #tpu.memory_space<vmem_shared>> -> memref<10240x64xf32, #tpu.memory_space<vmem_shared>>
    tpu.enqueue_indirect_dma source(%arg9 : memref<128x64xf32, #tpu.memory_space<vmem>>) target(%dma_start3A_86 : memref<10240x64xf32, #tpu.memory_space<vmem_shared>>) offsets(%dma_start3A_83 : memref<128xi32, #tpu.memory_space<vmem>>) semaphore(%arg17 : memref<!tpu.dma_semaphore, #tpu.memory_space<semaphore_mem>>) {add = true}
    %dma_wait3A_87 = arith.constant 0 : i32
    %dma_wait3A_88 = arith.constant 0 : i32
    %dma_wait3A_89 = tpu.memref_slice %arg20[%dma_wait3A_87, %dma_wait3A_88] : memref<10240x64xf32, #tpu.memory_space<vmem_shared>> -> memref<128x64xf32, #tpu.memory_space<vmem_shared>>
    %dma_wait3A_90 = arith.constant 0 : i32
    %dma_wait3A_91 = arith.constant 0 : i32
    %dma_wait3A_92 = tpu.memref_slice %arg20[%dma_wait3A_90, %dma_wait3A_91] : memref<10240x64xf32, #tpu.memory_space<vmem_shared>> -> memref<128x64xf32, #tpu.memory_space<vmem_shared>>
    tpu.wait_dma2 semaphore(%arg17 : memref<!tpu.dma_semaphore, #tpu.memory_space<semaphore_mem>>) src(%arg9 : memref<128x64xf32, #tpu.memory_space<vmem>>) dst(%dma_wait3A_92 : memref<128x64xf32, #tpu.memory_space<vmem_shared>>)
    %dma_start3A_93 = arith.constant 0 : i32
    %dma_start3A_94 = arith.constant 5 : i32
    %dma_start3A_95 = arith.constant 0 : i32
    %dma_start3A_96 = tpu.memref_slice %arg6[%dma_start3A_93, %dma_start3A_94, %dma_start3A_95] : memref<2x16x128xi32, #tpu.memory_space<vmem>> -> memref<1x1x128xi32, #tpu.memory_space<vmem>>
    %dma_start3A_97 = tpu.memref_squeeze %dma_start3A_96 : memref<1x1x128xi32, #tpu.memory_space<vmem>> -> memref<128xi32, #tpu.memory_space<vmem>>
    %dma_start3A_98 = arith.constant 0 : i32
    %dma_start3A_99 = arith.constant 0 : i32
    %dma_start3A_100 = tpu.memref_slice %arg21[%dma_start3A_98, %dma_start3A_99] : memref<10240x64xf32, #tpu.memory_space<vmem_shared>> -> memref<10240x64xf32, #tpu.memory_space<vmem_shared>>
    tpu.enqueue_indirect_dma source(%dma_start3A_100 : memref<10240x64xf32, #tpu.memory_space<vmem_shared>>) target(%arg9 : memref<128x64xf32, #tpu.memory_space<vmem>>) offsets(%dma_start3A_97 : memref<128xi32, #tpu.memory_space<vmem>>) semaphore(%arg13 : memref<!tpu.dma_semaphore, #tpu.memory_space<semaphore_mem>>)
    %dma_wait3A_101 = arith.constant 0 : i32
    %dma_wait3A_102 = arith.constant 0 : i32
    %dma_wait3A_103 = tpu.memref_slice %arg2[%arg0, %dma_wait3A_101, %dma_wait3A_102] : memref<2x10240x64xf32, #tpu.memory_space<hbm>> -> memref<1x128x64xf32, #tpu.memory_space<hbm>>
    %dma_wait3A_104 = tpu.memref_squeeze %dma_wait3A_103 : memref<1x128x64xf32, #tpu.memory_space<hbm>> -> memref<128x64xf32, #tpu.memory_space<hbm>>
    %dma_wait3A_105 = arith.constant 0 : i32
    %dma_wait3A_106 = arith.constant 0 : i32
    %dma_wait3A_107 = tpu.memref_slice %arg2[%arg0, %dma_wait3A_105, %dma_wait3A_106] : memref<2x10240x64xf32, #tpu.memory_space<hbm>> -> memref<1x128x64xf32, #tpu.memory_space<hbm>>
    %dma_wait3A_108 = tpu.memref_squeeze %dma_wait3A_107 : memref<1x128x64xf32, #tpu.memory_space<hbm>> -> memref<128x64xf32, #tpu.memory_space<hbm>>
    tpu.wait_dma2 semaphore(%arg14 : memref<!tpu.dma_semaphore, #tpu.memory_space<semaphore_mem>>) src(%dma_wait3A_108 : memref<128x64xf32, #tpu.memory_space<hbm>>) dst(%arg10 : memref<128x64xf32, #tpu.memory_space<vmem>>)
    %dma_start3A_109 = arith.constant 0 : i32
    %dma_start3A_110 = arith.constant 2 : i32
    %dma_start3A_111 = arith.constant 0 : i32
    %dma_start3A_112 = tpu.memref_slice %arg7[%dma_start3A_109, %dma_start3A_110, %dma_start3A_111] : memref<2x16x128xi32, #tpu.memory_space<vmem>> -> memref<1x1x128xi32, #tpu.memory_space<vmem>>
    %dma_start3A_113 = tpu.memref_squeeze %dma_start3A_112 : memref<1x1x128xi32, #tpu.memory_space<vmem>> -> memref<128xi32, #tpu.memory_space<vmem>>
    %dma_start3A_114 = arith.constant 0 : i32
    %dma_start3A_115 = arith.constant 0 : i32
    %dma_start3A_116 = tpu.memref_slice %arg20[%dma_start3A_114, %dma_start3A_115] : memref<10240x64xf32, #tpu.memory_space<vmem_shared>> -> memref<10240x64xf32, #tpu.memory_space<vmem_shared>>
    tpu.enqueue_indirect_dma source(%arg10 : memref<128x64xf32, #tpu.memory_space<vmem>>) target(%dma_start3A_116 : memref<10240x64xf32, #tpu.memory_space<vmem_shared>>) offsets(%dma_start3A_113 : memref<128xi32, #tpu.memory_space<vmem>>) semaphore(%arg18 : memref<!tpu.dma_semaphore, #tpu.memory_space<semaphore_mem>>) {add = true}
    %dma_wait3A_117 = arith.constant 0 : i32
    %dma_wait3A_118 = arith.constant 0 : i32
    %dma_wait3A_119 = tpu.memref_slice %arg20[%dma_wait3A_117, %dma_wait3A_118] : memref<10240x64xf32, #tpu.memory_space<vmem_shared>> -> memref<128x64xf32, #tpu.memory_space<vmem_shared>>
    %dma_wait3A_120 = arith.constant 0 : i32
    %dma_wait3A_121 = arith.constant 0 : i32
    %dma_wait3A_122 = tpu.memref_slice %arg20[%dma_wait3A_120, %dma_wait3A_121] : memref<10240x64xf32, #tpu.memory_space<vmem_shared>> -> memref<128x64xf32, #tpu.memory_space<vmem_shared>>
    tpu.wait_dma2 semaphore(%arg18 : memref<!tpu.dma_semaphore, #tpu.memory_space<semaphore_mem>>) src(%arg10 : memref<128x64xf32, #tpu.memory_space<vmem>>) dst(%dma_wait3A_122 : memref<128x64xf32, #tpu.memory_space<vmem_shared>>)
    %dma_start3A_123 = arith.constant 0 : i32
    %dma_start3A_124 = arith.constant 6 : i32
    %dma_start3A_125 = arith.constant 0 : i32
    %dma_start3A_126 = tpu.memref_slice %arg6[%dma_start3A_123, %dma_start3A_124, %dma_start3A_125] : memref<2x16x128xi32, #tpu.memory_space<vmem>> -> memref<1x1x128xi32, #tpu.memory_space<vmem>>
    %dma_start3A_127 = tpu.memref_squeeze %dma_start3A_126 : memref<1x1x128xi32, #tpu.memory_space<vmem>> -> memref<128xi32, #tpu.memory_space<vmem>>
    %dma_start3A_128 = arith.constant 0 : i32
    %dma_start3A_129 = arith.constant 0 : i32
    %dma_start3A_130 = tpu.memref_slice %arg21[%dma_start3A_128, %dma_start3A_129] : memref<10240x64xf32, #tpu.memory_space<vmem_shared>> -> memref<10240x64xf32, #tpu.memory_space<vmem_shared>>
    tpu.enqueue_indirect_dma source(%dma_start3A_130 : memref<10240x64xf32, #tpu.memory_space<vmem_shared>>) target(%arg10 : memref<128x64xf32, #tpu.memory_space<vmem>>) offsets(%dma_start3A_127 : memref<128xi32, #tpu.memory_space<vmem>>) semaphore(%arg14 : memref<!tpu.dma_semaphore, #tpu.memory_space<semaphore_mem>>)
    %dma_wait3A_131 = arith.constant 0 : i32
    %dma_wait3A_132 = arith.constant 0 : i32
    %dma_wait3A_133 = tpu.memref_slice %arg2[%arg0, %dma_wait3A_131, %dma_wait3A_132] : memref<2x10240x64xf32, #tpu.memory_space<hbm>> -> memref<1x128x64xf32, #tpu.memory_space<hbm>>
    %dma_wait3A_134 = tpu.memref_squeeze %dma_wait3A_133 : memref<1x128x64xf32, #tpu.memory_space<hbm>> -> memref<128x64xf32, #tpu.memory_space<hbm>>
    %dma_wait3A_135 = arith.constant 0 : i32
    %dma_wait3A_136 = arith.constant 0 : i32
    %dma_wait3A_137 = tpu.memref_slice %arg2[%arg0, %dma_wait3A_135, %dma_wait3A_136] : memref<2x10240x64xf32, #tpu.memory_space<hbm>> -> memref<1x128x64xf32, #tpu.memory_space<hbm>>
    %dma_wait3A_138 = tpu.memref_squeeze %dma_wait3A_137 : memref<1x128x64xf32, #tpu.memory_space<hbm>> -> memref<128x64xf32, #tpu.memory_space<hbm>>
    tpu.wait_dma2 semaphore(%arg15 : memref<!tpu.dma_semaphore, #tpu.memory_space<semaphore_mem>>) src(%dma_wait3A_138 : memref<128x64xf32, #tpu.memory_space<hbm>>) dst(%arg11 : memref<128x64xf32, #tpu.memory_space<vmem>>)
    %dma_start3A_139 = arith.constant 0 : i32
    %dma_start3A_140 = arith.constant 3 : i32
    %dma_start3A_141 = arith.constant 0 : i32
    %dma_start3A_142 = tpu.memref_slice %arg7[%dma_start3A_139, %dma_start3A_140, %dma_start3A_141] : memref<2x16x128xi32, #tpu.memory_space<vmem>> -> memref<1x1x128xi32, #tpu.memory_space<vmem>>
    %dma_start3A_143 = tpu.memref_squeeze %dma_start3A_142 : memref<1x1x128xi32, #tpu.memory_space<vmem>> -> memref<128xi32, #tpu.memory_space<vmem>>
    %dma_start3A_144 = arith.constant 0 : i32
    %dma_start3A_145 = arith.constant 0 : i32
    %dma_start3A_146 = tpu.memref_slice %arg20[%dma_start3A_144, %dma_start3A_145] : memref<10240x64xf32, #tpu.memory_space<vmem_shared>> -> memref<10240x64xf32, #tpu.memory_space<vmem_shared>>
    tpu.enqueue_indirect_dma source(%arg11 : memref<128x64xf32, #tpu.memory_space<vmem>>) target(%dma_start3A_146 : memref<10240x64xf32, #tpu.memory_space<vmem_shared>>) offsets(%dma_start3A_143 : memref<128xi32, #tpu.memory_space<vmem>>) semaphore(%arg19 : memref<!tpu.dma_semaphore, #tpu.memory_space<semaphore_mem>>) {add = true}
    %dma_wait3A_147 = arith.constant 0 : i32
    %dma_wait3A_148 = arith.constant 0 : i32
    %dma_wait3A_149 = tpu.memref_slice %arg20[%dma_wait3A_147, %dma_wait3A_148] : memref<10240x64xf32, #tpu.memory_space<vmem_shared>> -> memref<128x64xf32, #tpu.memory_space<vmem_shared>>
    %dma_wait3A_150 = arith.constant 0 : i32
    %dma_wait3A_151 = arith.constant 0 : i32
    %dma_wait3A_152 = tpu.memref_slice %arg20[%dma_wait3A_150, %dma_wait3A_151] : memref<10240x64xf32, #tpu.memory_space<vmem_shared>> -> memref<128x64xf32, #tpu.memory_space<vmem_shared>>
    tpu.wait_dma2 semaphore(%arg19 : memref<!tpu.dma_semaphore, #tpu.memory_space<semaphore_mem>>) src(%arg11 : memref<128x64xf32, #tpu.memory_space<vmem>>) dst(%dma_wait3A_152 : memref<128x64xf32, #tpu.memory_space<vmem_shared>>)
    %dma_start3A_153 = arith.constant 0 : i32
    %dma_start3A_154 = arith.constant 7 : i32
    %dma_start3A_155 = arith.constant 0 : i32
    %dma_start3A_156 = tpu.memref_slice %arg6[%dma_start3A_153, %dma_start3A_154, %dma_start3A_155] : memref<2x16x128xi32, #tpu.memory_space<vmem>> -> memref<1x1x128xi32, #tpu.memory_space<vmem>>
    %dma_start3A_157 = tpu.memref_squeeze %dma_start3A_156 : memref<1x1x128xi32, #tpu.memory_space<vmem>> -> memref<128xi32, #tpu.memory_space<vmem>>
    %dma_start3A_158 = arith.constant 0 : i32
    %dma_start3A_159 = arith.constant 0 : i32
    %dma_start3A_160 = tpu.memref_slice %arg21[%dma_start3A_158, %dma_start3A_159] : memref<10240x64xf32, #tpu.memory_space<vmem_shared>> -> memref<10240x64xf32, #tpu.memory_space<vmem_shared>>
    tpu.enqueue_indirect_dma source(%dma_start3A_160 : memref<10240x64xf32, #tpu.memory_space<vmem_shared>>) target(%arg11 : memref<128x64xf32, #tpu.memory_space<vmem>>) offsets(%dma_start3A_157 : memref<128xi32, #tpu.memory_space<vmem>>) semaphore(%arg15 : memref<!tpu.dma_semaphore, #tpu.memory_space<semaphore_mem>>)
    %dma_wait3A_161 = arith.constant 0 : i32
    %dma_wait3A_162 = arith.constant 0 : i32
    %dma_wait3A_163 = tpu.memref_slice %arg2[%arg0, %dma_wait3A_161, %dma_wait3A_162] : memref<2x10240x64xf32, #tpu.memory_space<hbm>> -> memref<1x128x64xf32, #tpu.memory_space<hbm>>
    %dma_wait3A_164 = tpu.memref_squeeze %dma_wait3A_163 : memref<1x128x64xf32, #tpu.memory_space<hbm>> -> memref<128x64xf32, #tpu.memory_space<hbm>>
    %dma_wait3A_165 = arith.constant 0 : i32
    %dma_wait3A_166 = arith.constant 0 : i32
    %dma_wait3A_167 = tpu.memref_slice %arg2[%arg0, %dma_wait3A_165, %dma_wait3A_166] : memref<2x10240x64xf32, #tpu.memory_space<hbm>> -> memref<1x128x64xf32, #tpu.memory_space<hbm>>
    %dma_wait3A_168 = tpu.memref_squeeze %dma_wait3A_167 : memref<1x128x64xf32, #tpu.memory_space<hbm>> -> memref<128x64xf32, #tpu.memory_space<hbm>>
    tpu.wait_dma2 semaphore(%arg12 : memref<!tpu.dma_semaphore, #tpu.memory_space<semaphore_mem>>) src(%dma_wait3A_168 : memref<128x64xf32, #tpu.memory_space<hbm>>) dst(%arg8 : memref<128x64xf32, #tpu.memory_space<vmem>>)
    %dma_start3A_169 = arith.constant 0 : i32
    %dma_start3A_170 = arith.constant 4 : i32
    %dma_start3A_171 = arith.constant 0 : i32
    %dma_start3A_172 = tpu.memref_slice %arg7[%dma_start3A_169, %dma_start3A_170, %dma_start3A_171] : memref<2x16x128xi32, #tpu.memory_space<vmem>> -> memref<1x1x128xi32, #tpu.memory_space<vmem>>
    %dma_start3A_173 = tpu.memref_squeeze %dma_start3A_172 : memref<1x1x128xi32, #tpu.memory_space<vmem>> -> memref<128xi32, #tpu.memory_space<vmem>>
    %dma_start3A_174 = arith.constant 0 : i32
    %dma_start3A_175 = arith.constant 0 : i32
    %dma_start3A_176 = tpu.memref_slice %arg20[%dma_start3A_174, %dma_start3A_175] : memref<10240x64xf32, #tpu.memory_space<vmem_shared>> -> memref<10240x64xf32, #tpu.memory_space<vmem_shared>>
    tpu.enqueue_indirect_dma source(%arg8 : memref<128x64xf32, #tpu.memory_space<vmem>>) target(%dma_start3A_176 : memref<10240x64xf32, #tpu.memory_space<vmem_shared>>) offsets(%dma_start3A_173 : memref<128xi32, #tpu.memory_space<vmem>>) semaphore(%arg16 : memref<!tpu.dma_semaphore, #tpu.memory_space<semaphore_mem>>) {add = true}
    %dma_wait3A_177 = arith.constant 0 : i32
    %dma_wait3A_178 = arith.constant 0 : i32
    %dma_wait3A_179 = tpu.memref_slice %arg20[%dma_wait3A_177, %dma_wait3A_178] : memref<10240x64xf32, #tpu.memory_space<vmem_shared>> -> memref<128x64xf32, #tpu.memory_space<vmem_shared>>
    %dma_wait3A_180 = arith.constant 0 : i32
    %dma_wait3A_181 = arith.constant 0 : i32
    %dma_wait3A_182 = tpu.memref_slice %arg20[%dma_wait3A_180, %dma_wait3A_181] : memref<10240x64xf32, #tpu.memory_space<vmem_shared>> -> memref<128x64xf32, #tpu.memory_space<vmem_shared>>
    tpu.wait_dma2 semaphore(%arg16 : memref<!tpu.dma_semaphore, #tpu.memory_space<semaphore_mem>>) src(%arg8 : memref<128x64xf32, #tpu.memory_space<vmem>>) dst(%dma_wait3A_182 : memref<128x64xf32, #tpu.memory_space<vmem_shared>>)
    %dma_start3A_183 = arith.constant 0 : i32
    %dma_start3A_184 = arith.constant 8 : i32
    %dma_start3A_185 = arith.constant 0 : i32
    %dma_start3A_186 = tpu.memref_slice %arg6[%dma_start3A_183, %dma_start3A_184, %dma_start3A_185] : memref<2x16x128xi32, #tpu.memory_space<vmem>> -> memref<1x1x128xi32, #tpu.memory_space<vmem>>
    %dma_start3A_187 = tpu.memref_squeeze %dma_start3A_186 : memref<1x1x128xi32, #tpu.memory_space<vmem>> -> memref<128xi32, #tpu.memory_space<vmem>>
    %dma_start3A_188 = arith.constant 0 : i32
    %dma_start3A_189 = arith.constant 0 : i32
    %dma_start3A_190 = tpu.memref_slice %arg21[%dma_start3A_188, %dma_start3A_189] : memref<10240x64xf32, #tpu.memory_space<vmem_shared>> -> memref<10240x64xf32, #tpu.memory_space<vmem_shared>>
    tpu.enqueue_indirect_dma source(%dma_start3A_190 : memref<10240x64xf32, #tpu.memory_space<vmem_shared>>) target(%arg8 : memref<128x64xf32, #tpu.memory_space<vmem>>) offsets(%dma_start3A_187 : memref<128xi32, #tpu.memory_space<vmem>>) semaphore(%arg12 : memref<!tpu.dma_semaphore, #tpu.memory_space<semaphore_mem>>)
    %dma_wait3A_191 = arith.constant 0 : i32
    %dma_wait3A_192 = arith.constant 0 : i32
    %dma_wait3A_193 = tpu.memref_slice %arg2[%arg0, %dma_wait3A_191, %dma_wait3A_192] : memref<2x10240x64xf32, #tpu.memory_space<hbm>> -> memref<1x128x64xf32, #tpu.memory_space<hbm>>
    %dma_wait3A_194 = tpu.memref_squeeze %dma_wait3A_193 : memref<1x128x64xf32, #tpu.memory_space<hbm>> -> memref<128x64xf32, #tpu.memory_space<hbm>>
    %dma_wait3A_195 = arith.constant 0 : i32
    %dma_wait3A_196 = arith.constant 0 : i32
    %dma_wait3A_197 = tpu.memref_slice %arg2[%arg0, %dma_wait3A_195, %dma_wait3A_196] : memref<2x10240x64xf32, #tpu.memory_space<hbm>> -> memref<1x128x64xf32, #tpu.memory_space<hbm>>
    %dma_wait3A_198 = tpu.memref_squeeze %dma_wait3A_197 : memref<1x128x64xf32, #tpu.memory_space<hbm>> -> memref<128x64xf32, #tpu.memory_space<hbm>>
    tpu.wait_dma2 semaphore(%arg13 : memref<!tpu.dma_semaphore, #tpu.memory_space<semaphore_mem>>) src(%dma_wait3A_198 : memref<128x64xf32, #tpu.memory_space<hbm>>) dst(%arg9 : memref<128x64xf32, #tpu.memory_space<vmem>>)
    %dma_start3A_199 = arith.constant 0 : i32
    %dma_start3A_200 = arith.constant 5 : i32
    %dma_start3A_201 = arith.constant 0 : i32
    %dma_start3A_202 = tpu.memref_slice %arg7[%dma_start3A_199, %dma_start3A_200, %dma_start3A_201] : memref<2x16x128xi32, #tpu.memory_space<vmem>> -> memref<1x1x128xi32, #tpu.memory_space<vmem>>
    %dma_start3A_203 = tpu.memref_squeeze %dma_start3A_202 : memref<1x1x128xi32, #tpu.memory_space<vmem>> -> memref<128xi32, #tpu.memory_space<vmem>>
    %dma_start3A_204 = arith.constant 0 : i32
    %dma_start3A_205 = arith.constant 0 : i32
    %dma_start3A_206 = tpu.memref_slice %arg20[%dma_start3A_204, %dma_start3A_205] : memref<10240x64xf32, #tpu.memory_space<vmem_shared>> -> memref<10240x64xf32, #tpu.memory_space<vmem_shared>>
    tpu.enqueue_indirect_dma source(%arg9 : memref<128x64xf32, #tpu.memory_space<vmem>>) target(%dma_start3A_206 : memref<10240x64xf32, #tpu.memory_space<vmem_shared>>) offsets(%dma_start3A_203 : memref<128xi32, #tpu.memory_space<vmem>>) semaphore(%arg17 : memref<!tpu.dma_semaphore, #tpu.memory_space<semaphore_mem>>) {add = true}
    %dma_wait3A_207 = arith.constant 0 : i32
    %dma_wait3A_208 = arith.constant 0 : i32
    %dma_wait3A_209 = tpu.memref_slice %arg20[%dma_wait3A_207, %dma_wait3A_208] : memref<10240x64xf32, #tpu.memory_space<vmem_shared>> -> memref<128x64xf32, #tpu.memory_space<vmem_shared>>
    %dma_wait3A_210 = arith.constant 0 : i32
    %dma_wait3A_211 = arith.constant 0 : i32
    %dma_wait3A_212 = tpu.memref_slice %arg20[%dma_wait3A_210, %dma_wait3A_211] : memref<10240x64xf32, #tpu.memory_space<vmem_shared>> -> memref<128x64xf32, #tpu.memory_space<vmem_shared>>
    tpu.wait_dma2 semaphore(%arg17 : memref<!tpu.dma_semaphore, #tpu.memory_space<semaphore_mem>>) src(%arg9 : memref<128x64xf32, #tpu.memory_space<vmem>>) dst(%dma_wait3A_212 : memref<128x64xf32, #tpu.memory_space<vmem_shared>>)
    %dma_start3A_213 = arith.constant 0 : i32
    %dma_start3A_214 = arith.constant 9 : i32
    %dma_start3A_215 = arith.constant 0 : i32
    %dma_start3A_216 = tpu.memref_slice %arg6[%dma_start3A_213, %dma_start3A_214, %dma_start3A_215] : memref<2x16x128xi32, #tpu.memory_space<vmem>> -> memref<1x1x128xi32, #tpu.memory_space<vmem>>
    %dma_start3A_217 = tpu.memref_squeeze %dma_start3A_216 : memref<1x1x128xi32, #tpu.memory_space<vmem>> -> memref<128xi32, #tpu.memory_space<vmem>>
    %dma_start3A_218 = arith.constant 0 : i32
    %dma_start3A_219 = arith.constant 0 : i32
    %dma_start3A_220 = tpu.memref_slice %arg21[%dma_start3A_218, %dma_start3A_219] : memref<10240x64xf32, #tpu.memory_space<vmem_shared>> -> memref<10240x64xf32, #tpu.memory_space<vmem_shared>>
    tpu.enqueue_indirect_dma source(%dma_start3A_220 : memref<10240x64xf32, #tpu.memory_space<vmem_shared>>) target(%arg9 : memref<128x64xf32, #tpu.memory_space<vmem>>) offsets(%dma_start3A_217 : memref<128xi32, #tpu.memory_space<vmem>>) semaphore(%arg13 : memref<!tpu.dma_semaphore, #tpu.memory_space<semaphore_mem>>)
    %dma_wait3A_221 = arith.constant 0 : i32
    %dma_wait3A_222 = arith.constant 0 : i32
    %dma_wait3A_223 = tpu.memref_slice %arg2[%arg0, %dma_wait3A_221, %dma_wait3A_222] : memref<2x10240x64xf32, #tpu.memory_space<hbm>> -> memref<1x128x64xf32, #tpu.memory_space<hbm>>
    %dma_wait3A_224 = tpu.memref_squeeze %dma_wait3A_223 : memref<1x128x64xf32, #tpu.memory_space<hbm>> -> memref<128x64xf32, #tpu.memory_space<hbm>>
    %dma_wait3A_225 = arith.constant 0 : i32
    %dma_wait3A_226 = arith.constant 0 : i32
    %dma_wait3A_227 = tpu.memref_slice %arg2[%arg0, %dma_wait3A_225, %dma_wait3A_226] : memref<2x10240x64xf32, #tpu.memory_space<hbm>> -> memref<1x128x64xf32, #tpu.memory_space<hbm>>
    %dma_wait3A_228 = tpu.memref_squeeze %dma_wait3A_227 : memref<1x128x64xf32, #tpu.memory_space<hbm>> -> memref<128x64xf32, #tpu.memory_space<hbm>>
    tpu.wait_dma2 semaphore(%arg14 : memref<!tpu.dma_semaphore, #tpu.memory_space<semaphore_mem>>) src(%dma_wait3A_228 : memref<128x64xf32, #tpu.memory_space<hbm>>) dst(%arg10 : memref<128x64xf32, #tpu.memory_space<vmem>>)
    %dma_start3A_229 = arith.constant 0 : i32
    %dma_start3A_230 = arith.constant 6 : i32
    %dma_start3A_231 = arith.constant 0 : i32
    %dma_start3A_232 = tpu.memref_slice %arg7[%dma_start3A_229, %dma_start3A_230, %dma_start3A_231] : memref<2x16x128xi32, #tpu.memory_space<vmem>> -> memref<1x1x128xi32, #tpu.memory_space<vmem>>
    %dma_start3A_233 = tpu.memref_squeeze %dma_start3A_232 : memref<1x1x128xi32, #tpu.memory_space<vmem>> -> memref<128xi32, #tpu.memory_space<vmem>>
    %dma_start3A_234 = arith.constant 0 : i32
    %dma_start3A_235 = arith.constant 0 : i32
    %dma_start3A_236 = tpu.memref_slice %arg20[%dma_start3A_234, %dma_start3A_235] : memref<10240x64xf32, #tpu.memory_space<vmem_shared>> -> memref<10240x64xf32, #tpu.memory_space<vmem_shared>>
    tpu.enqueue_indirect_dma source(%arg10 : memref<128x64xf32, #tpu.memory_space<vmem>>) target(%dma_start3A_236 : memref<10240x64xf32, #tpu.memory_space<vmem_shared>>) offsets(%dma_start3A_233 : memref<128xi32, #tpu.memory_space<vmem>>) semaphore(%arg18 : memref<!tpu.dma_semaphore, #tpu.memory_space<semaphore_mem>>) {add = true}
    %dma_wait3A_237 = arith.constant 0 : i32
    %dma_wait3A_238 = arith.constant 0 : i32
    %dma_wait3A_239 = tpu.memref_slice %arg20[%dma_wait3A_237, %dma_wait3A_238] : memref<10240x64xf32, #tpu.memory_space<vmem_shared>> -> memref<128x64xf32, #tpu.memory_space<vmem_shared>>
    %dma_wait3A_240 = arith.constant 0 : i32
    %dma_wait3A_241 = arith.constant 0 : i32
    %dma_wait3A_242 = tpu.memref_slice %arg20[%dma_wait3A_240, %dma_wait3A_241] : memref<10240x64xf32, #tpu.memory_space<vmem_shared>> -> memref<128x64xf32, #tpu.memory_space<vmem_shared>>
    tpu.wait_dma2 semaphore(%arg18 : memref<!tpu.dma_semaphore, #tpu.memory_space<semaphore_mem>>) src(%arg10 : memref<128x64xf32, #tpu.memory_space<vmem>>) dst(%dma_wait3A_242 : memref<128x64xf32, #tpu.memory_space<vmem_shared>>)
    %dma_start3A_243 = arith.constant 0 : i32
    %dma_start3A_244 = arith.constant 10 : i32
    %dma_start3A_245 = arith.constant 0 : i32
    %dma_start3A_246 = tpu.memref_slice %arg6[%dma_start3A_243, %dma_start3A_244, %dma_start3A_245] : memref<2x16x128xi32, #tpu.memory_space<vmem>> -> memref<1x1x128xi32, #tpu.memory_space<vmem>>
    %dma_start3A_247 = tpu.memref_squeeze %dma_start3A_246 : memref<1x1x128xi32, #tpu.memory_space<vmem>> -> memref<128xi32, #tpu.memory_space<vmem>>
    %dma_start3A_248 = arith.constant 0 : i32
    %dma_start3A_249 = arith.constant 0 : i32
    %dma_start3A_250 = tpu.memref_slice %arg21[%dma_start3A_248, %dma_start3A_249] : memref<10240x64xf32, #tpu.memory_space<vmem_shared>> -> memref<10240x64xf32, #tpu.memory_space<vmem_shared>>
    tpu.enqueue_indirect_dma source(%dma_start3A_250 : memref<10240x64xf32, #tpu.memory_space<vmem_shared>>) target(%arg10 : memref<128x64xf32, #tpu.memory_space<vmem>>) offsets(%dma_start3A_247 : memref<128xi32, #tpu.memory_space<vmem>>) semaphore(%arg14 : memref<!tpu.dma_semaphore, #tpu.memory_space<semaphore_mem>>)
    %dma_wait3A_251 = arith.constant 0 : i32
    %dma_wait3A_252 = arith.constant 0 : i32
    %dma_wait3A_253 = tpu.memref_slice %arg2[%arg0, %dma_wait3A_251, %dma_wait3A_252] : memref<2x10240x64xf32, #tpu.memory_space<hbm>> -> memref<1x128x64xf32, #tpu.memory_space<hbm>>
    %dma_wait3A_254 = tpu.memref_squeeze %dma_wait3A_253 : memref<1x128x64xf32, #tpu.memory_space<hbm>> -> memref<128x64xf32, #tpu.memory_space<hbm>>
    %dma_wait3A_255 = arith.constant 0 : i32
    %dma_wait3A_256 = arith.constant 0 : i32
    %dma_wait3A_257 = tpu.memref_slice %arg2[%arg0, %dma_wait3A_255, %dma_wait3A_256] : memref<2x10240x64xf32, #tpu.memory_space<hbm>> -> memref<1x128x64xf32, #tpu.memory_space<hbm>>
    %dma_wait3A_258 = tpu.memref_squeeze %dma_wait3A_257 : memref<1x128x64xf32, #tpu.memory_space<hbm>> -> memref<128x64xf32, #tpu.memory_space<hbm>>
    tpu.wait_dma2 semaphore(%arg15 : memref<!tpu.dma_semaphore, #tpu.memory_space<semaphore_mem>>) src(%dma_wait3A_258 : memref<128x64xf32, #tpu.memory_space<hbm>>) dst(%arg11 : memref<128x64xf32, #tpu.memory_space<vmem>>)
    %dma_start3A_259 = arith.constant 0 : i32
    %dma_start3A_260 = arith.constant 7 : i32
    %dma_start3A_261 = arith.constant 0 : i32
    %dma_start3A_262 = tpu.memref_slice %arg7[%dma_start3A_259, %dma_start3A_260, %dma_start3A_261] : memref<2x16x128xi32, #tpu.memory_space<vmem>> -> memref<1x1x128xi32, #tpu.memory_space<vmem>>
    %dma_start3A_263 = tpu.memref_squeeze %dma_start3A_262 : memref<1x1x128xi32, #tpu.memory_space<vmem>> -> memref<128xi32, #tpu.memory_space<vmem>>
    %dma_start3A_264 = arith.constant 0 : i32
    %dma_start3A_265 = arith.constant 0 : i32
    %dma_start3A_266 = tpu.memref_slice %arg20[%dma_start3A_264, %dma_start3A_265] : memref<10240x64xf32, #tpu.memory_space<vmem_shared>> -> memref<10240x64xf32, #tpu.memory_space<vmem_shared>>
    tpu.enqueue_indirect_dma source(%arg11 : memref<128x64xf32, #tpu.memory_space<vmem>>) target(%dma_start3A_266 : memref<10240x64xf32, #tpu.memory_space<vmem_shared>>) offsets(%dma_start3A_263 : memref<128xi32, #tpu.memory_space<vmem>>) semaphore(%arg19 : memref<!tpu.dma_semaphore, #tpu.memory_space<semaphore_mem>>) {add = true}
    %dma_wait3A_267 = arith.constant 0 : i32
    %dma_wait3A_268 = arith.constant 0 : i32
    %dma_wait3A_269 = tpu.memref_slice %arg20[%dma_wait3A_267, %dma_wait3A_268] : memref<10240x64xf32, #tpu.memory_space<vmem_shared>> -> memref<128x64xf32, #tpu.memory_space<vmem_shared>>
    %dma_wait3A_270 = arith.constant 0 : i32
    %dma_wait3A_271 = arith.constant 0 : i32
    %dma_wait3A_272 = tpu.memref_slice %arg20[%dma_wait3A_270, %dma_wait3A_271] : memref<10240x64xf32, #tpu.memory_space<vmem_shared>> -> memref<128x64xf32, #tpu.memory_space<vmem_shared>>
    tpu.wait_dma2 semaphore(%arg19 : memref<!tpu.dma_semaphore, #tpu.memory_space<semaphore_mem>>) src(%arg11 : memref<128x64xf32, #tpu.memory_space<vmem>>) dst(%dma_wait3A_272 : memref<128x64xf32, #tpu.memory_space<vmem_shared>>)
    %dma_start3A_273 = arith.constant 0 : i32
    %dma_start3A_274 = arith.constant 11 : i32
    %dma_start3A_275 = arith.constant 0 : i32
    %dma_start3A_276 = tpu.memref_slice %arg6[%dma_start3A_273, %dma_start3A_274, %dma_start3A_275] : memref<2x16x128xi32, #tpu.memory_space<vmem>> -> memref<1x1x128xi32, #tpu.memory_space<vmem>>
    %dma_start3A_277 = tpu.memref_squeeze %dma_start3A_276 : memref<1x1x128xi32, #tpu.memory_space<vmem>> -> memref<128xi32, #tpu.memory_space<vmem>>
    %dma_start3A_278 = arith.constant 0 : i32
    %dma_start3A_279 = arith.constant 0 : i32
    %dma_start3A_280 = tpu.memref_slice %arg21[%dma_start3A_278, %dma_start3A_279] : memref<10240x64xf32, #tpu.memory_space<vmem_shared>> -> memref<10240x64xf32, #tpu.memory_space<vmem_shared>>
    tpu.enqueue_indirect_dma source(%dma_start3A_280 : memref<10240x64xf32, #tpu.memory_space<vmem_shared>>) target(%arg11 : memref<128x64xf32, #tpu.memory_space<vmem>>) offsets(%dma_start3A_277 : memref<128xi32, #tpu.memory_space<vmem>>) semaphore(%arg15 : memref<!tpu.dma_semaphore, #tpu.memory_space<semaphore_mem>>)
    %dma_wait3A_281 = arith.constant 0 : i32
    %dma_wait3A_282 = arith.constant 0 : i32
    %dma_wait3A_283 = tpu.memref_slice %arg2[%arg0, %dma_wait3A_281, %dma_wait3A_282] : memref<2x10240x64xf32, #tpu.memory_space<hbm>> -> memref<1x128x64xf32, #tpu.memory_space<hbm>>
    %dma_wait3A_284 = tpu.memref_squeeze %dma_wait3A_283 : memref<1x128x64xf32, #tpu.memory_space<hbm>> -> memref<128x64xf32, #tpu.memory_space<hbm>>
    %dma_wait3A_285 = arith.constant 0 : i32
    %dma_wait3A_286 = arith.constant 0 : i32
    %dma_wait3A_287 = tpu.memref_slice %arg2[%arg0, %dma_wait3A_285, %dma_wait3A_286] : memref<2x10240x64xf32, #tpu.memory_space<hbm>> -> memref<1x128x64xf32, #tpu.memory_space<hbm>>
    %dma_wait3A_288 = tpu.memref_squeeze %dma_wait3A_287 : memref<1x128x64xf32, #tpu.memory_space<hbm>> -> memref<128x64xf32, #tpu.memory_space<hbm>>
    tpu.wait_dma2 semaphore(%arg12 : memref<!tpu.dma_semaphore, #tpu.memory_space<semaphore_mem>>) src(%dma_wait3A_288 : memref<128x64xf32, #tpu.memory_space<hbm>>) dst(%arg8 : memref<128x64xf32, #tpu.memory_space<vmem>>)
    %dma_start3A_289 = arith.constant 0 : i32
    %dma_start3A_290 = arith.constant 8 : i32
    %dma_start3A_291 = arith.constant 0 : i32
    %dma_start3A_292 = tpu.memref_slice %arg7[%dma_start3A_289, %dma_start3A_290, %dma_start3A_291] : memref<2x16x128xi32, #tpu.memory_space<vmem>> -> memref<1x1x128xi32, #tpu.memory_space<vmem>>
    %dma_start3A_293 = tpu.memref_squeeze %dma_start3A_292 : memref<1x1x128xi32, #tpu.memory_space<vmem>> -> memref<128xi32, #tpu.memory_space<vmem>>
    %dma_start3A_294 = arith.constant 0 : i32
    %dma_start3A_295 = arith.constant 0 : i32
    %dma_start3A_296 = tpu.memref_slice %arg20[%dma_start3A_294, %dma_start3A_295] : memref<10240x64xf32, #tpu.memory_space<vmem_shared>> -> memref<10240x64xf32, #tpu.memory_space<vmem_shared>>
    tpu.enqueue_indirect_dma source(%arg8 : memref<128x64xf32, #tpu.memory_space<vmem>>) target(%dma_start3A_296 : memref<10240x64xf32, #tpu.memory_space<vmem_shared>>) offsets(%dma_start3A_293 : memref<128xi32, #tpu.memory_space<vmem>>) semaphore(%arg16 : memref<!tpu.dma_semaphore, #tpu.memory_space<semaphore_mem>>) {add = true}
    %dma_wait3A_297 = arith.constant 0 : i32
    %dma_wait3A_298 = arith.constant 0 : i32
    %dma_wait3A_299 = tpu.memref_slice %arg20[%dma_wait3A_297, %dma_wait3A_298] : memref<10240x64xf32, #tpu.memory_space<vmem_shared>> -> memref<128x64xf32, #tpu.memory_space<vmem_shared>>
    %dma_wait3A_300 = arith.constant 0 : i32
    %dma_wait3A_301 = arith.constant 0 : i32
    %dma_wait3A_302 = tpu.memref_slice %arg20[%dma_wait3A_300, %dma_wait3A_301] : memref<10240x64xf32, #tpu.memory_space<vmem_shared>> -> memref<128x64xf32, #tpu.memory_space<vmem_shared>>
    tpu.wait_dma2 semaphore(%arg16 : memref<!tpu.dma_semaphore, #tpu.memory_space<semaphore_mem>>) src(%arg8 : memref<128x64xf32, #tpu.memory_space<vmem>>) dst(%dma_wait3A_302 : memref<128x64xf32, #tpu.memory_space<vmem_shared>>)
    %dma_start3A_303 = arith.constant 0 : i32
    %dma_start3A_304 = arith.constant 12 : i32
    %dma_start3A_305 = arith.constant 0 : i32
    %dma_start3A_306 = tpu.memref_slice %arg6[%dma_start3A_303, %dma_start3A_304, %dma_start3A_305] : memref<2x16x128xi32, #tpu.memory_space<vmem>> -> memref<1x1x128xi32, #tpu.memory_space<vmem>>
    %dma_start3A_307 = tpu.memref_squeeze %dma_start3A_306 : memref<1x1x128xi32, #tpu.memory_space<vmem>> -> memref<128xi32, #tpu.memory_space<vmem>>
    %dma_start3A_308 = arith.constant 0 : i32
    %dma_start3A_309 = arith.constant 0 : i32
    %dma_start3A_310 = tpu.memref_slice %arg21[%dma_start3A_308, %dma_start3A_309] : memref<10240x64xf32, #tpu.memory_space<vmem_shared>> -> memref<10240x64xf32, #tpu.memory_space<vmem_shared>>
    tpu.enqueue_indirect_dma source(%dma_start3A_310 : memref<10240x64xf32, #tpu.memory_space<vmem_shared>>) target(%arg8 : memref<128x64xf32, #tpu.memory_space<vmem>>) offsets(%dma_start3A_307 : memref<128xi32, #tpu.memory_space<vmem>>) semaphore(%arg12 : memref<!tpu.dma_semaphore, #tpu.memory_space<semaphore_mem>>)
    %dma_wait3A_311 = arith.constant 0 : i32
    %dma_wait3A_312 = arith.constant 0 : i32
    %dma_wait3A_313 = tpu.memref_slice %arg2[%arg0, %dma_wait3A_311, %dma_wait3A_312] : memref<2x10240x64xf32, #tpu.memory_space<hbm>> -> memref<1x128x64xf32, #tpu.memory_space<hbm>>
    %dma_wait3A_314 = tpu.memref_squeeze %dma_wait3A_313 : memref<1x128x64xf32, #tpu.memory_space<hbm>> -> memref<128x64xf32, #tpu.memory_space<hbm>>
    %dma_wait3A_315 = arith.constant 0 : i32
    %dma_wait3A_316 = arith.constant 0 : i32
    %dma_wait3A_317 = tpu.memref_slice %arg2[%arg0, %dma_wait3A_315, %dma_wait3A_316] : memref<2x10240x64xf32, #tpu.memory_space<hbm>> -> memref<1x128x64xf32, #tpu.memory_space<hbm>>
    %dma_wait3A_318 = tpu.memref_squeeze %dma_wait3A_317 : memref<1x128x64xf32, #tpu.memory_space<hbm>> -> memref<128x64xf32, #tpu.memory_space<hbm>>
    tpu.wait_dma2 semaphore(%arg13 : memref<!tpu.dma_semaphore, #tpu.memory_space<semaphore_mem>>) src(%dma_wait3A_318 : memref<128x64xf32, #tpu.memory_space<hbm>>) dst(%arg9 : memref<128x64xf32, #tpu.memory_space<vmem>>)
    %dma_start3A_319 = arith.constant 0 : i32
    %dma_start3A_320 = arith.constant 9 : i32
    %dma_start3A_321 = arith.constant 0 : i32
    %dma_start3A_322 = tpu.memref_slice %arg7[%dma_start3A_319, %dma_start3A_320, %dma_start3A_321] : memref<2x16x128xi32, #tpu.memory_space<vmem>> -> memref<1x1x128xi32, #tpu.memory_space<vmem>>
    %dma_start3A_323 = tpu.memref_squeeze %dma_start3A_322 : memref<1x1x128xi32, #tpu.memory_space<vmem>> -> memref<128xi32, #tpu.memory_space<vmem>>
    %dma_start3A_324 = arith.constant 0 : i32
    %dma_start3A_325 = arith.constant 0 : i32
    %dma_start3A_326 = tpu.memref_slice %arg20[%dma_start3A_324, %dma_start3A_325] : memref<10240x64xf32, #tpu.memory_space<vmem_shared>> -> memref<10240x64xf32, #tpu.memory_space<vmem_shared>>
    tpu.enqueue_indirect_dma source(%arg9 : memref<128x64xf32, #tpu.memory_space<vmem>>) target(%dma_start3A_326 : memref<10240x64xf32, #tpu.memory_space<vmem_shared>>) offsets(%dma_start3A_323 : memref<128xi32, #tpu.memory_space<vmem>>) semaphore(%arg17 : memref<!tpu.dma_semaphore, #tpu.memory_space<semaphore_mem>>) {add = true}
    %dma_wait3A_327 = arith.constant 0 : i32
    %dma_wait3A_328 = arith.constant 0 : i32
    %dma_wait3A_329 = tpu.memref_slice %arg20[%dma_wait3A_327, %dma_wait3A_328] : memref<10240x64xf32, #tpu.memory_space<vmem_shared>> -> memref<128x64xf32, #tpu.memory_space<vmem_shared>>
    %dma_wait3A_330 = arith.constant 0 : i32
    %dma_wait3A_331 = arith.constant 0 : i32
    %dma_wait3A_332 = tpu.memref_slice %arg20[%dma_wait3A_330, %dma_wait3A_331] : memref<10240x64xf32, #tpu.memory_space<vmem_shared>> -> memref<128x64xf32, #tpu.memory_space<vmem_shared>>
    tpu.wait_dma2 semaphore(%arg17 : memref<!tpu.dma_semaphore, #tpu.memory_space<semaphore_mem>>) src(%arg9 : memref<128x64xf32, #tpu.memory_space<vmem>>) dst(%dma_wait3A_332 : memref<128x64xf32, #tpu.memory_space<vmem_shared>>)
    %dma_start3A_333 = arith.constant 0 : i32
    %dma_start3A_334 = arith.constant 13 : i32
    %dma_start3A_335 = arith.constant 0 : i32
    %dma_start3A_336 = tpu.memref_slice %arg6[%dma_start3A_333, %dma_start3A_334, %dma_start3A_335] : memref<2x16x128xi32, #tpu.memory_space<vmem>> -> memref<1x1x128xi32, #tpu.memory_space<vmem>>
    %dma_start3A_337 = tpu.memref_squeeze %dma_start3A_336 : memref<1x1x128xi32, #tpu.memory_space<vmem>> -> memref<128xi32, #tpu.memory_space<vmem>>
    %dma_start3A_338 = arith.constant 0 : i32
    %dma_start3A_339 = arith.constant 0 : i32
    %dma_start3A_340 = tpu.memref_slice %arg21[%dma_start3A_338, %dma_start3A_339] : memref<10240x64xf32, #tpu.memory_space<vmem_shared>> -> memref<10240x64xf32, #tpu.memory_space<vmem_shared>>
    tpu.enqueue_indirect_dma source(%dma_start3A_340 : memref<10240x64xf32, #tpu.memory_space<vmem_shared>>) target(%arg9 : memref<128x64xf32, #tpu.memory_space<vmem>>) offsets(%dma_start3A_337 : memref<128xi32, #tpu.memory_space<vmem>>) semaphore(%arg13 : memref<!tpu.dma_semaphore, #tpu.memory_space<semaphore_mem>>)
    %dma_wait3A_341 = arith.constant 0 : i32
    %dma_wait3A_342 = arith.constant 0 : i32
    %dma_wait3A_343 = tpu.memref_slice %arg2[%arg0, %dma_wait3A_341, %dma_wait3A_342] : memref<2x10240x64xf32, #tpu.memory_space<hbm>> -> memref<1x128x64xf32, #tpu.memory_space<hbm>>
    %dma_wait3A_344 = tpu.memref_squeeze %dma_wait3A_343 : memref<1x128x64xf32, #tpu.memory_space<hbm>> -> memref<128x64xf32, #tpu.memory_space<hbm>>
    %dma_wait3A_345 = arith.constant 0 : i32
    %dma_wait3A_346 = arith.constant 0 : i32
    %dma_wait3A_347 = tpu.memref_slice %arg2[%arg0, %dma_wait3A_345, %dma_wait3A_346] : memref<2x10240x64xf32, #tpu.memory_space<hbm>> -> memref<1x128x64xf32, #tpu.memory_space<hbm>>
    %dma_wait3A_348 = tpu.memref_squeeze %dma_wait3A_347 : memref<1x128x64xf32, #tpu.memory_space<hbm>> -> memref<128x64xf32, #tpu.memory_space<hbm>>
    tpu.wait_dma2 semaphore(%arg14 : memref<!tpu.dma_semaphore, #tpu.memory_space<semaphore_mem>>) src(%dma_wait3A_348 : memref<128x64xf32, #tpu.memory_space<hbm>>) dst(%arg10 : memref<128x64xf32, #tpu.memory_space<vmem>>)
    %dma_start3A_349 = arith.constant 0 : i32
    %dma_start3A_350 = arith.constant 10 : i32
    %dma_start3A_351 = arith.constant 0 : i32
    %dma_start3A_352 = tpu.memref_slice %arg7[%dma_start3A_349, %dma_start3A_350, %dma_start3A_351] : memref<2x16x128xi32, #tpu.memory_space<vmem>> -> memref<1x1x128xi32, #tpu.memory_space<vmem>>
    %dma_start3A_353 = tpu.memref_squeeze %dma_start3A_352 : memref<1x1x128xi32, #tpu.memory_space<vmem>> -> memref<128xi32, #tpu.memory_space<vmem>>
    %dma_start3A_354 = arith.constant 0 : i32
    %dma_start3A_355 = arith.constant 0 : i32
    %dma_start3A_356 = tpu.memref_slice %arg20[%dma_start3A_354, %dma_start3A_355] : memref<10240x64xf32, #tpu.memory_space<vmem_shared>> -> memref<10240x64xf32, #tpu.memory_space<vmem_shared>>
    tpu.enqueue_indirect_dma source(%arg10 : memref<128x64xf32, #tpu.memory_space<vmem>>) target(%dma_start3A_356 : memref<10240x64xf32, #tpu.memory_space<vmem_shared>>) offsets(%dma_start3A_353 : memref<128xi32, #tpu.memory_space<vmem>>) semaphore(%arg18 : memref<!tpu.dma_semaphore, #tpu.memory_space<semaphore_mem>>) {add = true}
    %dma_wait3A_357 = arith.constant 0 : i32
    %dma_wait3A_358 = arith.constant 0 : i32
    %dma_wait3A_359 = tpu.memref_slice %arg20[%dma_wait3A_357, %dma_wait3A_358] : memref<10240x64xf32, #tpu.memory_space<vmem_shared>> -> memref<128x64xf32, #tpu.memory_space<vmem_shared>>
    %dma_wait3A_360 = arith.constant 0 : i32
    %dma_wait3A_361 = arith.constant 0 : i32
    %dma_wait3A_362 = tpu.memref_slice %arg20[%dma_wait3A_360, %dma_wait3A_361] : memref<10240x64xf32, #tpu.memory_space<vmem_shared>> -> memref<128x64xf32, #tpu.memory_space<vmem_shared>>
    tpu.wait_dma2 semaphore(%arg18 : memref<!tpu.dma_semaphore, #tpu.memory_space<semaphore_mem>>) src(%arg10 : memref<128x64xf32, #tpu.memory_space<vmem>>) dst(%dma_wait3A_362 : memref<128x64xf32, #tpu.memory_space<vmem_shared>>)
    %dma_start3A_363 = arith.constant 0 : i32
    %dma_start3A_364 = arith.constant 14 : i32
    %dma_start3A_365 = arith.constant 0 : i32
    %dma_start3A_366 = tpu.memref_slice %arg6[%dma_start3A_363, %dma_start3A_364, %dma_start3A_365] : memref<2x16x128xi32, #tpu.memory_space<vmem>> -> memref<1x1x128xi32, #tpu.memory_space<vmem>>
    %dma_start3A_367 = tpu.memref_squeeze %dma_start3A_366 : memref<1x1x128xi32, #tpu.memory_space<vmem>> -> memref<128xi32, #tpu.memory_space<vmem>>
    %dma_start3A_368 = arith.constant 0 : i32
    %dma_start3A_369 = arith.constant 0 : i32
    %dma_start3A_370 = tpu.memref_slice %arg21[%dma_start3A_368, %dma_start3A_369] : memref<10240x64xf32, #tpu.memory_space<vmem_shared>> -> memref<10240x64xf32, #tpu.memory_space<vmem_shared>>
    tpu.enqueue_indirect_dma source(%dma_start3A_370 : memref<10240x64xf32, #tpu.memory_space<vmem_shared>>) target(%arg10 : memref<128x64xf32, #tpu.memory_space<vmem>>) offsets(%dma_start3A_367 : memref<128xi32, #tpu.memory_space<vmem>>) semaphore(%arg14 : memref<!tpu.dma_semaphore, #tpu.memory_space<semaphore_mem>>)
    %dma_wait3A_371 = arith.constant 0 : i32
    %dma_wait3A_372 = arith.constant 0 : i32
    %dma_wait3A_373 = tpu.memref_slice %arg2[%arg0, %dma_wait3A_371, %dma_wait3A_372] : memref<2x10240x64xf32, #tpu.memory_space<hbm>> -> memref<1x128x64xf32, #tpu.memory_space<hbm>>
    %dma_wait3A_374 = tpu.memref_squeeze %dma_wait3A_373 : memref<1x128x64xf32, #tpu.memory_space<hbm>> -> memref<128x64xf32, #tpu.memory_space<hbm>>
    %dma_wait3A_375 = arith.constant 0 : i32
    %dma_wait3A_376 = arith.constant 0 : i32
    %dma_wait3A_377 = tpu.memref_slice %arg2[%arg0, %dma_wait3A_375, %dma_wait3A_376] : memref<2x10240x64xf32, #tpu.memory_space<hbm>> -> memref<1x128x64xf32, #tpu.memory_space<hbm>>
    %dma_wait3A_378 = tpu.memref_squeeze %dma_wait3A_377 : memref<1x128x64xf32, #tpu.memory_space<hbm>> -> memref<128x64xf32, #tpu.memory_space<hbm>>
    tpu.wait_dma2 semaphore(%arg15 : memref<!tpu.dma_semaphore, #tpu.memory_space<semaphore_mem>>) src(%dma_wait3A_378 : memref<128x64xf32, #tpu.memory_space<hbm>>) dst(%arg11 : memref<128x64xf32, #tpu.memory_space<vmem>>)
    %dma_start3A_379 = arith.constant 0 : i32
    %dma_start3A_380 = arith.constant 11 : i32
    %dma_start3A_381 = arith.constant 0 : i32
    %dma_start3A_382 = tpu.memref_slice %arg7[%dma_start3A_379, %dma_start3A_380, %dma_start3A_381] : memref<2x16x128xi32, #tpu.memory_space<vmem>> -> memref<1x1x128xi32, #tpu.memory_space<vmem>>
    %dma_start3A_383 = tpu.memref_squeeze %dma_start3A_382 : memref<1x1x128xi32, #tpu.memory_space<vmem>> -> memref<128xi32, #tpu.memory_space<vmem>>
    %dma_start3A_384 = arith.constant 0 : i32
    %dma_start3A_385 = arith.constant 0 : i32
    %dma_start3A_386 = tpu.memref_slice %arg20[%dma_start3A_384, %dma_start3A_385] : memref<10240x64xf32, #tpu.memory_space<vmem_shared>> -> memref<10240x64xf32, #tpu.memory_space<vmem_shared>>
    tpu.enqueue_indirect_dma source(%arg11 : memref<128x64xf32, #tpu.memory_space<vmem>>) target(%dma_start3A_386 : memref<10240x64xf32, #tpu.memory_space<vmem_shared>>) offsets(%dma_start3A_383 : memref<128xi32, #tpu.memory_space<vmem>>) semaphore(%arg19 : memref<!tpu.dma_semaphore, #tpu.memory_space<semaphore_mem>>) {add = true}
    %dma_wait3A_387 = arith.constant 0 : i32
    %dma_wait3A_388 = arith.constant 0 : i32
    %dma_wait3A_389 = tpu.memref_slice %arg20[%dma_wait3A_387, %dma_wait3A_388] : memref<10240x64xf32, #tpu.memory_space<vmem_shared>> -> memref<128x64xf32, #tpu.memory_space<vmem_shared>>
    %dma_wait3A_390 = arith.constant 0 : i32
    %dma_wait3A_391 = arith.constant 0 : i32
    %dma_wait3A_392 = tpu.memref_slice %arg20[%dma_wait3A_390, %dma_wait3A_391] : memref<10240x64xf32, #tpu.memory_space<vmem_shared>> -> memref<128x64xf32, #tpu.memory_space<vmem_shared>>
    tpu.wait_dma2 semaphore(%arg19 : memref<!tpu.dma_semaphore, #tpu.memory_space<semaphore_mem>>) src(%arg11 : memref<128x64xf32, #tpu.memory_space<vmem>>) dst(%dma_wait3A_392 : memref<128x64xf32, #tpu.memory_space<vmem_shared>>)
    %dma_start3A_393 = arith.constant 0 : i32
    %dma_start3A_394 = arith.constant 15 : i32
    %dma_start3A_395 = arith.constant 0 : i32
    %dma_start3A_396 = tpu.memref_slice %arg6[%dma_start3A_393, %dma_start3A_394, %dma_start3A_395] : memref<2x16x128xi32, #tpu.memory_space<vmem>> -> memref<1x1x128xi32, #tpu.memory_space<vmem>>
    %dma_start3A_397 = tpu.memref_squeeze %dma_start3A_396 : memref<1x1x128xi32, #tpu.memory_space<vmem>> -> memref<128xi32, #tpu.memory_space<vmem>>
    %dma_start3A_398 = arith.constant 0 : i32
    %dma_start3A_399 = arith.constant 0 : i32
    %dma_start3A_400 = tpu.memref_slice %arg21[%dma_start3A_398, %dma_start3A_399] : memref<10240x64xf32, #tpu.memory_space<vmem_shared>> -> memref<10240x64xf32, #tpu.memory_space<vmem_shared>>
    tpu.enqueue_indirect_dma source(%dma_start3A_400 : memref<10240x64xf32, #tpu.memory_space<vmem_shared>>) target(%arg11 : memref<128x64xf32, #tpu.memory_space<vmem>>) offsets(%dma_start3A_397 : memref<128xi32, #tpu.memory_space<vmem>>) semaphore(%arg15 : memref<!tpu.dma_semaphore, #tpu.memory_space<semaphore_mem>>)
    %dma_wait3A_401 = arith.constant 0 : i32
    %dma_wait3A_402 = arith.constant 0 : i32
    %dma_wait3A_403 = tpu.memref_slice %arg2[%arg0, %dma_wait3A_401, %dma_wait3A_402] : memref<2x10240x64xf32, #tpu.memory_space<hbm>> -> memref<1x128x64xf32, #tpu.memory_space<hbm>>
    %dma_wait3A_404 = tpu.memref_squeeze %dma_wait3A_403 : memref<1x128x64xf32, #tpu.memory_space<hbm>> -> memref<128x64xf32, #tpu.memory_space<hbm>>
    %dma_wait3A_405 = arith.constant 0 : i32
    %dma_wait3A_406 = arith.constant 0 : i32
    %dma_wait3A_407 = tpu.memref_slice %arg2[%arg0, %dma_wait3A_405, %dma_wait3A_406] : memref<2x10240x64xf32, #tpu.memory_space<hbm>> -> memref<1x128x64xf32, #tpu.memory_space<hbm>>
    %dma_wait3A_408 = tpu.memref_squeeze %dma_wait3A_407 : memref<1x128x64xf32, #tpu.memory_space<hbm>> -> memref<128x64xf32, #tpu.memory_space<hbm>>
    tpu.wait_dma2 semaphore(%arg12 : memref<!tpu.dma_semaphore, #tpu.memory_space<semaphore_mem>>) src(%dma_wait3A_408 : memref<128x64xf32, #tpu.memory_space<hbm>>) dst(%arg8 : memref<128x64xf32, #tpu.memory_space<vmem>>)
    %dma_start3A_409 = arith.constant 0 : i32
    %dma_start3A_410 = arith.constant 12 : i32
    %dma_start3A_411 = arith.constant 0 : i32
    %dma_start3A_412 = tpu.memref_slice %arg7[%dma_start3A_409, %dma_start3A_410, %dma_start3A_411] : memref<2x16x128xi32, #tpu.memory_space<vmem>> -> memref<1x1x128xi32, #tpu.memory_space<vmem>>
    %dma_start3A_413 = tpu.memref_squeeze %dma_start3A_412 : memref<1x1x128xi32, #tpu.memory_space<vmem>> -> memref<128xi32, #tpu.memory_space<vmem>>
    %dma_start3A_414 = arith.constant 0 : i32
    %dma_start3A_415 = arith.constant 0 : i32
    %dma_start3A_416 = tpu.memref_slice %arg20[%dma_start3A_414, %dma_start3A_415] : memref<10240x64xf32, #tpu.memory_space<vmem_shared>> -> memref<10240x64xf32, #tpu.memory_space<vmem_shared>>
    tpu.enqueue_indirect_dma source(%arg8 : memref<128x64xf32, #tpu.memory_space<vmem>>) target(%dma_start3A_416 : memref<10240x64xf32, #tpu.memory_space<vmem_shared>>) offsets(%dma_start3A_413 : memref<128xi32, #tpu.memory_space<vmem>>) semaphore(%arg16 : memref<!tpu.dma_semaphore, #tpu.memory_space<semaphore_mem>>) {add = true}
    %scan3A = arith.constant 0 : i32
    %scan3A_417 = arith.constant 19 : i32
    %scan3A_418 = arith.addi %scan3A, %scan3A_417 : i32
    %scan3A_419 = arith.constant 1 : i32
    scf.for %scan3A_498 = %scan3A to %scan3A_418 step %scan3A_419  : i32 {
      %mul3A_499 = arith.constant 1 : i32
      %mul3A_500 = arith.muli %scan3A_498, %mul3A_499 : i32
      %add3A_501 = arith.constant 1 : i32
      %add3A_502 = arith.addi %add3A_501, %mul3A_500 : i32
      %and3A = arith.constant 1 : i32
      %and3A_503 = arith.andi %add3A_502, %and3A : i32
      %mul3A_504 = arith.constant 320 : i32
      %mul3A_505 = arith.muli %arg1, %mul3A_504 : i32
      %mul3A_506 = arith.constant 16 : i32
      %mul3A_507 = arith.muli %add3A_502, %mul3A_506 : i32
      %add3A_508 = arith.addi %mul3A_505, %mul3A_507 : i32
      %run_scoped3A_509 = arith.constant 0 : i32
      "tpu.region"() ({
        %run_scoped3A_964 = tpu.sem_alloc : memref<!tpu.dma_semaphore, #tpu.memory_space<semaphore_mem>>
        %dma_start3A_965 = arith.constant 0 : i32
        %dma_start3A_966 = arith.constant 0 : i32
        %dma_start3A_967 = tpu.memref_slice %arg6[%and3A_503, %dma_start3A_965, %dma_start3A_966] : memref<2x16x128xi32, #tpu.memory_space<vmem>> -> memref<1x16x128xi32, #tpu.memory_space<vmem>>
        %dma_start3A_968 = tpu.memref_squeeze %dma_start3A_967 : memref<1x16x128xi32, #tpu.memory_space<vmem>> -> memref<16x128xi32, #tpu.memory_space<vmem>>
        %dma_start3A_969 = arith.constant 0 : i32
        %dma_start3A_970 = tpu.memref_slice %arg3[%run_scoped3A_509, %add3A_508, %dma_start3A_969] : memref<2x5120x128xi32, #tpu.memory_space<hbm>> -> memref<1x16x128xi32, #tpu.memory_space<hbm>>
        %dma_start3A_971 = tpu.memref_squeeze %dma_start3A_970 : memref<1x16x128xi32, #tpu.memory_space<hbm>> -> memref<16x128xi32, #tpu.memory_space<hbm>>
        %dma_start3A_972 = arith.constant 0 : i32
        %dma_start3A_973 = arith.constant 0 : i32
        %dma_start3A_974 = tpu.memref_slice %arg6[%and3A_503, %dma_start3A_972, %dma_start3A_973] : memref<2x16x128xi32, #tpu.memory_space<vmem>> -> memref<1x16x128xi32, #tpu.memory_space<vmem>>
        %dma_start3A_975 = tpu.memref_squeeze %dma_start3A_974 : memref<1x16x128xi32, #tpu.memory_space<vmem>> -> memref<16x128xi32, #tpu.memory_space<vmem>>
        %dma_start3A_976 = arith.constant 0 : i32
        %dma_start3A_977 = tpu.memref_slice %arg3[%run_scoped3A_509, %add3A_508, %dma_start3A_976] : memref<2x5120x128xi32, #tpu.memory_space<hbm>> -> memref<1x16x128xi32, #tpu.memory_space<hbm>>
        %dma_start3A_978 = tpu.memref_squeeze %dma_start3A_977 : memref<1x16x128xi32, #tpu.memory_space<hbm>> -> memref<16x128xi32, #tpu.memory_space<hbm>>
        tpu.enqueue_dma source(%dma_start3A_978 : memref<16x128xi32, #tpu.memory_space<hbm>>) target(%dma_start3A_975 : memref<16x128xi32, #tpu.memory_space<vmem>>) target_semaphore(%run_scoped3A_964 : memref<!tpu.dma_semaphore, #tpu.memory_space<semaphore_mem>>)
        %dma_wait3A_979 = arith.constant 0 : i32
        %dma_wait3A_980 = arith.constant 0 : i32
        %dma_wait3A_981 = tpu.memref_slice %arg6[%and3A_503, %dma_wait3A_979, %dma_wait3A_980] : memref<2x16x128xi32, #tpu.memory_space<vmem>> -> memref<1x16x128xi32, #tpu.memory_space<vmem>>
        %dma_wait3A_982 = tpu.memref_squeeze %dma_wait3A_981 : memref<1x16x128xi32, #tpu.memory_space<vmem>> -> memref<16x128xi32, #tpu.memory_space<vmem>>
        %dma_wait3A_983 = arith.constant 0 : i32
        %dma_wait3A_984 = tpu.memref_slice %arg3[%run_scoped3A_509, %add3A_508, %dma_wait3A_983] : memref<2x5120x128xi32, #tpu.memory_space<hbm>> -> memref<1x16x128xi32, #tpu.memory_space<hbm>>
        %dma_wait3A_985 = tpu.memref_squeeze %dma_wait3A_984 : memref<1x16x128xi32, #tpu.memory_space<hbm>> -> memref<16x128xi32, #tpu.memory_space<hbm>>
        %dma_wait3A_986 = arith.constant 0 : i32
        %dma_wait3A_987 = arith.constant 0 : i32
        %dma_wait3A_988 = tpu.memref_slice %arg6[%and3A_503, %dma_wait3A_986, %dma_wait3A_987] : memref<2x16x128xi32, #tpu.memory_space<vmem>> -> memref<1x16x128xi32, #tpu.memory_space<vmem>>
        %dma_wait3A_989 = tpu.memref_squeeze %dma_wait3A_988 : memref<1x16x128xi32, #tpu.memory_space<vmem>> -> memref<16x128xi32, #tpu.memory_space<vmem>>
        %dma_wait3A_990 = arith.constant 0 : i32
        %dma_wait3A_991 = tpu.memref_slice %arg3[%run_scoped3A_509, %add3A_508, %dma_wait3A_990] : memref<2x5120x128xi32, #tpu.memory_space<hbm>> -> memref<1x16x128xi32, #tpu.memory_space<hbm>>
        %dma_wait3A_992 = tpu.memref_squeeze %dma_wait3A_991 : memref<1x16x128xi32, #tpu.memory_space<hbm>> -> memref<16x128xi32, #tpu.memory_space<hbm>>
        tpu.wait_dma2 semaphore(%run_scoped3A_964 : memref<!tpu.dma_semaphore, #tpu.memory_space<semaphore_mem>>) src(%dma_wait3A_992 : memref<16x128xi32, #tpu.memory_space<hbm>>) dst(%dma_wait3A_989 : memref<16x128xi32, #tpu.memory_space<vmem>>)
        tpu.yield
      }) : () -> ()
      %run_scoped3A_510 = arith.constant 1 : i32
      "tpu.region"() ({
        %run_scoped3A_964 = tpu.sem_alloc : memref<!tpu.dma_semaphore, #tpu.memory_space<semaphore_mem>>
        %dma_start3A_965 = arith.constant 0 : i32
        %dma_start3A_966 = arith.constant 0 : i32
        %dma_start3A_967 = tpu.memref_slice %arg7[%and3A_503, %dma_start3A_965, %dma_start3A_966] : memref<2x16x128xi32, #tpu.memory_space<vmem>> -> memref<1x16x128xi32, #tpu.memory_space<vmem>>
        %dma_start3A_968 = tpu.memref_squeeze %dma_start3A_967 : memref<1x16x128xi32, #tpu.memory_space<vmem>> -> memref<16x128xi32, #tpu.memory_space<vmem>>
        %dma_start3A_969 = arith.constant 0 : i32
        %dma_start3A_970 = tpu.memref_slice %arg3[%run_scoped3A_510, %add3A_508, %dma_start3A_969] : memref<2x5120x128xi32, #tpu.memory_space<hbm>> -> memref<1x16x128xi32, #tpu.memory_space<hbm>>
        %dma_start3A_971 = tpu.memref_squeeze %dma_start3A_970 : memref<1x16x128xi32, #tpu.memory_space<hbm>> -> memref<16x128xi32, #tpu.memory_space<hbm>>
        %dma_start3A_972 = arith.constant 0 : i32
        %dma_start3A_973 = arith.constant 0 : i32
        %dma_start3A_974 = tpu.memref_slice %arg7[%and3A_503, %dma_start3A_972, %dma_start3A_973] : memref<2x16x128xi32, #tpu.memory_space<vmem>> -> memref<1x16x128xi32, #tpu.memory_space<vmem>>
        %dma_start3A_975 = tpu.memref_squeeze %dma_start3A_974 : memref<1x16x128xi32, #tpu.memory_space<vmem>> -> memref<16x128xi32, #tpu.memory_space<vmem>>
        %dma_start3A_976 = arith.constant 0 : i32
        %dma_start3A_977 = tpu.memref_slice %arg3[%run_scoped3A_510, %add3A_508, %dma_start3A_976] : memref<2x5120x128xi32, #tpu.memory_space<hbm>> -> memref<1x16x128xi32, #tpu.memory_space<hbm>>
        %dma_start3A_978 = tpu.memref_squeeze %dma_start3A_977 : memref<1x16x128xi32, #tpu.memory_space<hbm>> -> memref<16x128xi32, #tpu.memory_space<hbm>>
        tpu.enqueue_dma source(%dma_start3A_978 : memref<16x128xi32, #tpu.memory_space<hbm>>) target(%dma_start3A_975 : memref<16x128xi32, #tpu.memory_space<vmem>>) target_semaphore(%run_scoped3A_964 : memref<!tpu.dma_semaphore, #tpu.memory_space<semaphore_mem>>)
        %dma_wait3A_979 = arith.constant 0 : i32
        %dma_wait3A_980 = arith.constant 0 : i32
        %dma_wait3A_981 = tpu.memref_slice %arg7[%and3A_503, %dma_wait3A_979, %dma_wait3A_980] : memref<2x16x128xi32, #tpu.memory_space<vmem>> -> memref<1x16x128xi32, #tpu.memory_space<vmem>>
        %dma_wait3A_982 = tpu.memref_squeeze %dma_wait3A_981 : memref<1x16x128xi32, #tpu.memory_space<vmem>> -> memref<16x128xi32, #tpu.memory_space<vmem>>
        %dma_wait3A_983 = arith.constant 0 : i32
        %dma_wait3A_984 = tpu.memref_slice %arg3[%run_scoped3A_510, %add3A_508, %dma_wait3A_983] : memref<2x5120x128xi32, #tpu.memory_space<hbm>> -> memref<1x16x128xi32, #tpu.memory_space<hbm>>
        %dma_wait3A_985 = tpu.memref_squeeze %dma_wait3A_984 : memref<1x16x128xi32, #tpu.memory_space<hbm>> -> memref<16x128xi32, #tpu.memory_space<hbm>>
        %dma_wait3A_986 = arith.constant 0 : i32
        %dma_wait3A_987 = arith.constant 0 : i32
        %dma_wait3A_988 = tpu.memref_slice %arg7[%and3A_503, %dma_wait3A_986, %dma_wait3A_987] : memref<2x16x128xi32, #tpu.memory_space<vmem>> -> memref<1x16x128xi32, #tpu.memory_space<vmem>>
        %dma_wait3A_989 = tpu.memref_squeeze %dma_wait3A_988 : memref<1x16x128xi32, #tpu.memory_space<vmem>> -> memref<16x128xi32, #tpu.memory_space<vmem>>
        %dma_wait3A_990 = arith.constant 0 : i32
        %dma_wait3A_991 = tpu.memref_slice %arg3[%run_scoped3A_510, %add3A_508, %dma_wait3A_990] : memref<2x5120x128xi32, #tpu.memory_space<hbm>> -> memref<1x16x128xi32, #tpu.memory_space<hbm>>
        %dma_wait3A_992 = tpu.memref_squeeze %dma_wait3A_991 : memref<1x16x128xi32, #tpu.memory_space<hbm>> -> memref<16x128xi32, #tpu.memory_space<hbm>>
        tpu.wait_dma2 semaphore(%run_scoped3A_964 : memref<!tpu.dma_semaphore, #tpu.memory_space<semaphore_mem>>) src(%dma_wait3A_992 : memref<16x128xi32, #tpu.memory_space<hbm>>) dst(%dma_wait3A_989 : memref<16x128xi32, #tpu.memory_space<vmem>>)
        tpu.yield
      }) : () -> ()
      %dma_wait3A_511 = arith.constant 0 : i32
      %dma_wait3A_512 = arith.constant 0 : i32
      %dma_wait3A_513 = tpu.memref_slice %arg20[%dma_wait3A_511, %dma_wait3A_512] : memref<10240x64xf32, #tpu.memory_space<vmem_shared>> -> memref<128x64xf32, #tpu.memory_space<vmem_shared>>
      %dma_wait3A_514 = arith.constant 0 : i32
      %dma_wait3A_515 = arith.constant 0 : i32
      %dma_wait3A_516 = tpu.memref_slice %arg20[%dma_wait3A_514, %dma_wait3A_515] : memref<10240x64xf32, #tpu.memory_space<vmem_shared>> -> memref<128x64xf32, #tpu.memory_space<vmem_shared>>
      tpu.wait_dma2 semaphore(%arg16 : memref<!tpu.dma_semaphore, #tpu.memory_space<semaphore_mem>>) src(%arg8 : memref<128x64xf32, #tpu.memory_space<vmem>>) dst(%dma_wait3A_516 : memref<128x64xf32, #tpu.memory_space<vmem_shared>>)
      %dma_start3A_517 = arith.constant 0 : i32
      %dma_start3A_518 = arith.constant 0 : i32
      %dma_start3A_519 = tpu.memref_slice %arg6[%and3A_503, %dma_start3A_517, %dma_start3A_518] : memref<2x16x128xi32, #tpu.memory_space<vmem>> -> memref<1x1x128xi32, #tpu.memory_space<vmem>>
      %dma_start3A_520 = tpu.memref_squeeze %dma_start3A_519 : memref<1x1x128xi32, #tpu.memory_space<vmem>> -> memref<128xi32, #tpu.memory_space<vmem>>
      %dma_start3A_521 = arith.constant 0 : i32
      %dma_start3A_522 = arith.constant 0 : i32
      %dma_start3A_523 = tpu.memref_slice %arg21[%dma_start3A_521, %dma_start3A_522] : memref<10240x64xf32, #tpu.memory_space<vmem_shared>> -> memref<10240x64xf32, #tpu.memory_space<vmem_shared>>
      tpu.enqueue_indirect_dma source(%dma_start3A_523 : memref<10240x64xf32, #tpu.memory_space<vmem_shared>>) target(%arg8 : memref<128x64xf32, #tpu.memory_space<vmem>>) offsets(%dma_start3A_520 : memref<128xi32, #tpu.memory_space<vmem>>) semaphore(%arg12 : memref<!tpu.dma_semaphore, #tpu.memory_space<semaphore_mem>>)
      %dma_wait3A_524 = arith.constant 0 : i32
      %dma_wait3A_525 = arith.constant 0 : i32
      %dma_wait3A_526 = tpu.memref_slice %arg2[%arg0, %dma_wait3A_524, %dma_wait3A_525] : memref<2x10240x64xf32, #tpu.memory_space<hbm>> -> memref<1x128x64xf32, #tpu.memory_space<hbm>>
      %dma_wait3A_527 = tpu.memref_squeeze %dma_wait3A_526 : memref<1x128x64xf32, #tpu.memory_space<hbm>> -> memref<128x64xf32, #tpu.memory_space<hbm>>
      %dma_wait3A_528 = arith.constant 0 : i32
      %dma_wait3A_529 = arith.constant 0 : i32
      %dma_wait3A_530 = tpu.memref_slice %arg2[%arg0, %dma_wait3A_528, %dma_wait3A_529] : memref<2x10240x64xf32, #tpu.memory_space<hbm>> -> memref<1x128x64xf32, #tpu.memory_space<hbm>>
      %dma_wait3A_531 = tpu.memref_squeeze %dma_wait3A_530 : memref<1x128x64xf32, #tpu.memory_space<hbm>> -> memref<128x64xf32, #tpu.memory_space<hbm>>
      tpu.wait_dma2 semaphore(%arg13 : memref<!tpu.dma_semaphore, #tpu.memory_space<semaphore_mem>>) src(%dma_wait3A_531 : memref<128x64xf32, #tpu.memory_space<hbm>>) dst(%arg9 : memref<128x64xf32, #tpu.memory_space<vmem>>)
      %sub3A = arith.constant 1 : i32
      %sub3A_532 = arith.subi %sub3A, %and3A_503 : i32
      %dma_start3A_533 = arith.constant 13 : i32
      %dma_start3A_534 = arith.constant 0 : i32
      %dma_start3A_535 = tpu.memref_slice %arg7[%sub3A_532, %dma_start3A_533, %dma_start3A_534] : memref<2x16x128xi32, #tpu.memory_space<vmem>> -> memref<1x1x128xi32, #tpu.memory_space<vmem>>
      %dma_start3A_536 = tpu.memref_squeeze %dma_start3A_535 : memref<1x1x128xi32, #tpu.memory_space<vmem>> -> memref<128xi32, #tpu.memory_space<vmem>>
      %dma_start3A_537 = arith.constant 0 : i32
      %dma_start3A_538 = arith.constant 0 : i32
      %dma_start3A_539 = tpu.memref_slice %arg20[%dma_start3A_537, %dma_start3A_538] : memref<10240x64xf32, #tpu.memory_space<vmem_shared>> -> memref<10240x64xf32, #tpu.memory_space<vmem_shared>>
      tpu.enqueue_indirect_dma source(%arg9 : memref<128x64xf32, #tpu.memory_space<vmem>>) target(%dma_start3A_539 : memref<10240x64xf32, #tpu.memory_space<vmem_shared>>) offsets(%dma_start3A_536 : memref<128xi32, #tpu.memory_space<vmem>>) semaphore(%arg17 : memref<!tpu.dma_semaphore, #tpu.memory_space<semaphore_mem>>) {add = true}
      %dma_wait3A_540 = arith.constant 0 : i32
      %dma_wait3A_541 = arith.constant 0 : i32
      %dma_wait3A_542 = tpu.memref_slice %arg20[%dma_wait3A_540, %dma_wait3A_541] : memref<10240x64xf32, #tpu.memory_space<vmem_shared>> -> memref<128x64xf32, #tpu.memory_space<vmem_shared>>
      %dma_wait3A_543 = arith.constant 0 : i32
      %dma_wait3A_544 = arith.constant 0 : i32
      %dma_wait3A_545 = tpu.memref_slice %arg20[%dma_wait3A_543, %dma_wait3A_544] : memref<10240x64xf32, #tpu.memory_space<vmem_shared>> -> memref<128x64xf32, #tpu.memory_space<vmem_shared>>
      tpu.wait_dma2 semaphore(%arg17 : memref<!tpu.dma_semaphore, #tpu.memory_space<semaphore_mem>>) src(%arg9 : memref<128x64xf32, #tpu.memory_space<vmem>>) dst(%dma_wait3A_545 : memref<128x64xf32, #tpu.memory_space<vmem_shared>>)
      %dma_start3A_546 = arith.constant 1 : i32
      %dma_start3A_547 = arith.constant 0 : i32
      %dma_start3A_548 = tpu.memref_slice %arg6[%and3A_503, %dma_start3A_546, %dma_start3A_547] : memref<2x16x128xi32, #tpu.memory_space<vmem>> -> memref<1x1x128xi32, #tpu.memory_space<vmem>>
      %dma_start3A_549 = tpu.memref_squeeze %dma_start3A_548 : memref<1x1x128xi32, #tpu.memory_space<vmem>> -> memref<128xi32, #tpu.memory_space<vmem>>
      %dma_start3A_550 = arith.constant 0 : i32
      %dma_start3A_551 = arith.constant 0 : i32
      %dma_start3A_552 = tpu.memref_slice %arg21[%dma_start3A_550, %dma_start3A_551] : memref<10240x64xf32, #tpu.memory_space<vmem_shared>> -> memref<10240x64xf32, #tpu.memory_space<vmem_shared>>
      tpu.enqueue_indirect_dma source(%dma_start3A_552 : memref<10240x64xf32, #tpu.memory_space<vmem_shared>>) target(%arg9 : memref<128x64xf32, #tpu.memory_space<vmem>>) offsets(%dma_start3A_549 : memref<128xi32, #tpu.memory_space<vmem>>) semaphore(%arg13 : memref<!tpu.dma_semaphore, #tpu.memory_space<semaphore_mem>>)
      %dma_wait3A_553 = arith.constant 0 : i32
      %dma_wait3A_554 = arith.constant 0 : i32
      %dma_wait3A_555 = tpu.memref_slice %arg2[%arg0, %dma_wait3A_553, %dma_wait3A_554] : memref<2x10240x64xf32, #tpu.memory_space<hbm>> -> memref<1x128x64xf32, #tpu.memory_space<hbm>>
      %dma_wait3A_556 = tpu.memref_squeeze %dma_wait3A_555 : memref<1x128x64xf32, #tpu.memory_space<hbm>> -> memref<128x64xf32, #tpu.memory_space<hbm>>
      %dma_wait3A_557 = arith.constant 0 : i32
      %dma_wait3A_558 = arith.constant 0 : i32
      %dma_wait3A_559 = tpu.memref_slice %arg2[%arg0, %dma_wait3A_557, %dma_wait3A_558] : memref<2x10240x64xf32, #tpu.memory_space<hbm>> -> memref<1x128x64xf32, #tpu.memory_space<hbm>>
      %dma_wait3A_560 = tpu.memref_squeeze %dma_wait3A_559 : memref<1x128x64xf32, #tpu.memory_space<hbm>> -> memref<128x64xf32, #tpu.memory_space<hbm>>
      tpu.wait_dma2 semaphore(%arg14 : memref<!tpu.dma_semaphore, #tpu.memory_space<semaphore_mem>>) src(%dma_wait3A_560 : memref<128x64xf32, #tpu.memory_space<hbm>>) dst(%arg10 : memref<128x64xf32, #tpu.memory_space<vmem>>)
      %sub3A_561 = arith.constant 1 : i32
      %sub3A_562 = arith.subi %sub3A_561, %and3A_503 : i32
      %dma_start3A_563 = arith.constant 14 : i32
      %dma_start3A_564 = arith.constant 0 : i32
      %dma_start3A_565 = tpu.memref_slice %arg7[%sub3A_562, %dma_start3A_563, %dma_start3A_564] : memref<2x16x128xi32, #tpu.memory_space<vmem>> -> memref<1x1x128xi32, #tpu.memory_space<vmem>>
      %dma_start3A_566 = tpu.memref_squeeze %dma_start3A_565 : memref<1x1x128xi32, #tpu.memory_space<vmem>> -> memref<128xi32, #tpu.memory_space<vmem>>
      %dma_start3A_567 = arith.constant 0 : i32
      %dma_start3A_568 = arith.constant 0 : i32
      %dma_start3A_569 = tpu.memref_slice %arg20[%dma_start3A_567, %dma_start3A_568] : memref<10240x64xf32, #tpu.memory_space<vmem_shared>> -> memref<10240x64xf32, #tpu.memory_space<vmem_shared>>
      tpu.enqueue_indirect_dma source(%arg10 : memref<128x64xf32, #tpu.memory_space<vmem>>) target(%dma_start3A_569 : memref<10240x64xf32, #tpu.memory_space<vmem_shared>>) offsets(%dma_start3A_566 : memref<128xi32, #tpu.memory_space<vmem>>) semaphore(%arg18 : memref<!tpu.dma_semaphore, #tpu.memory_space<semaphore_mem>>) {add = true}
      %dma_wait3A_570 = arith.constant 0 : i32
      %dma_wait3A_571 = arith.constant 0 : i32
      %dma_wait3A_572 = tpu.memref_slice %arg20[%dma_wait3A_570, %dma_wait3A_571] : memref<10240x64xf32, #tpu.memory_space<vmem_shared>> -> memref<128x64xf32, #tpu.memory_space<vmem_shared>>
      %dma_wait3A_573 = arith.constant 0 : i32
      %dma_wait3A_574 = arith.constant 0 : i32
      %dma_wait3A_575 = tpu.memref_slice %arg20[%dma_wait3A_573, %dma_wait3A_574] : memref<10240x64xf32, #tpu.memory_space<vmem_shared>> -> memref<128x64xf32, #tpu.memory_space<vmem_shared>>
      tpu.wait_dma2 semaphore(%arg18 : memref<!tpu.dma_semaphore, #tpu.memory_space<semaphore_mem>>) src(%arg10 : memref<128x64xf32, #tpu.memory_space<vmem>>) dst(%dma_wait3A_575 : memref<128x64xf32, #tpu.memory_space<vmem_shared>>)
      %dma_start3A_576 = arith.constant 2 : i32
      %dma_start3A_577 = arith.constant 0 : i32
      %dma_start3A_578 = tpu.memref_slice %arg6[%and3A_503, %dma_start3A_576, %dma_start3A_577] : memref<2x16x128xi32, #tpu.memory_space<vmem>> -> memref<1x1x128xi32, #tpu.memory_space<vmem>>
      %dma_start3A_579 = tpu.memref_squeeze %dma_start3A_578 : memref<1x1x128xi32, #tpu.memory_space<vmem>> -> memref<128xi32, #tpu.memory_space<vmem>>
      %dma_start3A_580 = arith.constant 0 : i32
      %dma_start3A_581 = arith.constant 0 : i32
      %dma_start3A_582 = tpu.memref_slice %arg21[%dma_start3A_580, %dma_start3A_581] : memref<10240x64xf32, #tpu.memory_space<vmem_shared>> -> memref<10240x64xf32, #tpu.memory_space<vmem_shared>>
      tpu.enqueue_indirect_dma source(%dma_start3A_582 : memref<10240x64xf32, #tpu.memory_space<vmem_shared>>) target(%arg10 : memref<128x64xf32, #tpu.memory_space<vmem>>) offsets(%dma_start3A_579 : memref<128xi32, #tpu.memory_space<vmem>>) semaphore(%arg14 : memref<!tpu.dma_semaphore, #tpu.memory_space<semaphore_mem>>)
      %dma_wait3A_583 = arith.constant 0 : i32
      %dma_wait3A_584 = arith.constant 0 : i32
      %dma_wait3A_585 = tpu.memref_slice %arg2[%arg0, %dma_wait3A_583, %dma_wait3A_584] : memref<2x10240x64xf32, #tpu.memory_space<hbm>> -> memref<1x128x64xf32, #tpu.memory_space<hbm>>
      %dma_wait3A_586 = tpu.memref_squeeze %dma_wait3A_585 : memref<1x128x64xf32, #tpu.memory_space<hbm>> -> memref<128x64xf32, #tpu.memory_space<hbm>>
      %dma_wait3A_587 = arith.constant 0 : i32
      %dma_wait3A_588 = arith.constant 0 : i32
      %dma_wait3A_589 = tpu.memref_slice %arg2[%arg0, %dma_wait3A_587, %dma_wait3A_588] : memref<2x10240x64xf32, #tpu.memory_space<hbm>> -> memref<1x128x64xf32, #tpu.memory_space<hbm>>
      %dma_wait3A_590 = tpu.memref_squeeze %dma_wait3A_589 : memref<1x128x64xf32, #tpu.memory_space<hbm>> -> memref<128x64xf32, #tpu.memory_space<hbm>>
      tpu.wait_dma2 semaphore(%arg15 : memref<!tpu.dma_semaphore, #tpu.memory_space<semaphore_mem>>) src(%dma_wait3A_590 : memref<128x64xf32, #tpu.memory_space<hbm>>) dst(%arg11 : memref<128x64xf32, #tpu.memory_space<vmem>>)
      %sub3A_591 = arith.constant 1 : i32
      %sub3A_592 = arith.subi %sub3A_591, %and3A_503 : i32
      %dma_start3A_593 = arith.constant 15 : i32
      %dma_start3A_594 = arith.constant 0 : i32
      %dma_start3A_595 = tpu.memref_slice %arg7[%sub3A_592, %dma_start3A_593, %dma_start3A_594] : memref<2x16x128xi32, #tpu.memory_space<vmem>> -> memref<1x1x128xi32, #tpu.memory_space<vmem>>
      %dma_start3A_596 = tpu.memref_squeeze %dma_start3A_595 : memref<1x1x128xi32, #tpu.memory_space<vmem>> -> memref<128xi32, #tpu.memory_space<vmem>>
      %dma_start3A_597 = arith.constant 0 : i32
      %dma_start3A_598 = arith.constant 0 : i32
      %dma_start3A_599 = tpu.memref_slice %arg20[%dma_start3A_597, %dma_start3A_598] : memref<10240x64xf32, #tpu.memory_space<vmem_shared>> -> memref<10240x64xf32, #tpu.memory_space<vmem_shared>>
      tpu.enqueue_indirect_dma source(%arg11 : memref<128x64xf32, #tpu.memory_space<vmem>>) target(%dma_start3A_599 : memref<10240x64xf32, #tpu.memory_space<vmem_shared>>) offsets(%dma_start3A_596 : memref<128xi32, #tpu.memory_space<vmem>>) semaphore(%arg19 : memref<!tpu.dma_semaphore, #tpu.memory_space<semaphore_mem>>) {add = true}
      %dma_wait3A_600 = arith.constant 0 : i32
      %dma_wait3A_601 = arith.constant 0 : i32
      %dma_wait3A_602 = tpu.memref_slice %arg20[%dma_wait3A_600, %dma_wait3A_601] : memref<10240x64xf32, #tpu.memory_space<vmem_shared>> -> memref<128x64xf32, #tpu.memory_space<vmem_shared>>
      %dma_wait3A_603 = arith.constant 0 : i32
      %dma_wait3A_604 = arith.constant 0 : i32
      %dma_wait3A_605 = tpu.memref_slice %arg20[%dma_wait3A_603, %dma_wait3A_604] : memref<10240x64xf32, #tpu.memory_space<vmem_shared>> -> memref<128x64xf32, #tpu.memory_space<vmem_shared>>
      tpu.wait_dma2 semaphore(%arg19 : memref<!tpu.dma_semaphore, #tpu.memory_space<semaphore_mem>>) src(%arg11 : memref<128x64xf32, #tpu.memory_space<vmem>>) dst(%dma_wait3A_605 : memref<128x64xf32, #tpu.memory_space<vmem_shared>>)
      %dma_start3A_606 = arith.constant 3 : i32
      %dma_start3A_607 = arith.constant 0 : i32
      %dma_start3A_608 = tpu.memref_slice %arg6[%and3A_503, %dma_start3A_606, %dma_start3A_607] : memref<2x16x128xi32, #tpu.memory_space<vmem>> -> memref<1x1x128xi32, #tpu.memory_space<vmem>>
      %dma_start3A_609 = tpu.memref_squeeze %dma_start3A_608 : memref<1x1x128xi32, #tpu.memory_space<vmem>> -> memref<128xi32, #tpu.memory_space<vmem>>
      %dma_start3A_610 = arith.constant 0 : i32
      %dma_start3A_611 = arith.constant 0 : i32
      %dma_start3A_612 = tpu.memref_slice %arg21[%dma_start3A_610, %dma_start3A_611] : memref<10240x64xf32, #tpu.memory_space<vmem_shared>> -> memref<10240x64xf32, #tpu.memory_space<vmem_shared>>
      tpu.enqueue_indirect_dma source(%dma_start3A_612 : memref<10240x64xf32, #tpu.memory_space<vmem_shared>>) target(%arg11 : memref<128x64xf32, #tpu.memory_space<vmem>>) offsets(%dma_start3A_609 : memref<128xi32, #tpu.memory_space<vmem>>) semaphore(%arg15 : memref<!tpu.dma_semaphore, #tpu.memory_space<semaphore_mem>>)
      %dma_wait3A_613 = arith.constant 0 : i32
      %dma_wait3A_614 = arith.constant 0 : i32
      %dma_wait3A_615 = tpu.memref_slice %arg2[%arg0, %dma_wait3A_613, %dma_wait3A_614] : memref<2x10240x64xf32, #tpu.memory_space<hbm>> -> memref<1x128x64xf32, #tpu.memory_space<hbm>>
      %dma_wait3A_616 = tpu.memref_squeeze %dma_wait3A_615 : memref<1x128x64xf32, #tpu.memory_space<hbm>> -> memref<128x64xf32, #tpu.memory_space<hbm>>
      %dma_wait3A_617 = arith.constant 0 : i32
      %dma_wait3A_618 = arith.constant 0 : i32
      %dma_wait3A_619 = tpu.memref_slice %arg2[%arg0, %dma_wait3A_617, %dma_wait3A_618] : memref<2x10240x64xf32, #tpu.memory_space<hbm>> -> memref<1x128x64xf32, #tpu.memory_space<hbm>>
      %dma_wait3A_620 = tpu.memref_squeeze %dma_wait3A_619 : memref<1x128x64xf32, #tpu.memory_space<hbm>> -> memref<128x64xf32, #tpu.memory_space<hbm>>
      tpu.wait_dma2 semaphore(%arg12 : memref<!tpu.dma_semaphore, #tpu.memory_space<semaphore_mem>>) src(%dma_wait3A_620 : memref<128x64xf32, #tpu.memory_space<hbm>>) dst(%arg8 : memref<128x64xf32, #tpu.memory_space<vmem>>)
      %dma_start3A_621 = arith.constant 0 : i32
      %dma_start3A_622 = arith.constant 0 : i32
      %dma_start3A_623 = tpu.memref_slice %arg7[%and3A_503, %dma_start3A_621, %dma_start3A_622] : memref<2x16x128xi32, #tpu.memory_space<vmem>> -> memref<1x1x128xi32, #tpu.memory_space<vmem>>
      %dma_start3A_624 = tpu.memref_squeeze %dma_start3A_623 : memref<1x1x128xi32, #tpu.memory_space<vmem>> -> memref<128xi32, #tpu.memory_space<vmem>>
      %dma_start3A_625 = arith.constant 0 : i32
      %dma_start3A_626 = arith.constant 0 : i32
      %dma_start3A_627 = tpu.memref_slice %arg20[%dma_start3A_625, %dma_start3A_626] : memref<10240x64xf32, #tpu.memory_space<vmem_shared>> -> memref<10240x64xf32, #tpu.memory_space<vmem_shared>>
      tpu.enqueue_indirect_dma source(%arg8 : memref<128x64xf32, #tpu.memory_space<vmem>>) target(%dma_start3A_627 : memref<10240x64xf32, #tpu.memory_space<vmem_shared>>) offsets(%dma_start3A_624 : memref<128xi32, #tpu.memory_space<vmem>>) semaphore(%arg16 : memref<!tpu.dma_semaphore, #tpu.memory_space<semaphore_mem>>) {add = true}
      %dma_wait3A_628 = arith.constant 0 : i32
      %dma_wait3A_629 = arith.constant 0 : i32
      %dma_wait3A_630 = tpu.memref_slice %arg20[%dma_wait3A_628, %dma_wait3A_629] : memref<10240x64xf32, #tpu.memory_space<vmem_shared>> -> memref<128x64xf32, #tpu.memory_space<vmem_shared>>
      %dma_wait3A_631 = arith.constant 0 : i32
      %dma_wait3A_632 = arith.constant 0 : i32
      %dma_wait3A_633 = tpu.memref_slice %arg20[%dma_wait3A_631, %dma_wait3A_632] : memref<10240x64xf32, #tpu.memory_space<vmem_shared>> -> memref<128x64xf32, #tpu.memory_space<vmem_shared>>
      tpu.wait_dma2 semaphore(%arg16 : memref<!tpu.dma_semaphore, #tpu.memory_space<semaphore_mem>>) src(%arg8 : memref<128x64xf32, #tpu.memory_space<vmem>>) dst(%dma_wait3A_633 : memref<128x64xf32, #tpu.memory_space<vmem_shared>>)
      %dma_start3A_634 = arith.constant 4 : i32
      %dma_start3A_635 = arith.constant 0 : i32
      %dma_start3A_636 = tpu.memref_slice %arg6[%and3A_503, %dma_start3A_634, %dma_start3A_635] : memref<2x16x128xi32, #tpu.memory_space<vmem>> -> memref<1x1x128xi32, #tpu.memory_space<vmem>>
      %dma_start3A_637 = tpu.memref_squeeze %dma_start3A_636 : memref<1x1x128xi32, #tpu.memory_space<vmem>> -> memref<128xi32, #tpu.memory_space<vmem>>
      %dma_start3A_638 = arith.constant 0 : i32
      %dma_start3A_639 = arith.constant 0 : i32
      %dma_start3A_640 = tpu.memref_slice %arg21[%dma_start3A_638, %dma_start3A_639] : memref<10240x64xf32, #tpu.memory_space<vmem_shared>> -> memref<10240x64xf32, #tpu.memory_space<vmem_shared>>
      tpu.enqueue_indirect_dma source(%dma_start3A_640 : memref<10240x64xf32, #tpu.memory_space<vmem_shared>>) target(%arg8 : memref<128x64xf32, #tpu.memory_space<vmem>>) offsets(%dma_start3A_637 : memref<128xi32, #tpu.memory_space<vmem>>) semaphore(%arg12 : memref<!tpu.dma_semaphore, #tpu.memory_space<semaphore_mem>>)
      %dma_wait3A_641 = arith.constant 0 : i32
      %dma_wait3A_642 = arith.constant 0 : i32
      %dma_wait3A_643 = tpu.memref_slice %arg2[%arg0, %dma_wait3A_641, %dma_wait3A_642] : memref<2x10240x64xf32, #tpu.memory_space<hbm>> -> memref<1x128x64xf32, #tpu.memory_space<hbm>>
      %dma_wait3A_644 = tpu.memref_squeeze %dma_wait3A_643 : memref<1x128x64xf32, #tpu.memory_space<hbm>> -> memref<128x64xf32, #tpu.memory_space<hbm>>
      %dma_wait3A_645 = arith.constant 0 : i32
      %dma_wait3A_646 = arith.constant 0 : i32
      %dma_wait3A_647 = tpu.memref_slice %arg2[%arg0, %dma_wait3A_645, %dma_wait3A_646] : memref<2x10240x64xf32, #tpu.memory_space<hbm>> -> memref<1x128x64xf32, #tpu.memory_space<hbm>>
      %dma_wait3A_648 = tpu.memref_squeeze %dma_wait3A_647 : memref<1x128x64xf32, #tpu.memory_space<hbm>> -> memref<128x64xf32, #tpu.memory_space<hbm>>
      tpu.wait_dma2 semaphore(%arg13 : memref<!tpu.dma_semaphore, #tpu.memory_space<semaphore_mem>>) src(%dma_wait3A_648 : memref<128x64xf32, #tpu.memory_space<hbm>>) dst(%arg9 : memref<128x64xf32, #tpu.memory_space<vmem>>)
      %dma_start3A_649 = arith.constant 1 : i32
      %dma_start3A_650 = arith.constant 0 : i32
      %dma_start3A_651 = tpu.memref_slice %arg7[%and3A_503, %dma_start3A_649, %dma_start3A_650] : memref<2x16x128xi32, #tpu.memory_space<vmem>> -> memref<1x1x128xi32, #tpu.memory_space<vmem>>
      %dma_start3A_652 = tpu.memref_squeeze %dma_start3A_651 : memref<1x1x128xi32, #tpu.memory_space<vmem>> -> memref<128xi32, #tpu.memory_space<vmem>>
      %dma_start3A_653 = arith.constant 0 : i32
      %dma_start3A_654 = arith.constant 0 : i32
      %dma_start3A_655 = tpu.memref_slice %arg20[%dma_start3A_653, %dma_start3A_654] : memref<10240x64xf32, #tpu.memory_space<vmem_shared>> -> memref<10240x64xf32, #tpu.memory_space<vmem_shared>>
      tpu.enqueue_indirect_dma source(%arg9 : memref<128x64xf32, #tpu.memory_space<vmem>>) target(%dma_start3A_655 : memref<10240x64xf32, #tpu.memory_space<vmem_shared>>) offsets(%dma_start3A_652 : memref<128xi32, #tpu.memory_space<vmem>>) semaphore(%arg17 : memref<!tpu.dma_semaphore, #tpu.memory_space<semaphore_mem>>) {add = true}
      %dma_wait3A_656 = arith.constant 0 : i32
      %dma_wait3A_657 = arith.constant 0 : i32
      %dma_wait3A_658 = tpu.memref_slice %arg20[%dma_wait3A_656, %dma_wait3A_657] : memref<10240x64xf32, #tpu.memory_space<vmem_shared>> -> memref<128x64xf32, #tpu.memory_space<vmem_shared>>
      %dma_wait3A_659 = arith.constant 0 : i32
      %dma_wait3A_660 = arith.constant 0 : i32
      %dma_wait3A_661 = tpu.memref_slice %arg20[%dma_wait3A_659, %dma_wait3A_660] : memref<10240x64xf32, #tpu.memory_space<vmem_shared>> -> memref<128x64xf32, #tpu.memory_space<vmem_shared>>
      tpu.wait_dma2 semaphore(%arg17 : memref<!tpu.dma_semaphore, #tpu.memory_space<semaphore_mem>>) src(%arg9 : memref<128x64xf32, #tpu.memory_space<vmem>>) dst(%dma_wait3A_661 : memref<128x64xf32, #tpu.memory_space<vmem_shared>>)
      %dma_start3A_662 = arith.constant 5 : i32
      %dma_start3A_663 = arith.constant 0 : i32
      %dma_start3A_664 = tpu.memref_slice %arg6[%and3A_503, %dma_start3A_662, %dma_start3A_663] : memref<2x16x128xi32, #tpu.memory_space<vmem>> -> memref<1x1x128xi32, #tpu.memory_space<vmem>>
      %dma_start3A_665 = tpu.memref_squeeze %dma_start3A_664 : memref<1x1x128xi32, #tpu.memory_space<vmem>> -> memref<128xi32, #tpu.memory_space<vmem>>
      %dma_start3A_666 = arith.constant 0 : i32
      %dma_start3A_667 = arith.constant 0 : i32
      %dma_start3A_668 = tpu.memref_slice %arg21[%dma_start3A_666, %dma_start3A_667] : memref<10240x64xf32, #tpu.memory_space<vmem_shared>> -> memref<10240x64xf32, #tpu.memory_space<vmem_shared>>
      tpu.enqueue_indirect_dma source(%dma_start3A_668 : memref<10240x64xf32, #tpu.memory_space<vmem_shared>>) target(%arg9 : memref<128x64xf32, #tpu.memory_space<vmem>>) offsets(%dma_start3A_665 : memref<128xi32, #tpu.memory_space<vmem>>) semaphore(%arg13 : memref<!tpu.dma_semaphore, #tpu.memory_space<semaphore_mem>>)
      %dma_wait3A_669 = arith.constant 0 : i32
      %dma_wait3A_670 = arith.constant 0 : i32
      %dma_wait3A_671 = tpu.memref_slice %arg2[%arg0, %dma_wait3A_669, %dma_wait3A_670] : memref<2x10240x64xf32, #tpu.memory_space<hbm>> -> memref<1x128x64xf32, #tpu.memory_space<hbm>>
      %dma_wait3A_672 = tpu.memref_squeeze %dma_wait3A_671 : memref<1x128x64xf32, #tpu.memory_space<hbm>> -> memref<128x64xf32, #tpu.memory_space<hbm>>
      %dma_wait3A_673 = arith.constant 0 : i32
      %dma_wait3A_674 = arith.constant 0 : i32
      %dma_wait3A_675 = tpu.memref_slice %arg2[%arg0, %dma_wait3A_673, %dma_wait3A_674] : memref<2x10240x64xf32, #tpu.memory_space<hbm>> -> memref<1x128x64xf32, #tpu.memory_space<hbm>>
      %dma_wait3A_676 = tpu.memref_squeeze %dma_wait3A_675 : memref<1x128x64xf32, #tpu.memory_space<hbm>> -> memref<128x64xf32, #tpu.memory_space<hbm>>
      tpu.wait_dma2 semaphore(%arg14 : memref<!tpu.dma_semaphore, #tpu.memory_space<semaphore_mem>>) src(%dma_wait3A_676 : memref<128x64xf32, #tpu.memory_space<hbm>>) dst(%arg10 : memref<128x64xf32, #tpu.memory_space<vmem>>)
      %dma_start3A_677 = arith.constant 2 : i32
      %dma_start3A_678 = arith.constant 0 : i32
      %dma_start3A_679 = tpu.memref_slice %arg7[%and3A_503, %dma_start3A_677, %dma_start3A_678] : memref<2x16x128xi32, #tpu.memory_space<vmem>> -> memref<1x1x128xi32, #tpu.memory_space<vmem>>
      %dma_start3A_680 = tpu.memref_squeeze %dma_start3A_679 : memref<1x1x128xi32, #tpu.memory_space<vmem>> -> memref<128xi32, #tpu.memory_space<vmem>>
      %dma_start3A_681 = arith.constant 0 : i32
      %dma_start3A_682 = arith.constant 0 : i32
      %dma_start3A_683 = tpu.memref_slice %arg20[%dma_start3A_681, %dma_start3A_682] : memref<10240x64xf32, #tpu.memory_space<vmem_shared>> -> memref<10240x64xf32, #tpu.memory_space<vmem_shared>>
      tpu.enqueue_indirect_dma source(%arg10 : memref<128x64xf32, #tpu.memory_space<vmem>>) target(%dma_start3A_683 : memref<10240x64xf32, #tpu.memory_space<vmem_shared>>) offsets(%dma_start3A_680 : memref<128xi32, #tpu.memory_space<vmem>>) semaphore(%arg18 : memref<!tpu.dma_semaphore, #tpu.memory_space<semaphore_mem>>) {add = true}
      %dma_wait3A_684 = arith.constant 0 : i32
      %dma_wait3A_685 = arith.constant 0 : i32
      %dma_wait3A_686 = tpu.memref_slice %arg20[%dma_wait3A_684, %dma_wait3A_685] : memref<10240x64xf32, #tpu.memory_space<vmem_shared>> -> memref<128x64xf32, #tpu.memory_space<vmem_shared>>
      %dma_wait3A_687 = arith.constant 0 : i32
      %dma_wait3A_688 = arith.constant 0 : i32
      %dma_wait3A_689 = tpu.memref_slice %arg20[%dma_wait3A_687, %dma_wait3A_688] : memref<10240x64xf32, #tpu.memory_space<vmem_shared>> -> memref<128x64xf32, #tpu.memory_space<vmem_shared>>
      tpu.wait_dma2 semaphore(%arg18 : memref<!tpu.dma_semaphore, #tpu.memory_space<semaphore_mem>>) src(%arg10 : memref<128x64xf32, #tpu.memory_space<vmem>>) dst(%dma_wait3A_689 : memref<128x64xf32, #tpu.memory_space<vmem_shared>>)
      %dma_start3A_690 = arith.constant 6 : i32
      %dma_start3A_691 = arith.constant 0 : i32
      %dma_start3A_692 = tpu.memref_slice %arg6[%and3A_503, %dma_start3A_690, %dma_start3A_691] : memref<2x16x128xi32, #tpu.memory_space<vmem>> -> memref<1x1x128xi32, #tpu.memory_space<vmem>>
      %dma_start3A_693 = tpu.memref_squeeze %dma_start3A_692 : memref<1x1x128xi32, #tpu.memory_space<vmem>> -> memref<128xi32, #tpu.memory_space<vmem>>
      %dma_start3A_694 = arith.constant 0 : i32
      %dma_start3A_695 = arith.constant 0 : i32
      %dma_start3A_696 = tpu.memref_slice %arg21[%dma_start3A_694, %dma_start3A_695] : memref<10240x64xf32, #tpu.memory_space<vmem_shared>> -> memref<10240x64xf32, #tpu.memory_space<vmem_shared>>
      tpu.enqueue_indirect_dma source(%dma_start3A_696 : memref<10240x64xf32, #tpu.memory_space<vmem_shared>>) target(%arg10 : memref<128x64xf32, #tpu.memory_space<vmem>>) offsets(%dma_start3A_693 : memref<128xi32, #tpu.memory_space<vmem>>) semaphore(%arg14 : memref<!tpu.dma_semaphore, #tpu.memory_space<semaphore_mem>>)
      %dma_wait3A_697 = arith.constant 0 : i32
      %dma_wait3A_698 = arith.constant 0 : i32
      %dma_wait3A_699 = tpu.memref_slice %arg2[%arg0, %dma_wait3A_697, %dma_wait3A_698] : memref<2x10240x64xf32, #tpu.memory_space<hbm>> -> memref<1x128x64xf32, #tpu.memory_space<hbm>>
      %dma_wait3A_700 = tpu.memref_squeeze %dma_wait3A_699 : memref<1x128x64xf32, #tpu.memory_space<hbm>> -> memref<128x64xf32, #tpu.memory_space<hbm>>
      %dma_wait3A_701 = arith.constant 0 : i32
      %dma_wait3A_702 = arith.constant 0 : i32
      %dma_wait3A_703 = tpu.memref_slice %arg2[%arg0, %dma_wait3A_701, %dma_wait3A_702] : memref<2x10240x64xf32, #tpu.memory_space<hbm>> -> memref<1x128x64xf32, #tpu.memory_space<hbm>>
      %dma_wait3A_704 = tpu.memref_squeeze %dma_wait3A_703 : memref<1x128x64xf32, #tpu.memory_space<hbm>> -> memref<128x64xf32, #tpu.memory_space<hbm>>
      tpu.wait_dma2 semaphore(%arg15 : memref<!tpu.dma_semaphore, #tpu.memory_space<semaphore_mem>>) src(%dma_wait3A_704 : memref<128x64xf32, #tpu.memory_space<hbm>>) dst(%arg11 : memref<128x64xf32, #tpu.memory_space<vmem>>)
      %dma_start3A_705 = arith.constant 3 : i32
      %dma_start3A_706 = arith.constant 0 : i32
      %dma_start3A_707 = tpu.memref_slice %arg7[%and3A_503, %dma_start3A_705, %dma_start3A_706] : memref<2x16x128xi32, #tpu.memory_space<vmem>> -> memref<1x1x128xi32, #tpu.memory_space<vmem>>
      %dma_start3A_708 = tpu.memref_squeeze %dma_start3A_707 : memref<1x1x128xi32, #tpu.memory_space<vmem>> -> memref<128xi32, #tpu.memory_space<vmem>>
      %dma_start3A_709 = arith.constant 0 : i32
      %dma_start3A_710 = arith.constant 0 : i32
      %dma_start3A_711 = tpu.memref_slice %arg20[%dma_start3A_709, %dma_start3A_710] : memref<10240x64xf32, #tpu.memory_space<vmem_shared>> -> memref<10240x64xf32, #tpu.memory_space<vmem_shared>>
      tpu.enqueue_indirect_dma source(%arg11 : memref<128x64xf32, #tpu.memory_space<vmem>>) target(%dma_start3A_711 : memref<10240x64xf32, #tpu.memory_space<vmem_shared>>) offsets(%dma_start3A_708 : memref<128xi32, #tpu.memory_space<vmem>>) semaphore(%arg19 : memref<!tpu.dma_semaphore, #tpu.memory_space<semaphore_mem>>) {add = true}
      %dma_wait3A_712 = arith.constant 0 : i32
      %dma_wait3A_713 = arith.constant 0 : i32
      %dma_wait3A_714 = tpu.memref_slice %arg20[%dma_wait3A_712, %dma_wait3A_713] : memref<10240x64xf32, #tpu.memory_space<vmem_shared>> -> memref<128x64xf32, #tpu.memory_space<vmem_shared>>
      %dma_wait3A_715 = arith.constant 0 : i32
      %dma_wait3A_716 = arith.constant 0 : i32
      %dma_wait3A_717 = tpu.memref_slice %arg20[%dma_wait3A_715, %dma_wait3A_716] : memref<10240x64xf32, #tpu.memory_space<vmem_shared>> -> memref<128x64xf32, #tpu.memory_space<vmem_shared>>
      tpu.wait_dma2 semaphore(%arg19 : memref<!tpu.dma_semaphore, #tpu.memory_space<semaphore_mem>>) src(%arg11 : memref<128x64xf32, #tpu.memory_space<vmem>>) dst(%dma_wait3A_717 : memref<128x64xf32, #tpu.memory_space<vmem_shared>>)
      %dma_start3A_718 = arith.constant 7 : i32
      %dma_start3A_719 = arith.constant 0 : i32
      %dma_start3A_720 = tpu.memref_slice %arg6[%and3A_503, %dma_start3A_718, %dma_start3A_719] : memref<2x16x128xi32, #tpu.memory_space<vmem>> -> memref<1x1x128xi32, #tpu.memory_space<vmem>>
      %dma_start3A_721 = tpu.memref_squeeze %dma_start3A_720 : memref<1x1x128xi32, #tpu.memory_space<vmem>> -> memref<128xi32, #tpu.memory_space<vmem>>
      %dma_start3A_722 = arith.constant 0 : i32
      %dma_start3A_723 = arith.constant 0 : i32
      %dma_start3A_724 = tpu.memref_slice %arg21[%dma_start3A_722, %dma_start3A_723] : memref<10240x64xf32, #tpu.memory_space<vmem_shared>> -> memref<10240x64xf32, #tpu.memory_space<vmem_shared>>
      tpu.enqueue_indirect_dma source(%dma_start3A_724 : memref<10240x64xf32, #tpu.memory_space<vmem_shared>>) target(%arg11 : memref<128x64xf32, #tpu.memory_space<vmem>>) offsets(%dma_start3A_721 : memref<128xi32, #tpu.memory_space<vmem>>) semaphore(%arg15 : memref<!tpu.dma_semaphore, #tpu.memory_space<semaphore_mem>>)
      %dma_wait3A_725 = arith.constant 0 : i32
      %dma_wait3A_726 = arith.constant 0 : i32
      %dma_wait3A_727 = tpu.memref_slice %arg2[%arg0, %dma_wait3A_725, %dma_wait3A_726] : memref<2x10240x64xf32, #tpu.memory_space<hbm>> -> memref<1x128x64xf32, #tpu.memory_space<hbm>>
      %dma_wait3A_728 = tpu.memref_squeeze %dma_wait3A_727 : memref<1x128x64xf32, #tpu.memory_space<hbm>> -> memref<128x64xf32, #tpu.memory_space<hbm>>
      %dma_wait3A_729 = arith.constant 0 : i32
      %dma_wait3A_730 = arith.constant 0 : i32
      %dma_wait3A_731 = tpu.memref_slice %arg2[%arg0, %dma_wait3A_729, %dma_wait3A_730] : memref<2x10240x64xf32, #tpu.memory_space<hbm>> -> memref<1x128x64xf32, #tpu.memory_space<hbm>>
      %dma_wait3A_732 = tpu.memref_squeeze %dma_wait3A_731 : memref<1x128x64xf32, #tpu.memory_space<hbm>> -> memref<128x64xf32, #tpu.memory_space<hbm>>
      tpu.wait_dma2 semaphore(%arg12 : memref<!tpu.dma_semaphore, #tpu.memory_space<semaphore_mem>>) src(%dma_wait3A_732 : memref<128x64xf32, #tpu.memory_space<hbm>>) dst(%arg8 : memref<128x64xf32, #tpu.memory_space<vmem>>)
      %dma_start3A_733 = arith.constant 4 : i32
      %dma_start3A_734 = arith.constant 0 : i32
      %dma_start3A_735 = tpu.memref_slice %arg7[%and3A_503, %dma_start3A_733, %dma_start3A_734] : memref<2x16x128xi32, #tpu.memory_space<vmem>> -> memref<1x1x128xi32, #tpu.memory_space<vmem>>
      %dma_start3A_736 = tpu.memref_squeeze %dma_start3A_735 : memref<1x1x128xi32, #tpu.memory_space<vmem>> -> memref<128xi32, #tpu.memory_space<vmem>>
      %dma_start3A_737 = arith.constant 0 : i32
      %dma_start3A_738 = arith.constant 0 : i32
      %dma_start3A_739 = tpu.memref_slice %arg20[%dma_start3A_737, %dma_start3A_738] : memref<10240x64xf32, #tpu.memory_space<vmem_shared>> -> memref<10240x64xf32, #tpu.memory_space<vmem_shared>>
      tpu.enqueue_indirect_dma source(%arg8 : memref<128x64xf32, #tpu.memory_space<vmem>>) target(%dma_start3A_739 : memref<10240x64xf32, #tpu.memory_space<vmem_shared>>) offsets(%dma_start3A_736 : memref<128xi32, #tpu.memory_space<vmem>>) semaphore(%arg16 : memref<!tpu.dma_semaphore, #tpu.memory_space<semaphore_mem>>) {add = true}
      %dma_wait3A_740 = arith.constant 0 : i32
      %dma_wait3A_741 = arith.constant 0 : i32
      %dma_wait3A_742 = tpu.memref_slice %arg20[%dma_wait3A_740, %dma_wait3A_741] : memref<10240x64xf32, #tpu.memory_space<vmem_shared>> -> memref<128x64xf32, #tpu.memory_space<vmem_shared>>
      %dma_wait3A_743 = arith.constant 0 : i32
      %dma_wait3A_744 = arith.constant 0 : i32
      %dma_wait3A_745 = tpu.memref_slice %arg20[%dma_wait3A_743, %dma_wait3A_744] : memref<10240x64xf32, #tpu.memory_space<vmem_shared>> -> memref<128x64xf32, #tpu.memory_space<vmem_shared>>
      tpu.wait_dma2 semaphore(%arg16 : memref<!tpu.dma_semaphore, #tpu.memory_space<semaphore_mem>>) src(%arg8 : memref<128x64xf32, #tpu.memory_space<vmem>>) dst(%dma_wait3A_745 : memref<128x64xf32, #tpu.memory_space<vmem_shared>>)
      %dma_start3A_746 = arith.constant 8 : i32
      %dma_start3A_747 = arith.constant 0 : i32
      %dma_start3A_748 = tpu.memref_slice %arg6[%and3A_503, %dma_start3A_746, %dma_start3A_747] : memref<2x16x128xi32, #tpu.memory_space<vmem>> -> memref<1x1x128xi32, #tpu.memory_space<vmem>>
      %dma_start3A_749 = tpu.memref_squeeze %dma_start3A_748 : memref<1x1x128xi32, #tpu.memory_space<vmem>> -> memref<128xi32, #tpu.memory_space<vmem>>
      %dma_start3A_750 = arith.constant 0 : i32
      %dma_start3A_751 = arith.constant 0 : i32
      %dma_start3A_752 = tpu.memref_slice %arg21[%dma_start3A_750, %dma_start3A_751] : memref<10240x64xf32, #tpu.memory_space<vmem_shared>> -> memref<10240x64xf32, #tpu.memory_space<vmem_shared>>
      tpu.enqueue_indirect_dma source(%dma_start3A_752 : memref<10240x64xf32, #tpu.memory_space<vmem_shared>>) target(%arg8 : memref<128x64xf32, #tpu.memory_space<vmem>>) offsets(%dma_start3A_749 : memref<128xi32, #tpu.memory_space<vmem>>) semaphore(%arg12 : memref<!tpu.dma_semaphore, #tpu.memory_space<semaphore_mem>>)
      %dma_wait3A_753 = arith.constant 0 : i32
      %dma_wait3A_754 = arith.constant 0 : i32
      %dma_wait3A_755 = tpu.memref_slice %arg2[%arg0, %dma_wait3A_753, %dma_wait3A_754] : memref<2x10240x64xf32, #tpu.memory_space<hbm>> -> memref<1x128x64xf32, #tpu.memory_space<hbm>>
      %dma_wait3A_756 = tpu.memref_squeeze %dma_wait3A_755 : memref<1x128x64xf32, #tpu.memory_space<hbm>> -> memref<128x64xf32, #tpu.memory_space<hbm>>
      %dma_wait3A_757 = arith.constant 0 : i32
      %dma_wait3A_758 = arith.constant 0 : i32
      %dma_wait3A_759 = tpu.memref_slice %arg2[%arg0, %dma_wait3A_757, %dma_wait3A_758] : memref<2x10240x64xf32, #tpu.memory_space<hbm>> -> memref<1x128x64xf32, #tpu.memory_space<hbm>>
      %dma_wait3A_760 = tpu.memref_squeeze %dma_wait3A_759 : memref<1x128x64xf32, #tpu.memory_space<hbm>> -> memref<128x64xf32, #tpu.memory_space<hbm>>
      tpu.wait_dma2 semaphore(%arg13 : memref<!tpu.dma_semaphore, #tpu.memory_space<semaphore_mem>>) src(%dma_wait3A_760 : memref<128x64xf32, #tpu.memory_space<hbm>>) dst(%arg9 : memref<128x64xf32, #tpu.memory_space<vmem>>)
      %dma_start3A_761 = arith.constant 5 : i32
      %dma_start3A_762 = arith.constant 0 : i32
      %dma_start3A_763 = tpu.memref_slice %arg7[%and3A_503, %dma_start3A_761, %dma_start3A_762] : memref<2x16x128xi32, #tpu.memory_space<vmem>> -> memref<1x1x128xi32, #tpu.memory_space<vmem>>
      %dma_start3A_764 = tpu.memref_squeeze %dma_start3A_763 : memref<1x1x128xi32, #tpu.memory_space<vmem>> -> memref<128xi32, #tpu.memory_space<vmem>>
      %dma_start3A_765 = arith.constant 0 : i32
      %dma_start3A_766 = arith.constant 0 : i32
      %dma_start3A_767 = tpu.memref_slice %arg20[%dma_start3A_765, %dma_start3A_766] : memref<10240x64xf32, #tpu.memory_space<vmem_shared>> -> memref<10240x64xf32, #tpu.memory_space<vmem_shared>>
      tpu.enqueue_indirect_dma source(%arg9 : memref<128x64xf32, #tpu.memory_space<vmem>>) target(%dma_start3A_767 : memref<10240x64xf32, #tpu.memory_space<vmem_shared>>) offsets(%dma_start3A_764 : memref<128xi32, #tpu.memory_space<vmem>>) semaphore(%arg17 : memref<!tpu.dma_semaphore, #tpu.memory_space<semaphore_mem>>) {add = true}
      %dma_wait3A_768 = arith.constant 0 : i32
      %dma_wait3A_769 = arith.constant 0 : i32
      %dma_wait3A_770 = tpu.memref_slice %arg20[%dma_wait3A_768, %dma_wait3A_769] : memref<10240x64xf32, #tpu.memory_space<vmem_shared>> -> memref<128x64xf32, #tpu.memory_space<vmem_shared>>
      %dma_wait3A_771 = arith.constant 0 : i32
      %dma_wait3A_772 = arith.constant 0 : i32
      %dma_wait3A_773 = tpu.memref_slice %arg20[%dma_wait3A_771, %dma_wait3A_772] : memref<10240x64xf32, #tpu.memory_space<vmem_shared>> -> memref<128x64xf32, #tpu.memory_space<vmem_shared>>
      tpu.wait_dma2 semaphore(%arg17 : memref<!tpu.dma_semaphore, #tpu.memory_space<semaphore_mem>>) src(%arg9 : memref<128x64xf32, #tpu.memory_space<vmem>>) dst(%dma_wait3A_773 : memref<128x64xf32, #tpu.memory_space<vmem_shared>>)
      %dma_start3A_774 = arith.constant 9 : i32
      %dma_start3A_775 = arith.constant 0 : i32
      %dma_start3A_776 = tpu.memref_slice %arg6[%and3A_503, %dma_start3A_774, %dma_start3A_775] : memref<2x16x128xi32, #tpu.memory_space<vmem>> -> memref<1x1x128xi32, #tpu.memory_space<vmem>>
      %dma_start3A_777 = tpu.memref_squeeze %dma_start3A_776 : memref<1x1x128xi32, #tpu.memory_space<vmem>> -> memref<128xi32, #tpu.memory_space<vmem>>
      %dma_start3A_778 = arith.constant 0 : i32
      %dma_start3A_779 = arith.constant 0 : i32
      %dma_start3A_780 = tpu.memref_slice %arg21[%dma_start3A_778, %dma_start3A_779] : memref<10240x64xf32, #tpu.memory_space<vmem_shared>> -> memref<10240x64xf32, #tpu.memory_space<vmem_shared>>
      tpu.enqueue_indirect_dma source(%dma_start3A_780 : memref<10240x64xf32, #tpu.memory_space<vmem_shared>>) target(%arg9 : memref<128x64xf32, #tpu.memory_space<vmem>>) offsets(%dma_start3A_777 : memref<128xi32, #tpu.memory_space<vmem>>) semaphore(%arg13 : memref<!tpu.dma_semaphore, #tpu.memory_space<semaphore_mem>>)
      %dma_wait3A_781 = arith.constant 0 : i32
      %dma_wait3A_782 = arith.constant 0 : i32
      %dma_wait3A_783 = tpu.memref_slice %arg2[%arg0, %dma_wait3A_781, %dma_wait3A_782] : memref<2x10240x64xf32, #tpu.memory_space<hbm>> -> memref<1x128x64xf32, #tpu.memory_space<hbm>>
      %dma_wait3A_784 = tpu.memref_squeeze %dma_wait3A_783 : memref<1x128x64xf32, #tpu.memory_space<hbm>> -> memref<128x64xf32, #tpu.memory_space<hbm>>
      %dma_wait3A_785 = arith.constant 0 : i32
      %dma_wait3A_786 = arith.constant 0 : i32
      %dma_wait3A_787 = tpu.memref_slice %arg2[%arg0, %dma_wait3A_785, %dma_wait3A_786] : memref<2x10240x64xf32, #tpu.memory_space<hbm>> -> memref<1x128x64xf32, #tpu.memory_space<hbm>>
      %dma_wait3A_788 = tpu.memref_squeeze %dma_wait3A_787 : memref<1x128x64xf32, #tpu.memory_space<hbm>> -> memref<128x64xf32, #tpu.memory_space<hbm>>
      tpu.wait_dma2 semaphore(%arg14 : memref<!tpu.dma_semaphore, #tpu.memory_space<semaphore_mem>>) src(%dma_wait3A_788 : memref<128x64xf32, #tpu.memory_space<hbm>>) dst(%arg10 : memref<128x64xf32, #tpu.memory_space<vmem>>)
      %dma_start3A_789 = arith.constant 6 : i32
      %dma_start3A_790 = arith.constant 0 : i32
      %dma_start3A_791 = tpu.memref_slice %arg7[%and3A_503, %dma_start3A_789, %dma_start3A_790] : memref<2x16x128xi32, #tpu.memory_space<vmem>> -> memref<1x1x128xi32, #tpu.memory_space<vmem>>
      %dma_start3A_792 = tpu.memref_squeeze %dma_start3A_791 : memref<1x1x128xi32, #tpu.memory_space<vmem>> -> memref<128xi32, #tpu.memory_space<vmem>>
      %dma_start3A_793 = arith.constant 0 : i32
      %dma_start3A_794 = arith.constant 0 : i32
      %dma_start3A_795 = tpu.memref_slice %arg20[%dma_start3A_793, %dma_start3A_794] : memref<10240x64xf32, #tpu.memory_space<vmem_shared>> -> memref<10240x64xf32, #tpu.memory_space<vmem_shared>>
      tpu.enqueue_indirect_dma source(%arg10 : memref<128x64xf32, #tpu.memory_space<vmem>>) target(%dma_start3A_795 : memref<10240x64xf32, #tpu.memory_space<vmem_shared>>) offsets(%dma_start3A_792 : memref<128xi32, #tpu.memory_space<vmem>>) semaphore(%arg18 : memref<!tpu.dma_semaphore, #tpu.memory_space<semaphore_mem>>) {add = true}
      %dma_wait3A_796 = arith.constant 0 : i32
      %dma_wait3A_797 = arith.constant 0 : i32
      %dma_wait3A_798 = tpu.memref_slice %arg20[%dma_wait3A_796, %dma_wait3A_797] : memref<10240x64xf32, #tpu.memory_space<vmem_shared>> -> memref<128x64xf32, #tpu.memory_space<vmem_shared>>
      %dma_wait3A_799 = arith.constant 0 : i32
      %dma_wait3A_800 = arith.constant 0 : i32
      %dma_wait3A_801 = tpu.memref_slice %arg20[%dma_wait3A_799, %dma_wait3A_800] : memref<10240x64xf32, #tpu.memory_space<vmem_shared>> -> memref<128x64xf32, #tpu.memory_space<vmem_shared>>
      tpu.wait_dma2 semaphore(%arg18 : memref<!tpu.dma_semaphore, #tpu.memory_space<semaphore_mem>>) src(%arg10 : memref<128x64xf32, #tpu.memory_space<vmem>>) dst(%dma_wait3A_801 : memref<128x64xf32, #tpu.memory_space<vmem_shared>>)
      %dma_start3A_802 = arith.constant 10 : i32
      %dma_start3A_803 = arith.constant 0 : i32
      %dma_start3A_804 = tpu.memref_slice %arg6[%and3A_503, %dma_start3A_802, %dma_start3A_803] : memref<2x16x128xi32, #tpu.memory_space<vmem>> -> memref<1x1x128xi32, #tpu.memory_space<vmem>>
      %dma_start3A_805 = tpu.memref_squeeze %dma_start3A_804 : memref<1x1x128xi32, #tpu.memory_space<vmem>> -> memref<128xi32, #tpu.memory_space<vmem>>
      %dma_start3A_806 = arith.constant 0 : i32
      %dma_start3A_807 = arith.constant 0 : i32
      %dma_start3A_808 = tpu.memref_slice %arg21[%dma_start3A_806, %dma_start3A_807] : memref<10240x64xf32, #tpu.memory_space<vmem_shared>> -> memref<10240x64xf32, #tpu.memory_space<vmem_shared>>
      tpu.enqueue_indirect_dma source(%dma_start3A_808 : memref<10240x64xf32, #tpu.memory_space<vmem_shared>>) target(%arg10 : memref<128x64xf32, #tpu.memory_space<vmem>>) offsets(%dma_start3A_805 : memref<128xi32, #tpu.memory_space<vmem>>) semaphore(%arg14 : memref<!tpu.dma_semaphore, #tpu.memory_space<semaphore_mem>>)
      %dma_wait3A_809 = arith.constant 0 : i32
      %dma_wait3A_810 = arith.constant 0 : i32
      %dma_wait3A_811 = tpu.memref_slice %arg2[%arg0, %dma_wait3A_809, %dma_wait3A_810] : memref<2x10240x64xf32, #tpu.memory_space<hbm>> -> memref<1x128x64xf32, #tpu.memory_space<hbm>>
      %dma_wait3A_812 = tpu.memref_squeeze %dma_wait3A_811 : memref<1x128x64xf32, #tpu.memory_space<hbm>> -> memref<128x64xf32, #tpu.memory_space<hbm>>
      %dma_wait3A_813 = arith.constant 0 : i32
      %dma_wait3A_814 = arith.constant 0 : i32
      %dma_wait3A_815 = tpu.memref_slice %arg2[%arg0, %dma_wait3A_813, %dma_wait3A_814] : memref<2x10240x64xf32, #tpu.memory_space<hbm>> -> memref<1x128x64xf32, #tpu.memory_space<hbm>>
      %dma_wait3A_816 = tpu.memref_squeeze %dma_wait3A_815 : memref<1x128x64xf32, #tpu.memory_space<hbm>> -> memref<128x64xf32, #tpu.memory_space<hbm>>
      tpu.wait_dma2 semaphore(%arg15 : memref<!tpu.dma_semaphore, #tpu.memory_space<semaphore_mem>>) src(%dma_wait3A_816 : memref<128x64xf32, #tpu.memory_space<hbm>>) dst(%arg11 : memref<128x64xf32, #tpu.memory_space<vmem>>)
      %dma_start3A_817 = arith.constant 7 : i32
      %dma_start3A_818 = arith.constant 0 : i32
      %dma_start3A_819 = tpu.memref_slice %arg7[%and3A_503, %dma_start3A_817, %dma_start3A_818] : memref<2x16x128xi32, #tpu.memory_space<vmem>> -> memref<1x1x128xi32, #tpu.memory_space<vmem>>
      %dma_start3A_820 = tpu.memref_squeeze %dma_start3A_819 : memref<1x1x128xi32, #tpu.memory_space<vmem>> -> memref<128xi32, #tpu.memory_space<vmem>>
      %dma_start3A_821 = arith.constant 0 : i32
      %dma_start3A_822 = arith.constant 0 : i32
      %dma_start3A_823 = tpu.memref_slice %arg20[%dma_start3A_821, %dma_start3A_822] : memref<10240x64xf32, #tpu.memory_space<vmem_shared>> -> memref<10240x64xf32, #tpu.memory_space<vmem_shared>>
      tpu.enqueue_indirect_dma source(%arg11 : memref<128x64xf32, #tpu.memory_space<vmem>>) target(%dma_start3A_823 : memref<10240x64xf32, #tpu.memory_space<vmem_shared>>) offsets(%dma_start3A_820 : memref<128xi32, #tpu.memory_space<vmem>>) semaphore(%arg19 : memref<!tpu.dma_semaphore, #tpu.memory_space<semaphore_mem>>) {add = true}
      %dma_wait3A_824 = arith.constant 0 : i32
      %dma_wait3A_825 = arith.constant 0 : i32
      %dma_wait3A_826 = tpu.memref_slice %arg20[%dma_wait3A_824, %dma_wait3A_825] : memref<10240x64xf32, #tpu.memory_space<vmem_shared>> -> memref<128x64xf32, #tpu.memory_space<vmem_shared>>
      %dma_wait3A_827 = arith.constant 0 : i32
      %dma_wait3A_828 = arith.constant 0 : i32
      %dma_wait3A_829 = tpu.memref_slice %arg20[%dma_wait3A_827, %dma_wait3A_828] : memref<10240x64xf32, #tpu.memory_space<vmem_shared>> -> memref<128x64xf32, #tpu.memory_space<vmem_shared>>
      tpu.wait_dma2 semaphore(%arg19 : memref<!tpu.dma_semaphore, #tpu.memory_space<semaphore_mem>>) src(%arg11 : memref<128x64xf32, #tpu.memory_space<vmem>>) dst(%dma_wait3A_829 : memref<128x64xf32, #tpu.memory_space<vmem_shared>>)
      %dma_start3A_830 = arith.constant 11 : i32
      %dma_start3A_831 = arith.constant 0 : i32
      %dma_start3A_832 = tpu.memref_slice %arg6[%and3A_503, %dma_start3A_830, %dma_start3A_831] : memref<2x16x128xi32, #tpu.memory_space<vmem>> -> memref<1x1x128xi32, #tpu.memory_space<vmem>>
      %dma_start3A_833 = tpu.memref_squeeze %dma_start3A_832 : memref<1x1x128xi32, #tpu.memory_space<vmem>> -> memref<128xi32, #tpu.memory_space<vmem>>
      %dma_start3A_834 = arith.constant 0 : i32
      %dma_start3A_835 = arith.constant 0 : i32
      %dma_start3A_836 = tpu.memref_slice %arg21[%dma_start3A_834, %dma_start3A_835] : memref<10240x64xf32, #tpu.memory_space<vmem_shared>> -> memref<10240x64xf32, #tpu.memory_space<vmem_shared>>
      tpu.enqueue_indirect_dma source(%dma_start3A_836 : memref<10240x64xf32, #tpu.memory_space<vmem_shared>>) target(%arg11 : memref<128x64xf32, #tpu.memory_space<vmem>>) offsets(%dma_start3A_833 : memref<128xi32, #tpu.memory_space<vmem>>) semaphore(%arg15 : memref<!tpu.dma_semaphore, #tpu.memory_space<semaphore_mem>>)
      %dma_wait3A_837 = arith.constant 0 : i32
      %dma_wait3A_838 = arith.constant 0 : i32
      %dma_wait3A_839 = tpu.memref_slice %arg2[%arg0, %dma_wait3A_837, %dma_wait3A_838] : memref<2x10240x64xf32, #tpu.memory_space<hbm>> -> memref<1x128x64xf32, #tpu.memory_space<hbm>>
      %dma_wait3A_840 = tpu.memref_squeeze %dma_wait3A_839 : memref<1x128x64xf32, #tpu.memory_space<hbm>> -> memref<128x64xf32, #tpu.memory_space<hbm>>
      %dma_wait3A_841 = arith.constant 0 : i32
      %dma_wait3A_842 = arith.constant 0 : i32
      %dma_wait3A_843 = tpu.memref_slice %arg2[%arg0, %dma_wait3A_841, %dma_wait3A_842] : memref<2x10240x64xf32, #tpu.memory_space<hbm>> -> memref<1x128x64xf32, #tpu.memory_space<hbm>>
      %dma_wait3A_844 = tpu.memref_squeeze %dma_wait3A_843 : memref<1x128x64xf32, #tpu.memory_space<hbm>> -> memref<128x64xf32, #tpu.memory_space<hbm>>
      tpu.wait_dma2 semaphore(%arg12 : memref<!tpu.dma_semaphore, #tpu.memory_space<semaphore_mem>>) src(%dma_wait3A_844 : memref<128x64xf32, #tpu.memory_space<hbm>>) dst(%arg8 : memref<128x64xf32, #tpu.memory_space<vmem>>)
      %dma_start3A_845 = arith.constant 8 : i32
      %dma_start3A_846 = arith.constant 0 : i32
      %dma_start3A_847 = tpu.memref_slice %arg7[%and3A_503, %dma_start3A_845, %dma_start3A_846] : memref<2x16x128xi32, #tpu.memory_space<vmem>> -> memref<1x1x128xi32, #tpu.memory_space<vmem>>
      %dma_start3A_848 = tpu.memref_squeeze %dma_start3A_847 : memref<1x1x128xi32, #tpu.memory_space<vmem>> -> memref<128xi32, #tpu.memory_space<vmem>>
      %dma_start3A_849 = arith.constant 0 : i32
      %dma_start3A_850 = arith.constant 0 : i32
      %dma_start3A_851 = tpu.memref_slice %arg20[%dma_start3A_849, %dma_start3A_850] : memref<10240x64xf32, #tpu.memory_space<vmem_shared>> -> memref<10240x64xf32, #tpu.memory_space<vmem_shared>>
      tpu.enqueue_indirect_dma source(%arg8 : memref<128x64xf32, #tpu.memory_space<vmem>>) target(%dma_start3A_851 : memref<10240x64xf32, #tpu.memory_space<vmem_shared>>) offsets(%dma_start3A_848 : memref<128xi32, #tpu.memory_space<vmem>>) semaphore(%arg16 : memref<!tpu.dma_semaphore, #tpu.memory_space<semaphore_mem>>) {add = true}
      %dma_wait3A_852 = arith.constant 0 : i32
      %dma_wait3A_853 = arith.constant 0 : i32
      %dma_wait3A_854 = tpu.memref_slice %arg20[%dma_wait3A_852, %dma_wait3A_853] : memref<10240x64xf32, #tpu.memory_space<vmem_shared>> -> memref<128x64xf32, #tpu.memory_space<vmem_shared>>
      %dma_wait3A_855 = arith.constant 0 : i32
      %dma_wait3A_856 = arith.constant 0 : i32
      %dma_wait3A_857 = tpu.memref_slice %arg20[%dma_wait3A_855, %dma_wait3A_856] : memref<10240x64xf32, #tpu.memory_space<vmem_shared>> -> memref<128x64xf32, #tpu.memory_space<vmem_shared>>
      tpu.wait_dma2 semaphore(%arg16 : memref<!tpu.dma_semaphore, #tpu.memory_space<semaphore_mem>>) src(%arg8 : memref<128x64xf32, #tpu.memory_space<vmem>>) dst(%dma_wait3A_857 : memref<128x64xf32, #tpu.memory_space<vmem_shared>>)
      %dma_start3A_858 = arith.constant 12 : i32
      %dma_start3A_859 = arith.constant 0 : i32
      %dma_start3A_860 = tpu.memref_slice %arg6[%and3A_503, %dma_start3A_858, %dma_start3A_859] : memref<2x16x128xi32, #tpu.memory_space<vmem>> -> memref<1x1x128xi32, #tpu.memory_space<vmem>>
      %dma_start3A_861 = tpu.memref_squeeze %dma_start3A_860 : memref<1x1x128xi32, #tpu.memory_space<vmem>> -> memref<128xi32, #tpu.memory_space<vmem>>
      %dma_start3A_862 = arith.constant 0 : i32
      %dma_start3A_863 = arith.constant 0 : i32
      %dma_start3A_864 = tpu.memref_slice %arg21[%dma_start3A_862, %dma_start3A_863] : memref<10240x64xf32, #tpu.memory_space<vmem_shared>> -> memref<10240x64xf32, #tpu.memory_space<vmem_shared>>
      tpu.enqueue_indirect_dma source(%dma_start3A_864 : memref<10240x64xf32, #tpu.memory_space<vmem_shared>>) target(%arg8 : memref<128x64xf32, #tpu.memory_space<vmem>>) offsets(%dma_start3A_861 : memref<128xi32, #tpu.memory_space<vmem>>) semaphore(%arg12 : memref<!tpu.dma_semaphore, #tpu.memory_space<semaphore_mem>>)
      %dma_wait3A_865 = arith.constant 0 : i32
      %dma_wait3A_866 = arith.constant 0 : i32
      %dma_wait3A_867 = tpu.memref_slice %arg2[%arg0, %dma_wait3A_865, %dma_wait3A_866] : memref<2x10240x64xf32, #tpu.memory_space<hbm>> -> memref<1x128x64xf32, #tpu.memory_space<hbm>>
      %dma_wait3A_868 = tpu.memref_squeeze %dma_wait3A_867 : memref<1x128x64xf32, #tpu.memory_space<hbm>> -> memref<128x64xf32, #tpu.memory_space<hbm>>
      %dma_wait3A_869 = arith.constant 0 : i32
      %dma_wait3A_870 = arith.constant 0 : i32
      %dma_wait3A_871 = tpu.memref_slice %arg2[%arg0, %dma_wait3A_869, %dma_wait3A_870] : memref<2x10240x64xf32, #tpu.memory_space<hbm>> -> memref<1x128x64xf32, #tpu.memory_space<hbm>>
      %dma_wait3A_872 = tpu.memref_squeeze %dma_wait3A_871 : memref<1x128x64xf32, #tpu.memory_space<hbm>> -> memref<128x64xf32, #tpu.memory_space<hbm>>
      tpu.wait_dma2 semaphore(%arg13 : memref<!tpu.dma_semaphore, #tpu.memory_space<semaphore_mem>>) src(%dma_wait3A_872 : memref<128x64xf32, #tpu.memory_space<hbm>>) dst(%arg9 : memref<128x64xf32, #tpu.memory_space<vmem>>)
      %dma_start3A_873 = arith.constant 9 : i32
      %dma_start3A_874 = arith.constant 0 : i32
      %dma_start3A_875 = tpu.memref_slice %arg7[%and3A_503, %dma_start3A_873, %dma_start3A_874] : memref<2x16x128xi32, #tpu.memory_space<vmem>> -> memref<1x1x128xi32, #tpu.memory_space<vmem>>
      %dma_start3A_876 = tpu.memref_squeeze %dma_start3A_875 : memref<1x1x128xi32, #tpu.memory_space<vmem>> -> memref<128xi32, #tpu.memory_space<vmem>>
      %dma_start3A_877 = arith.constant 0 : i32
      %dma_start3A_878 = arith.constant 0 : i32
      %dma_start3A_879 = tpu.memref_slice %arg20[%dma_start3A_877, %dma_start3A_878] : memref<10240x64xf32, #tpu.memory_space<vmem_shared>> -> memref<10240x64xf32, #tpu.memory_space<vmem_shared>>
      tpu.enqueue_indirect_dma source(%arg9 : memref<128x64xf32, #tpu.memory_space<vmem>>) target(%dma_start3A_879 : memref<10240x64xf32, #tpu.memory_space<vmem_shared>>) offsets(%dma_start3A_876 : memref<128xi32, #tpu.memory_space<vmem>>) semaphore(%arg17 : memref<!tpu.dma_semaphore, #tpu.memory_space<semaphore_mem>>) {add = true}
      %dma_wait3A_880 = arith.constant 0 : i32
      %dma_wait3A_881 = arith.constant 0 : i32
      %dma_wait3A_882 = tpu.memref_slice %arg20[%dma_wait3A_880, %dma_wait3A_881] : memref<10240x64xf32, #tpu.memory_space<vmem_shared>> -> memref<128x64xf32, #tpu.memory_space<vmem_shared>>
      %dma_wait3A_883 = arith.constant 0 : i32
      %dma_wait3A_884 = arith.constant 0 : i32
      %dma_wait3A_885 = tpu.memref_slice %arg20[%dma_wait3A_883, %dma_wait3A_884] : memref<10240x64xf32, #tpu.memory_space<vmem_shared>> -> memref<128x64xf32, #tpu.memory_space<vmem_shared>>
      tpu.wait_dma2 semaphore(%arg17 : memref<!tpu.dma_semaphore, #tpu.memory_space<semaphore_mem>>) src(%arg9 : memref<128x64xf32, #tpu.memory_space<vmem>>) dst(%dma_wait3A_885 : memref<128x64xf32, #tpu.memory_space<vmem_shared>>)
      %dma_start3A_886 = arith.constant 13 : i32
      %dma_start3A_887 = arith.constant 0 : i32
      %dma_start3A_888 = tpu.memref_slice %arg6[%and3A_503, %dma_start3A_886, %dma_start3A_887] : memref<2x16x128xi32, #tpu.memory_space<vmem>> -> memref<1x1x128xi32, #tpu.memory_space<vmem>>
      %dma_start3A_889 = tpu.memref_squeeze %dma_start3A_888 : memref<1x1x128xi32, #tpu.memory_space<vmem>> -> memref<128xi32, #tpu.memory_space<vmem>>
      %dma_start3A_890 = arith.constant 0 : i32
      %dma_start3A_891 = arith.constant 0 : i32
      %dma_start3A_892 = tpu.memref_slice %arg21[%dma_start3A_890, %dma_start3A_891] : memref<10240x64xf32, #tpu.memory_space<vmem_shared>> -> memref<10240x64xf32, #tpu.memory_space<vmem_shared>>
      tpu.enqueue_indirect_dma source(%dma_start3A_892 : memref<10240x64xf32, #tpu.memory_space<vmem_shared>>) target(%arg9 : memref<128x64xf32, #tpu.memory_space<vmem>>) offsets(%dma_start3A_889 : memref<128xi32, #tpu.memory_space<vmem>>) semaphore(%arg13 : memref<!tpu.dma_semaphore, #tpu.memory_space<semaphore_mem>>)
      %dma_wait3A_893 = arith.constant 0 : i32
      %dma_wait3A_894 = arith.constant 0 : i32
      %dma_wait3A_895 = tpu.memref_slice %arg2[%arg0, %dma_wait3A_893, %dma_wait3A_894] : memref<2x10240x64xf32, #tpu.memory_space<hbm>> -> memref<1x128x64xf32, #tpu.memory_space<hbm>>
      %dma_wait3A_896 = tpu.memref_squeeze %dma_wait3A_895 : memref<1x128x64xf32, #tpu.memory_space<hbm>> -> memref<128x64xf32, #tpu.memory_space<hbm>>
      %dma_wait3A_897 = arith.constant 0 : i32
      %dma_wait3A_898 = arith.constant 0 : i32
      %dma_wait3A_899 = tpu.memref_slice %arg2[%arg0, %dma_wait3A_897, %dma_wait3A_898] : memref<2x10240x64xf32, #tpu.memory_space<hbm>> -> memref<1x128x64xf32, #tpu.memory_space<hbm>>
      %dma_wait3A_900 = tpu.memref_squeeze %dma_wait3A_899 : memref<1x128x64xf32, #tpu.memory_space<hbm>> -> memref<128x64xf32, #tpu.memory_space<hbm>>
      tpu.wait_dma2 semaphore(%arg14 : memref<!tpu.dma_semaphore, #tpu.memory_space<semaphore_mem>>) src(%dma_wait3A_900 : memref<128x64xf32, #tpu.memory_space<hbm>>) dst(%arg10 : memref<128x64xf32, #tpu.memory_space<vmem>>)
      %dma_start3A_901 = arith.constant 10 : i32
      %dma_start3A_902 = arith.constant 0 : i32
      %dma_start3A_903 = tpu.memref_slice %arg7[%and3A_503, %dma_start3A_901, %dma_start3A_902] : memref<2x16x128xi32, #tpu.memory_space<vmem>> -> memref<1x1x128xi32, #tpu.memory_space<vmem>>
      %dma_start3A_904 = tpu.memref_squeeze %dma_start3A_903 : memref<1x1x128xi32, #tpu.memory_space<vmem>> -> memref<128xi32, #tpu.memory_space<vmem>>
      %dma_start3A_905 = arith.constant 0 : i32
      %dma_start3A_906 = arith.constant 0 : i32
      %dma_start3A_907 = tpu.memref_slice %arg20[%dma_start3A_905, %dma_start3A_906] : memref<10240x64xf32, #tpu.memory_space<vmem_shared>> -> memref<10240x64xf32, #tpu.memory_space<vmem_shared>>
      tpu.enqueue_indirect_dma source(%arg10 : memref<128x64xf32, #tpu.memory_space<vmem>>) target(%dma_start3A_907 : memref<10240x64xf32, #tpu.memory_space<vmem_shared>>) offsets(%dma_start3A_904 : memref<128xi32, #tpu.memory_space<vmem>>) semaphore(%arg18 : memref<!tpu.dma_semaphore, #tpu.memory_space<semaphore_mem>>) {add = true}
      %dma_wait3A_908 = arith.constant 0 : i32
      %dma_wait3A_909 = arith.constant 0 : i32
      %dma_wait3A_910 = tpu.memref_slice %arg20[%dma_wait3A_908, %dma_wait3A_909] : memref<10240x64xf32, #tpu.memory_space<vmem_shared>> -> memref<128x64xf32, #tpu.memory_space<vmem_shared>>
      %dma_wait3A_911 = arith.constant 0 : i32
      %dma_wait3A_912 = arith.constant 0 : i32
      %dma_wait3A_913 = tpu.memref_slice %arg20[%dma_wait3A_911, %dma_wait3A_912] : memref<10240x64xf32, #tpu.memory_space<vmem_shared>> -> memref<128x64xf32, #tpu.memory_space<vmem_shared>>
      tpu.wait_dma2 semaphore(%arg18 : memref<!tpu.dma_semaphore, #tpu.memory_space<semaphore_mem>>) src(%arg10 : memref<128x64xf32, #tpu.memory_space<vmem>>) dst(%dma_wait3A_913 : memref<128x64xf32, #tpu.memory_space<vmem_shared>>)
      %dma_start3A_914 = arith.constant 14 : i32
      %dma_start3A_915 = arith.constant 0 : i32
      %dma_start3A_916 = tpu.memref_slice %arg6[%and3A_503, %dma_start3A_914, %dma_start3A_915] : memref<2x16x128xi32, #tpu.memory_space<vmem>> -> memref<1x1x128xi32, #tpu.memory_space<vmem>>
      %dma_start3A_917 = tpu.memref_squeeze %dma_start3A_916 : memref<1x1x128xi32, #tpu.memory_space<vmem>> -> memref<128xi32, #tpu.memory_space<vmem>>
      %dma_start3A_918 = arith.constant 0 : i32
      %dma_start3A_919 = arith.constant 0 : i32
      %dma_start3A_920 = tpu.memref_slice %arg21[%dma_start3A_918, %dma_start3A_919] : memref<10240x64xf32, #tpu.memory_space<vmem_shared>> -> memref<10240x64xf32, #tpu.memory_space<vmem_shared>>
      tpu.enqueue_indirect_dma source(%dma_start3A_920 : memref<10240x64xf32, #tpu.memory_space<vmem_shared>>) target(%arg10 : memref<128x64xf32, #tpu.memory_space<vmem>>) offsets(%dma_start3A_917 : memref<128xi32, #tpu.memory_space<vmem>>) semaphore(%arg14 : memref<!tpu.dma_semaphore, #tpu.memory_space<semaphore_mem>>)
      %dma_wait3A_921 = arith.constant 0 : i32
      %dma_wait3A_922 = arith.constant 0 : i32
      %dma_wait3A_923 = tpu.memref_slice %arg2[%arg0, %dma_wait3A_921, %dma_wait3A_922] : memref<2x10240x64xf32, #tpu.memory_space<hbm>> -> memref<1x128x64xf32, #tpu.memory_space<hbm>>
      %dma_wait3A_924 = tpu.memref_squeeze %dma_wait3A_923 : memref<1x128x64xf32, #tpu.memory_space<hbm>> -> memref<128x64xf32, #tpu.memory_space<hbm>>
      %dma_wait3A_925 = arith.constant 0 : i32
      %dma_wait3A_926 = arith.constant 0 : i32
      %dma_wait3A_927 = tpu.memref_slice %arg2[%arg0, %dma_wait3A_925, %dma_wait3A_926] : memref<2x10240x64xf32, #tpu.memory_space<hbm>> -> memref<1x128x64xf32, #tpu.memory_space<hbm>>
      %dma_wait3A_928 = tpu.memref_squeeze %dma_wait3A_927 : memref<1x128x64xf32, #tpu.memory_space<hbm>> -> memref<128x64xf32, #tpu.memory_space<hbm>>
      tpu.wait_dma2 semaphore(%arg15 : memref<!tpu.dma_semaphore, #tpu.memory_space<semaphore_mem>>) src(%dma_wait3A_928 : memref<128x64xf32, #tpu.memory_space<hbm>>) dst(%arg11 : memref<128x64xf32, #tpu.memory_space<vmem>>)
      %dma_start3A_929 = arith.constant 11 : i32
      %dma_start3A_930 = arith.constant 0 : i32
      %dma_start3A_931 = tpu.memref_slice %arg7[%and3A_503, %dma_start3A_929, %dma_start3A_930] : memref<2x16x128xi32, #tpu.memory_space<vmem>> -> memref<1x1x128xi32, #tpu.memory_space<vmem>>
      %dma_start3A_932 = tpu.memref_squeeze %dma_start3A_931 : memref<1x1x128xi32, #tpu.memory_space<vmem>> -> memref<128xi32, #tpu.memory_space<vmem>>
      %dma_start3A_933 = arith.constant 0 : i32
      %dma_start3A_934 = arith.constant 0 : i32
      %dma_start3A_935 = tpu.memref_slice %arg20[%dma_start3A_933, %dma_start3A_934] : memref<10240x64xf32, #tpu.memory_space<vmem_shared>> -> memref<10240x64xf32, #tpu.memory_space<vmem_shared>>
      tpu.enqueue_indirect_dma source(%arg11 : memref<128x64xf32, #tpu.memory_space<vmem>>) target(%dma_start3A_935 : memref<10240x64xf32, #tpu.memory_space<vmem_shared>>) offsets(%dma_start3A_932 : memref<128xi32, #tpu.memory_space<vmem>>) semaphore(%arg19 : memref<!tpu.dma_semaphore, #tpu.memory_space<semaphore_mem>>) {add = true}
      %dma_wait3A_936 = arith.constant 0 : i32
      %dma_wait3A_937 = arith.constant 0 : i32
      %dma_wait3A_938 = tpu.memref_slice %arg20[%dma_wait3A_936, %dma_wait3A_937] : memref<10240x64xf32, #tpu.memory_space<vmem_shared>> -> memref<128x64xf32, #tpu.memory_space<vmem_shared>>
      %dma_wait3A_939 = arith.constant 0 : i32
      %dma_wait3A_940 = arith.constant 0 : i32
      %dma_wait3A_941 = tpu.memref_slice %arg20[%dma_wait3A_939, %dma_wait3A_940] : memref<10240x64xf32, #tpu.memory_space<vmem_shared>> -> memref<128x64xf32, #tpu.memory_space<vmem_shared>>
      tpu.wait_dma2 semaphore(%arg19 : memref<!tpu.dma_semaphore, #tpu.memory_space<semaphore_mem>>) src(%arg11 : memref<128x64xf32, #tpu.memory_space<vmem>>) dst(%dma_wait3A_941 : memref<128x64xf32, #tpu.memory_space<vmem_shared>>)
      %dma_start3A_942 = arith.constant 15 : i32
      %dma_start3A_943 = arith.constant 0 : i32
      %dma_start3A_944 = tpu.memref_slice %arg6[%and3A_503, %dma_start3A_942, %dma_start3A_943] : memref<2x16x128xi32, #tpu.memory_space<vmem>> -> memref<1x1x128xi32, #tpu.memory_space<vmem>>
      %dma_start3A_945 = tpu.memref_squeeze %dma_start3A_944 : memref<1x1x128xi32, #tpu.memory_space<vmem>> -> memref<128xi32, #tpu.memory_space<vmem>>
      %dma_start3A_946 = arith.constant 0 : i32
      %dma_start3A_947 = arith.constant 0 : i32
      %dma_start3A_948 = tpu.memref_slice %arg21[%dma_start3A_946, %dma_start3A_947] : memref<10240x64xf32, #tpu.memory_space<vmem_shared>> -> memref<10240x64xf32, #tpu.memory_space<vmem_shared>>
      tpu.enqueue_indirect_dma source(%dma_start3A_948 : memref<10240x64xf32, #tpu.memory_space<vmem_shared>>) target(%arg11 : memref<128x64xf32, #tpu.memory_space<vmem>>) offsets(%dma_start3A_945 : memref<128xi32, #tpu.memory_space<vmem>>) semaphore(%arg15 : memref<!tpu.dma_semaphore, #tpu.memory_space<semaphore_mem>>)
      %dma_wait3A_949 = arith.constant 0 : i32
      %dma_wait3A_950 = arith.constant 0 : i32
      %dma_wait3A_951 = tpu.memref_slice %arg2[%arg0, %dma_wait3A_949, %dma_wait3A_950] : memref<2x10240x64xf32, #tpu.memory_space<hbm>> -> memref<1x128x64xf32, #tpu.memory_space<hbm>>
      %dma_wait3A_952 = tpu.memref_squeeze %dma_wait3A_951 : memref<1x128x64xf32, #tpu.memory_space<hbm>> -> memref<128x64xf32, #tpu.memory_space<hbm>>
      %dma_wait3A_953 = arith.constant 0 : i32
      %dma_wait3A_954 = arith.constant 0 : i32
      %dma_wait3A_955 = tpu.memref_slice %arg2[%arg0, %dma_wait3A_953, %dma_wait3A_954] : memref<2x10240x64xf32, #tpu.memory_space<hbm>> -> memref<1x128x64xf32, #tpu.memory_space<hbm>>
      %dma_wait3A_956 = tpu.memref_squeeze %dma_wait3A_955 : memref<1x128x64xf32, #tpu.memory_space<hbm>> -> memref<128x64xf32, #tpu.memory_space<hbm>>
      tpu.wait_dma2 semaphore(%arg12 : memref<!tpu.dma_semaphore, #tpu.memory_space<semaphore_mem>>) src(%dma_wait3A_956 : memref<128x64xf32, #tpu.memory_space<hbm>>) dst(%arg8 : memref<128x64xf32, #tpu.memory_space<vmem>>)
      %dma_start3A_957 = arith.constant 12 : i32
      %dma_start3A_958 = arith.constant 0 : i32
      %dma_start3A_959 = tpu.memref_slice %arg7[%and3A_503, %dma_start3A_957, %dma_start3A_958] : memref<2x16x128xi32, #tpu.memory_space<vmem>> -> memref<1x1x128xi32, #tpu.memory_space<vmem>>
      %dma_start3A_960 = tpu.memref_squeeze %dma_start3A_959 : memref<1x1x128xi32, #tpu.memory_space<vmem>> -> memref<128xi32, #tpu.memory_space<vmem>>
      %dma_start3A_961 = arith.constant 0 : i32
      %dma_start3A_962 = arith.constant 0 : i32
      %dma_start3A_963 = tpu.memref_slice %arg20[%dma_start3A_961, %dma_start3A_962] : memref<10240x64xf32, #tpu.memory_space<vmem_shared>> -> memref<10240x64xf32, #tpu.memory_space<vmem_shared>>
      tpu.enqueue_indirect_dma source(%arg8 : memref<128x64xf32, #tpu.memory_space<vmem>>) target(%dma_start3A_963 : memref<10240x64xf32, #tpu.memory_space<vmem_shared>>) offsets(%dma_start3A_960 : memref<128xi32, #tpu.memory_space<vmem>>) semaphore(%arg16 : memref<!tpu.dma_semaphore, #tpu.memory_space<semaphore_mem>>) {add = true}
    }
    %scan3A_420 = arith.constant 19 : i32
    %dma_wait3A_421 = arith.constant 0 : i32
    %dma_wait3A_422 = arith.constant 0 : i32
    %dma_wait3A_423 = tpu.memref_slice %arg2[%arg0, %dma_wait3A_421, %dma_wait3A_422] : memref<2x10240x64xf32, #tpu.memory_space<hbm>> -> memref<1x128x64xf32, #tpu.memory_space<hbm>>
    %dma_wait3A_424 = tpu.memref_squeeze %dma_wait3A_423 : memref<1x128x64xf32, #tpu.memory_space<hbm>> -> memref<128x64xf32, #tpu.memory_space<hbm>>
    %dma_wait3A_425 = arith.constant 0 : i32
    %dma_wait3A_426 = arith.constant 0 : i32
    %dma_wait3A_427 = tpu.memref_slice %arg2[%arg0, %dma_wait3A_425, %dma_wait3A_426] : memref<2x10240x64xf32, #tpu.memory_space<hbm>> -> memref<1x128x64xf32, #tpu.memory_space<hbm>>
    %dma_wait3A_428 = tpu.memref_squeeze %dma_wait3A_427 : memref<1x128x64xf32, #tpu.memory_space<hbm>> -> memref<128x64xf32, #tpu.memory_space<hbm>>
    tpu.wait_dma2 semaphore(%arg13 : memref<!tpu.dma_semaphore, #tpu.memory_space<semaphore_mem>>) src(%dma_wait3A_428 : memref<128x64xf32, #tpu.memory_space<hbm>>) dst(%arg9 : memref<128x64xf32, #tpu.memory_space<vmem>>)
    %dma_start3A_429 = arith.constant 1 : i32
    %dma_start3A_430 = arith.constant 13 : i32
    %dma_start3A_431 = arith.constant 0 : i32
    %dma_start3A_432 = tpu.memref_slice %arg7[%dma_start3A_429, %dma_start3A_430, %dma_start3A_431] : memref<2x16x128xi32, #tpu.memory_space<vmem>> -> memref<1x1x128xi32, #tpu.memory_space<vmem>>
    %dma_start3A_433 = tpu.memref_squeeze %dma_start3A_432 : memref<1x1x128xi32, #tpu.memory_space<vmem>> -> memref<128xi32, #tpu.memory_space<vmem>>
    %dma_start3A_434 = arith.constant 0 : i32
    %dma_start3A_435 = arith.constant 0 : i32
    %dma_start3A_436 = tpu.memref_slice %arg20[%dma_start3A_434, %dma_start3A_435] : memref<10240x64xf32, #tpu.memory_space<vmem_shared>> -> memref<10240x64xf32, #tpu.memory_space<vmem_shared>>
    tpu.enqueue_indirect_dma source(%arg9 : memref<128x64xf32, #tpu.memory_space<vmem>>) target(%dma_start3A_436 : memref<10240x64xf32, #tpu.memory_space<vmem_shared>>) offsets(%dma_start3A_433 : memref<128xi32, #tpu.memory_space<vmem>>) semaphore(%arg17 : memref<!tpu.dma_semaphore, #tpu.memory_space<semaphore_mem>>) {add = true}
    %dma_wait3A_437 = arith.constant 0 : i32
    %dma_wait3A_438 = arith.constant 0 : i32
    %dma_wait3A_439 = tpu.memref_slice %arg2[%arg0, %dma_wait3A_437, %dma_wait3A_438] : memref<2x10240x64xf32, #tpu.memory_space<hbm>> -> memref<1x128x64xf32, #tpu.memory_space<hbm>>
    %dma_wait3A_440 = tpu.memref_squeeze %dma_wait3A_439 : memref<1x128x64xf32, #tpu.memory_space<hbm>> -> memref<128x64xf32, #tpu.memory_space<hbm>>
    %dma_wait3A_441 = arith.constant 0 : i32
    %dma_wait3A_442 = arith.constant 0 : i32
    %dma_wait3A_443 = tpu.memref_slice %arg2[%arg0, %dma_wait3A_441, %dma_wait3A_442] : memref<2x10240x64xf32, #tpu.memory_space<hbm>> -> memref<1x128x64xf32, #tpu.memory_space<hbm>>
    %dma_wait3A_444 = tpu.memref_squeeze %dma_wait3A_443 : memref<1x128x64xf32, #tpu.memory_space<hbm>> -> memref<128x64xf32, #tpu.memory_space<hbm>>
    tpu.wait_dma2 semaphore(%arg14 : memref<!tpu.dma_semaphore, #tpu.memory_space<semaphore_mem>>) src(%dma_wait3A_444 : memref<128x64xf32, #tpu.memory_space<hbm>>) dst(%arg10 : memref<128x64xf32, #tpu.memory_space<vmem>>)
    %dma_start3A_445 = arith.constant 1 : i32
    %dma_start3A_446 = arith.constant 14 : i32
    %dma_start3A_447 = arith.constant 0 : i32
    %dma_start3A_448 = tpu.memref_slice %arg7[%dma_start3A_445, %dma_start3A_446, %dma_start3A_447] : memref<2x16x128xi32, #tpu.memory_space<vmem>> -> memref<1x1x128xi32, #tpu.memory_space<vmem>>
    %dma_start3A_449 = tpu.memref_squeeze %dma_start3A_448 : memref<1x1x128xi32, #tpu.memory_space<vmem>> -> memref<128xi32, #tpu.memory_space<vmem>>
    %dma_start3A_450 = arith.constant 0 : i32
    %dma_start3A_451 = arith.constant 0 : i32
    %dma_start3A_452 = tpu.memref_slice %arg20[%dma_start3A_450, %dma_start3A_451] : memref<10240x64xf32, #tpu.memory_space<vmem_shared>> -> memref<10240x64xf32, #tpu.memory_space<vmem_shared>>
    tpu.enqueue_indirect_dma source(%arg10 : memref<128x64xf32, #tpu.memory_space<vmem>>) target(%dma_start3A_452 : memref<10240x64xf32, #tpu.memory_space<vmem_shared>>) offsets(%dma_start3A_449 : memref<128xi32, #tpu.memory_space<vmem>>) semaphore(%arg18 : memref<!tpu.dma_semaphore, #tpu.memory_space<semaphore_mem>>) {add = true}
    %dma_wait3A_453 = arith.constant 0 : i32
    %dma_wait3A_454 = arith.constant 0 : i32
    %dma_wait3A_455 = tpu.memref_slice %arg2[%arg0, %dma_wait3A_453, %dma_wait3A_454] : memref<2x10240x64xf32, #tpu.memory_space<hbm>> -> memref<1x128x64xf32, #tpu.memory_space<hbm>>
    %dma_wait3A_456 = tpu.memref_squeeze %dma_wait3A_455 : memref<1x128x64xf32, #tpu.memory_space<hbm>> -> memref<128x64xf32, #tpu.memory_space<hbm>>
    %dma_wait3A_457 = arith.constant 0 : i32
    %dma_wait3A_458 = arith.constant 0 : i32
    %dma_wait3A_459 = tpu.memref_slice %arg2[%arg0, %dma_wait3A_457, %dma_wait3A_458] : memref<2x10240x64xf32, #tpu.memory_space<hbm>> -> memref<1x128x64xf32, #tpu.memory_space<hbm>>
    %dma_wait3A_460 = tpu.memref_squeeze %dma_wait3A_459 : memref<1x128x64xf32, #tpu.memory_space<hbm>> -> memref<128x64xf32, #tpu.memory_space<hbm>>
    tpu.wait_dma2 semaphore(%arg15 : memref<!tpu.dma_semaphore, #tpu.memory_space<semaphore_mem>>) src(%dma_wait3A_460 : memref<128x64xf32, #tpu.memory_space<hbm>>) dst(%arg11 : memref<128x64xf32, #tpu.memory_space<vmem>>)
    %dma_start3A_461 = arith.constant 1 : i32
    %dma_start3A_462 = arith.constant 15 : i32
    %dma_start3A_463 = arith.constant 0 : i32
    %dma_start3A_464 = tpu.memref_slice %arg7[%dma_start3A_461, %dma_start3A_462, %dma_start3A_463] : memref<2x16x128xi32, #tpu.memory_space<vmem>> -> memref<1x1x128xi32, #tpu.memory_space<vmem>>
    %dma_start3A_465 = tpu.memref_squeeze %dma_start3A_464 : memref<1x1x128xi32, #tpu.memory_space<vmem>> -> memref<128xi32, #tpu.memory_space<vmem>>
    %dma_start3A_466 = arith.constant 0 : i32
    %dma_start3A_467 = arith.constant 0 : i32
    %dma_start3A_468 = tpu.memref_slice %arg20[%dma_start3A_466, %dma_start3A_467] : memref<10240x64xf32, #tpu.memory_space<vmem_shared>> -> memref<10240x64xf32, #tpu.memory_space<vmem_shared>>
    tpu.enqueue_indirect_dma source(%arg11 : memref<128x64xf32, #tpu.memory_space<vmem>>) target(%dma_start3A_468 : memref<10240x64xf32, #tpu.memory_space<vmem_shared>>) offsets(%dma_start3A_465 : memref<128xi32, #tpu.memory_space<vmem>>) semaphore(%arg19 : memref<!tpu.dma_semaphore, #tpu.memory_space<semaphore_mem>>) {add = true}
    %dma_wait3A_469 = arith.constant 0 : i32
    %dma_wait3A_470 = arith.constant 0 : i32
    %dma_wait3A_471 = tpu.memref_slice %arg20[%dma_wait3A_469, %dma_wait3A_470] : memref<10240x64xf32, #tpu.memory_space<vmem_shared>> -> memref<128x64xf32, #tpu.memory_space<vmem_shared>>
    %dma_wait3A_472 = arith.constant 0 : i32
    %dma_wait3A_473 = arith.constant 0 : i32
    %dma_wait3A_474 = tpu.memref_slice %arg20[%dma_wait3A_472, %dma_wait3A_473] : memref<10240x64xf32, #tpu.memory_space<vmem_shared>> -> memref<128x64xf32, #tpu.memory_space<vmem_shared>>
    tpu.wait_dma2 semaphore(%arg16 : memref<!tpu.dma_semaphore, #tpu.memory_space<semaphore_mem>>) src(%arg8 : memref<128x64xf32, #tpu.memory_space<vmem>>) dst(%dma_wait3A_474 : memref<128x64xf32, #tpu.memory_space<vmem_shared>>)
    %dma_wait3A_475 = arith.constant 0 : i32
    %dma_wait3A_476 = arith.constant 0 : i32
    %dma_wait3A_477 = tpu.memref_slice %arg20[%dma_wait3A_475, %dma_wait3A_476] : memref<10240x64xf32, #tpu.memory_space<vmem_shared>> -> memref<128x64xf32, #tpu.memory_space<vmem_shared>>
    %dma_wait3A_478 = arith.constant 0 : i32
    %dma_wait3A_479 = arith.constant 0 : i32
    %dma_wait3A_480 = tpu.memref_slice %arg20[%dma_wait3A_478, %dma_wait3A_479] : memref<10240x64xf32, #tpu.memory_space<vmem_shared>> -> memref<128x64xf32, #tpu.memory_space<vmem_shared>>
    tpu.wait_dma2 semaphore(%arg17 : memref<!tpu.dma_semaphore, #tpu.memory_space<semaphore_mem>>) src(%arg9 : memref<128x64xf32, #tpu.memory_space<vmem>>) dst(%dma_wait3A_480 : memref<128x64xf32, #tpu.memory_space<vmem_shared>>)
    %dma_wait3A_481 = arith.constant 0 : i32
    %dma_wait3A_482 = arith.constant 0 : i32
    %dma_wait3A_483 = tpu.memref_slice %arg20[%dma_wait3A_481, %dma_wait3A_482] : memref<10240x64xf32, #tpu.memory_space<vmem_shared>> -> memref<128x64xf32, #tpu.memory_space<vmem_shared>>
    %dma_wait3A_484 = arith.constant 0 : i32
    %dma_wait3A_485 = arith.constant 0 : i32
    %dma_wait3A_486 = tpu.memref_slice %arg20[%dma_wait3A_484, %dma_wait3A_485] : memref<10240x64xf32, #tpu.memory_space<vmem_shared>> -> memref<128x64xf32, #tpu.memory_space<vmem_shared>>
    tpu.wait_dma2 semaphore(%arg18 : memref<!tpu.dma_semaphore, #tpu.memory_space<semaphore_mem>>) src(%arg10 : memref<128x64xf32, #tpu.memory_space<vmem>>) dst(%dma_wait3A_486 : memref<128x64xf32, #tpu.memory_space<vmem_shared>>)
    %dma_wait3A_487 = arith.constant 0 : i32
    %dma_wait3A_488 = arith.constant 0 : i32
    %dma_wait3A_489 = tpu.memref_slice %arg20[%dma_wait3A_487, %dma_wait3A_488] : memref<10240x64xf32, #tpu.memory_space<vmem_shared>> -> memref<128x64xf32, #tpu.memory_space<vmem_shared>>
    %dma_wait3A_490 = arith.constant 0 : i32
    %dma_wait3A_491 = arith.constant 0 : i32
    %dma_wait3A_492 = tpu.memref_slice %arg20[%dma_wait3A_490, %dma_wait3A_491] : memref<10240x64xf32, #tpu.memory_space<vmem_shared>> -> memref<128x64xf32, #tpu.memory_space<vmem_shared>>
    tpu.wait_dma2 semaphore(%arg19 : memref<!tpu.dma_semaphore, #tpu.memory_space<semaphore_mem>>) src(%arg11 : memref<128x64xf32, #tpu.memory_space<vmem>>) dst(%dma_wait3A_492 : memref<128x64xf32, #tpu.memory_space<vmem_shared>>)
    %barrier3A_493 = arith.constant 0 : index
    tpu.barrier barrier_id(%barrier3A_493)
    %mul3A_494 = arith.constant 640 : i32
    %mul3A_495 = arith.muli %arg1, %mul3A_494 : i32
    %mul3A_496 = arith.constant 640 : i32
    %mul3A_497 = arith.muli %arg1, %mul3A_496 : i32
    "tpu.region"() ({
      %run_scoped3A_498 = tpu.sem_alloc : memref<!tpu.dma_semaphore, #tpu.memory_space<semaphore_mem>>
      %dma_start3A_499 = arith.constant 0 : i32
      %dma_start3A_500 = tpu.memref_slice %arg5[%arg0, %mul3A_497, %dma_start3A_499] : memref<2x10240x64xf32, #tpu.memory_space<hbm>> -> memref<1x640x64xf32, #tpu.memory_space<hbm>>
      %dma_start3A_501 = tpu.memref_squeeze %dma_start3A_500 : memref<1x640x64xf32, #tpu.memory_space<hbm>> -> memref<640x64xf32, #tpu.memory_space<hbm>>
      %dma_start3A_502 = arith.constant 0 : i32
      %dma_start3A_503 = tpu.memref_slice %arg20[%mul3A_495, %dma_start3A_502] : memref<10240x64xf32, #tpu.memory_space<vmem_shared>> -> memref<640x64xf32, #tpu.memory_space<vmem_shared>>
      tpu.enqueue_dma source(%dma_start3A_503 : memref<640x64xf32, #tpu.memory_space<vmem_shared>>) target(%dma_start3A_501 : memref<640x64xf32, #tpu.memory_space<hbm>>) target_semaphore(%run_scoped3A_498 : memref<!tpu.dma_semaphore, #tpu.memory_space<semaphore_mem>>)
      %dma_wait3A_504 = arith.constant 0 : i32
      %dma_wait3A_505 = tpu.memref_slice %arg5[%arg0, %mul3A_497, %dma_wait3A_504] : memref<2x10240x64xf32, #tpu.memory_space<hbm>> -> memref<1x640x64xf32, #tpu.memory_space<hbm>>
      %dma_wait3A_506 = tpu.memref_squeeze %dma_wait3A_505 : memref<1x640x64xf32, #tpu.memory_space<hbm>> -> memref<640x64xf32, #tpu.memory_space<hbm>>
      %dma_wait3A_507 = arith.constant 0 : i32
      %dma_wait3A_508 = tpu.memref_slice %arg20[%mul3A_495, %dma_wait3A_507] : memref<10240x64xf32, #tpu.memory_space<vmem_shared>> -> memref<640x64xf32, #tpu.memory_space<vmem_shared>>
      tpu.wait_dma2 semaphore(%run_scoped3A_498 : memref<!tpu.dma_semaphore, #tpu.memory_space<semaphore_mem>>) src(%dma_wait3A_508 : memref<640x64xf32, #tpu.memory_space<vmem_shared>>) dst(%dma_wait3A_506 : memref<640x64xf32, #tpu.memory_space<hbm>>)
      tpu.yield
    }) : () -> ()
    return
  }
}

#map = affine_map<(d0, d1) -> (0, 0)>
#map1 = affine_map<(d0, d1) -> (0, 0, 0)>
module attributes {stable_mosaic.version = 14 : i64} {
  func.func @_sc_sagg_body(%arg0: i32, %arg1: i32, %arg2: memref<80x128xf32, #tpu.memory_space<hbm>>, %arg3: memref<2x5120x128xi32, #tpu.memory_space<hbm>>, %arg4: memref<32x80x128xf32, #tpu.memory_space<hbm>>, %arg5: memref<160x128xi32, #tpu.memory_space<vmem>>, %arg6: memref<160x128xi32, #tpu.memory_space<vmem>>, %arg7: memref<80x128xf32, #tpu.memory_space<vmem>>, %arg8: memref<80x128xf32, #tpu.memory_space<vmem>>) attributes {dimension_semantics = [#tpu.dimension_semantics<core_parallel>, #tpu.dimension_semantics<subcore_parallel>], iteration_bounds = array<i64: 2, 16>, scalar_prefetch = 0 : i64, scratch_operands = 4 : i64, tpu.core_type = #tpu.core_type<sc_vector_subcore>, window_params = [{transform_indices = #map}, {transform_indices = #map1}, {transform_indices = #map1}]} {
    %mul3A = arith.constant 2 : i32
    %mul3A_0 = arith.muli %arg1, %mul3A : i32
    %add3A = arith.addi %mul3A_0, %arg0 : i32
    "tpu.region"() ({
      %run_scoped3A_16 = tpu.sem_alloc : memref<!tpu.dma_semaphore, #tpu.memory_space<semaphore_mem>>
      tpu.enqueue_dma source(%arg2 : memref<80x128xf32, #tpu.memory_space<hbm>>) target(%arg7 : memref<80x128xf32, #tpu.memory_space<vmem>>) target_semaphore(%run_scoped3A_16 : memref<!tpu.dma_semaphore, #tpu.memory_space<semaphore_mem>>)
      tpu.wait_dma2 semaphore(%run_scoped3A_16 : memref<!tpu.dma_semaphore, #tpu.memory_space<semaphore_mem>>) src(%arg2 : memref<80x128xf32, #tpu.memory_space<hbm>>) dst(%arg7 : memref<80x128xf32, #tpu.memory_space<vmem>>)
      tpu.yield
    }) : () -> ()
    %mul3A_1 = arith.constant 160 : i32
    %mul3A_2 = arith.muli %add3A, %mul3A_1 : i32
    %run_scoped3A = arith.constant 0 : i32
    "tpu.region"() ({
      %run_scoped3A_16 = tpu.sem_alloc : memref<!tpu.dma_semaphore, #tpu.memory_space<semaphore_mem>>
      %dma_start3A = arith.constant 0 : i32
      %dma_start3A_17 = tpu.memref_slice %arg3[%run_scoped3A, %mul3A_2, %dma_start3A] : memref<2x5120x128xi32, #tpu.memory_space<hbm>> -> memref<1x160x128xi32, #tpu.memory_space<hbm>>
      %dma_start3A_18 = tpu.memref_squeeze %dma_start3A_17 : memref<1x160x128xi32, #tpu.memory_space<hbm>> -> memref<160x128xi32, #tpu.memory_space<hbm>>
      %dma_start3A_19 = arith.constant 0 : i32
      %dma_start3A_20 = tpu.memref_slice %arg3[%run_scoped3A, %mul3A_2, %dma_start3A_19] : memref<2x5120x128xi32, #tpu.memory_space<hbm>> -> memref<1x160x128xi32, #tpu.memory_space<hbm>>
      %dma_start3A_21 = tpu.memref_squeeze %dma_start3A_20 : memref<1x160x128xi32, #tpu.memory_space<hbm>> -> memref<160x128xi32, #tpu.memory_space<hbm>>
      tpu.enqueue_dma source(%dma_start3A_21 : memref<160x128xi32, #tpu.memory_space<hbm>>) target(%arg5 : memref<160x128xi32, #tpu.memory_space<vmem>>) target_semaphore(%run_scoped3A_16 : memref<!tpu.dma_semaphore, #tpu.memory_space<semaphore_mem>>)
      %dma_wait3A = arith.constant 0 : i32
      %dma_wait3A_22 = tpu.memref_slice %arg3[%run_scoped3A, %mul3A_2, %dma_wait3A] : memref<2x5120x128xi32, #tpu.memory_space<hbm>> -> memref<1x160x128xi32, #tpu.memory_space<hbm>>
      %dma_wait3A_23 = tpu.memref_squeeze %dma_wait3A_22 : memref<1x160x128xi32, #tpu.memory_space<hbm>> -> memref<160x128xi32, #tpu.memory_space<hbm>>
      %dma_wait3A_24 = arith.constant 0 : i32
      %dma_wait3A_25 = tpu.memref_slice %arg3[%run_scoped3A, %mul3A_2, %dma_wait3A_24] : memref<2x5120x128xi32, #tpu.memory_space<hbm>> -> memref<1x160x128xi32, #tpu.memory_space<hbm>>
      %dma_wait3A_26 = tpu.memref_squeeze %dma_wait3A_25 : memref<1x160x128xi32, #tpu.memory_space<hbm>> -> memref<160x128xi32, #tpu.memory_space<hbm>>
      tpu.wait_dma2 semaphore(%run_scoped3A_16 : memref<!tpu.dma_semaphore, #tpu.memory_space<semaphore_mem>>) src(%dma_wait3A_26 : memref<160x128xi32, #tpu.memory_space<hbm>>) dst(%arg5 : memref<160x128xi32, #tpu.memory_space<vmem>>)
      tpu.yield
    }) : () -> ()
    %mul3A_3 = arith.constant 160 : i32
    %mul3A_4 = arith.muli %add3A, %mul3A_3 : i32
    %run_scoped3A_5 = arith.constant 1 : i32
    "tpu.region"() ({
      %run_scoped3A_16 = tpu.sem_alloc : memref<!tpu.dma_semaphore, #tpu.memory_space<semaphore_mem>>
      %dma_start3A = arith.constant 0 : i32
      %dma_start3A_17 = tpu.memref_slice %arg3[%run_scoped3A_5, %mul3A_4, %dma_start3A] : memref<2x5120x128xi32, #tpu.memory_space<hbm>> -> memref<1x160x128xi32, #tpu.memory_space<hbm>>
      %dma_start3A_18 = tpu.memref_squeeze %dma_start3A_17 : memref<1x160x128xi32, #tpu.memory_space<hbm>> -> memref<160x128xi32, #tpu.memory_space<hbm>>
      %dma_start3A_19 = arith.constant 0 : i32
      %dma_start3A_20 = tpu.memref_slice %arg3[%run_scoped3A_5, %mul3A_4, %dma_start3A_19] : memref<2x5120x128xi32, #tpu.memory_space<hbm>> -> memref<1x160x128xi32, #tpu.memory_space<hbm>>
      %dma_start3A_21 = tpu.memref_squeeze %dma_start3A_20 : memref<1x160x128xi32, #tpu.memory_space<hbm>> -> memref<160x128xi32, #tpu.memory_space<hbm>>
      tpu.enqueue_dma source(%dma_start3A_21 : memref<160x128xi32, #tpu.memory_space<hbm>>) target(%arg6 : memref<160x128xi32, #tpu.memory_space<vmem>>) target_semaphore(%run_scoped3A_16 : memref<!tpu.dma_semaphore, #tpu.memory_space<semaphore_mem>>)
      %dma_wait3A = arith.constant 0 : i32
      %dma_wait3A_22 = tpu.memref_slice %arg3[%run_scoped3A_5, %mul3A_4, %dma_wait3A] : memref<2x5120x128xi32, #tpu.memory_space<hbm>> -> memref<1x160x128xi32, #tpu.memory_space<hbm>>
      %dma_wait3A_23 = tpu.memref_squeeze %dma_wait3A_22 : memref<1x160x128xi32, #tpu.memory_space<hbm>> -> memref<160x128xi32, #tpu.memory_space<hbm>>
      %dma_wait3A_24 = arith.constant 0 : i32
      %dma_wait3A_25 = tpu.memref_slice %arg3[%run_scoped3A_5, %mul3A_4, %dma_wait3A_24] : memref<2x5120x128xi32, #tpu.memory_space<hbm>> -> memref<1x160x128xi32, #tpu.memory_space<hbm>>
      %dma_wait3A_26 = tpu.memref_squeeze %dma_wait3A_25 : memref<1x160x128xi32, #tpu.memory_space<hbm>> -> memref<160x128xi32, #tpu.memory_space<hbm>>
      tpu.wait_dma2 semaphore(%run_scoped3A_16 : memref<!tpu.dma_semaphore, #tpu.memory_space<semaphore_mem>>) src(%dma_wait3A_26 : memref<160x128xi32, #tpu.memory_space<hbm>>) dst(%arg6 : memref<160x128xi32, #tpu.memory_space<vmem>>)
      tpu.yield
    }) : () -> ()
    %broadcast_in_dim3A = arith.constant 0.000000e+00 : f32
    %broadcast_in_dim3A_6 = vector.broadcast %broadcast_in_dim3A : f32 to vector<16xf32>
    %scan3A = arith.constant 0 : i32
    %scan3A_7 = arith.constant 80 : i32
    %scan3A_8 = arith.addi %scan3A, %scan3A_7 : i32
    %scan3A_9 = arith.constant 1 : i32
    scf.for %scan3A_16 = %scan3A to %scan3A_8 step %scan3A_9  : i32 {
      %mul3A_17 = arith.constant 1 : i32
      %mul3A_18 = arith.muli %scan3A_16, %mul3A_17 : i32
      %add3A_19 = arith.constant 0 : i32
      %add3A_20 = arith.addi %add3A_19, %mul3A_18 : i32
      %swap3A = arith.index_cast %add3A_20 : i32 to index
      %swap3A_21 = arith.constant 0 : index
      %swap3A_22 = tpu.vector_load %arg8[%swap3A, %swap3A_21] {strides = array<i32>} : memref<80x128xf32, #tpu.memory_space<vmem>>, vector<16xf32>,
      tpu.vector_store %arg8[%swap3A, %swap3A_21], %broadcast_in_dim3A_6 {strides = array<i32>} : memref<80x128xf32, #tpu.memory_space<vmem>>, vector<16xf32>,
      %swap3A_23 = arith.index_cast %add3A_20 : i32 to index
      %swap3A_24 = arith.constant 16 : index
      %swap3A_25 = tpu.vector_load %arg8[%swap3A_23, %swap3A_24] {strides = array<i32>} : memref<80x128xf32, #tpu.memory_space<vmem>>, vector<16xf32>,
      tpu.vector_store %arg8[%swap3A_23, %swap3A_24], %broadcast_in_dim3A_6 {strides = array<i32>} : memref<80x128xf32, #tpu.memory_space<vmem>>, vector<16xf32>,
      %swap3A_26 = arith.index_cast %add3A_20 : i32 to index
      %swap3A_27 = arith.constant 32 : index
      %swap3A_28 = tpu.vector_load %arg8[%swap3A_26, %swap3A_27] {strides = array<i32>} : memref<80x128xf32, #tpu.memory_space<vmem>>, vector<16xf32>,
      tpu.vector_store %arg8[%swap3A_26, %swap3A_27], %broadcast_in_dim3A_6 {strides = array<i32>} : memref<80x128xf32, #tpu.memory_space<vmem>>, vector<16xf32>,
      %swap3A_29 = arith.index_cast %add3A_20 : i32 to index
      %swap3A_30 = arith.constant 48 : index
      %swap3A_31 = tpu.vector_load %arg8[%swap3A_29, %swap3A_30] {strides = array<i32>} : memref<80x128xf32, #tpu.memory_space<vmem>>, vector<16xf32>,
      tpu.vector_store %arg8[%swap3A_29, %swap3A_30], %broadcast_in_dim3A_6 {strides = array<i32>} : memref<80x128xf32, #tpu.memory_space<vmem>>, vector<16xf32>,
      %swap3A_32 = arith.index_cast %add3A_20 : i32 to index
      %swap3A_33 = arith.constant 64 : index
      %swap3A_34 = tpu.vector_load %arg8[%swap3A_32, %swap3A_33] {strides = array<i32>} : memref<80x128xf32, #tpu.memory_space<vmem>>, vector<16xf32>,
      tpu.vector_store %arg8[%swap3A_32, %swap3A_33], %broadcast_in_dim3A_6 {strides = array<i32>} : memref<80x128xf32, #tpu.memory_space<vmem>>, vector<16xf32>,
      %swap3A_35 = arith.index_cast %add3A_20 : i32 to index
      %swap3A_36 = arith.constant 80 : index
      %swap3A_37 = tpu.vector_load %arg8[%swap3A_35, %swap3A_36] {strides = array<i32>} : memref<80x128xf32, #tpu.memory_space<vmem>>, vector<16xf32>,
      tpu.vector_store %arg8[%swap3A_35, %swap3A_36], %broadcast_in_dim3A_6 {strides = array<i32>} : memref<80x128xf32, #tpu.memory_space<vmem>>, vector<16xf32>,
      %swap3A_38 = arith.index_cast %add3A_20 : i32 to index
      %swap3A_39 = arith.constant 96 : index
      %swap3A_40 = tpu.vector_load %arg8[%swap3A_38, %swap3A_39] {strides = array<i32>} : memref<80x128xf32, #tpu.memory_space<vmem>>, vector<16xf32>,
      tpu.vector_store %arg8[%swap3A_38, %swap3A_39], %broadcast_in_dim3A_6 {strides = array<i32>} : memref<80x128xf32, #tpu.memory_space<vmem>>, vector<16xf32>,
      %swap3A_41 = arith.index_cast %add3A_20 : i32 to index
      %swap3A_42 = arith.constant 112 : index
      %swap3A_43 = tpu.vector_load %arg8[%swap3A_41, %swap3A_42] {strides = array<i32>} : memref<80x128xf32, #tpu.memory_space<vmem>>, vector<16xf32>,
      tpu.vector_store %arg8[%swap3A_41, %swap3A_42], %broadcast_in_dim3A_6 {strides = array<i32>} : memref<80x128xf32, #tpu.memory_space<vmem>>, vector<16xf32>,
    }
    %scan3A_10 = arith.constant 80 : i32
    %scan3A_11 = arith.constant 0 : i32
    %scan3A_12 = arith.constant 160 : i32
    %scan3A_13 = arith.addi %scan3A_11, %scan3A_12 : i32
    %scan3A_14 = arith.constant 1 : i32
    scf.for %scan3A_16 = %scan3A_11 to %scan3A_13 step %scan3A_14  : i32 {
      %mul3A_17 = arith.constant 1 : i32
      %mul3A_18 = arith.muli %scan3A_16, %mul3A_17 : i32
      %add3A_19 = arith.constant 0 : i32
      %add3A_20 = arith.addi %add3A_19, %mul3A_18 : i32
      %get3A = arith.index_cast %add3A_20 : i32 to index
      %get3A_21 = arith.constant 0 : index
      %get3A_22 = tpu.vector_load %arg5[%get3A, %get3A_21] {strides = array<i32>} : memref<160x128xi32, #tpu.memory_space<vmem>>, vector<16xi32>,
      %shift_right_logical3A = arith.constant 7 : i32
      %shift_right_logical3A_23 = vector.broadcast %shift_right_logical3A : i32 to vector<16xi32>
      %shift_right_logical3A_24 = arith.shrui %get3A_22, %shift_right_logical3A_23 : vector<16xi32>
      %and3A = arith.constant 127 : i32
      %and3A_25 = vector.broadcast %and3A : i32 to vector<16xi32>
      %and3A_26 = arith.andi %get3A_22, %and3A_25 : vector<16xi32>
      %gather3A = tpu.vector_load_idx %arg7[%shift_right_logical3A_24, %and3A_26] : memref<80x128xf32, #tpu.memory_space<vmem>>[vector<16xi32>, vector<16xi32>], vector<16xf32>,
      %get3A_27 = arith.index_cast %add3A_20 : i32 to index
      %get3A_28 = arith.constant 0 : index
      %get3A_29 = tpu.vector_load %arg6[%get3A_27, %get3A_28] {strides = array<i32>} : memref<160x128xi32, #tpu.memory_space<vmem>>, vector<16xi32>,
      %shift_right_logical3A_30 = arith.constant 7 : i32
      %shift_right_logical3A_31 = vector.broadcast %shift_right_logical3A_30 : i32 to vector<16xi32>
      %shift_right_logical3A_32 = arith.shrui %get3A_29, %shift_right_logical3A_31 : vector<16xi32>
      %and3A_33 = arith.constant 127 : i32
      %and3A_34 = vector.broadcast %and3A_33 : i32 to vector<16xi32>
      %and3A_35 = arith.andi %get3A_29, %and3A_34 : vector<16xi32>
      tpu.vector_store_idx %arg8[%shift_right_logical3A_32, %and3A_35], %gather3A {add = true} : memref<80x128xf32, #tpu.memory_space<vmem>>[vector<16xi32>, vector<16xi32>], vector<16xf32>,
      %get3A_36 = arith.index_cast %add3A_20 : i32 to index
      %get3A_37 = arith.constant 16 : index
      %get3A_38 = tpu.vector_load %arg5[%get3A_36, %get3A_37] {strides = array<i32>} : memref<160x128xi32, #tpu.memory_space<vmem>>, vector<16xi32>,
      %shift_right_logical3A_39 = arith.constant 7 : i32
      %shift_right_logical3A_40 = vector.broadcast %shift_right_logical3A_39 : i32 to vector<16xi32>
      %shift_right_logical3A_41 = arith.shrui %get3A_38, %shift_right_logical3A_40 : vector<16xi32>
      %and3A_42 = arith.constant 127 : i32
      %and3A_43 = vector.broadcast %and3A_42 : i32 to vector<16xi32>
      %and3A_44 = arith.andi %get3A_38, %and3A_43 : vector<16xi32>
      %gather3A_45 = tpu.vector_load_idx %arg7[%shift_right_logical3A_41, %and3A_44] : memref<80x128xf32, #tpu.memory_space<vmem>>[vector<16xi32>, vector<16xi32>], vector<16xf32>,
      %get3A_46 = arith.index_cast %add3A_20 : i32 to index
      %get3A_47 = arith.constant 16 : index
      %get3A_48 = tpu.vector_load %arg6[%get3A_46, %get3A_47] {strides = array<i32>} : memref<160x128xi32, #tpu.memory_space<vmem>>, vector<16xi32>,
      %shift_right_logical3A_49 = arith.constant 7 : i32
      %shift_right_logical3A_50 = vector.broadcast %shift_right_logical3A_49 : i32 to vector<16xi32>
      %shift_right_logical3A_51 = arith.shrui %get3A_48, %shift_right_logical3A_50 : vector<16xi32>
      %and3A_52 = arith.constant 127 : i32
      %and3A_53 = vector.broadcast %and3A_52 : i32 to vector<16xi32>
      %and3A_54 = arith.andi %get3A_48, %and3A_53 : vector<16xi32>
      tpu.vector_store_idx %arg8[%shift_right_logical3A_51, %and3A_54], %gather3A_45 {add = true} : memref<80x128xf32, #tpu.memory_space<vmem>>[vector<16xi32>, vector<16xi32>], vector<16xf32>,
      %get3A_55 = arith.index_cast %add3A_20 : i32 to index
      %get3A_56 = arith.constant 32 : index
      %get3A_57 = tpu.vector_load %arg5[%get3A_55, %get3A_56] {strides = array<i32>} : memref<160x128xi32, #tpu.memory_space<vmem>>, vector<16xi32>,
      %shift_right_logical3A_58 = arith.constant 7 : i32
      %shift_right_logical3A_59 = vector.broadcast %shift_right_logical3A_58 : i32 to vector<16xi32>
      %shift_right_logical3A_60 = arith.shrui %get3A_57, %shift_right_logical3A_59 : vector<16xi32>
      %and3A_61 = arith.constant 127 : i32
      %and3A_62 = vector.broadcast %and3A_61 : i32 to vector<16xi32>
      %and3A_63 = arith.andi %get3A_57, %and3A_62 : vector<16xi32>
      %gather3A_64 = tpu.vector_load_idx %arg7[%shift_right_logical3A_60, %and3A_63] : memref<80x128xf32, #tpu.memory_space<vmem>>[vector<16xi32>, vector<16xi32>], vector<16xf32>,
      %get3A_65 = arith.index_cast %add3A_20 : i32 to index
      %get3A_66 = arith.constant 32 : index
      %get3A_67 = tpu.vector_load %arg6[%get3A_65, %get3A_66] {strides = array<i32>} : memref<160x128xi32, #tpu.memory_space<vmem>>, vector<16xi32>,
      %shift_right_logical3A_68 = arith.constant 7 : i32
      %shift_right_logical3A_69 = vector.broadcast %shift_right_logical3A_68 : i32 to vector<16xi32>
      %shift_right_logical3A_70 = arith.shrui %get3A_67, %shift_right_logical3A_69 : vector<16xi32>
      %and3A_71 = arith.constant 127 : i32
      %and3A_72 = vector.broadcast %and3A_71 : i32 to vector<16xi32>
      %and3A_73 = arith.andi %get3A_67, %and3A_72 : vector<16xi32>
      tpu.vector_store_idx %arg8[%shift_right_logical3A_70, %and3A_73], %gather3A_64 {add = true} : memref<80x128xf32, #tpu.memory_space<vmem>>[vector<16xi32>, vector<16xi32>], vector<16xf32>,
      %get3A_74 = arith.index_cast %add3A_20 : i32 to index
      %get3A_75 = arith.constant 48 : index
      %get3A_76 = tpu.vector_load %arg5[%get3A_74, %get3A_75] {strides = array<i32>} : memref<160x128xi32, #tpu.memory_space<vmem>>, vector<16xi32>,
      %shift_right_logical3A_77 = arith.constant 7 : i32
      %shift_right_logical3A_78 = vector.broadcast %shift_right_logical3A_77 : i32 to vector<16xi32>
      %shift_right_logical3A_79 = arith.shrui %get3A_76, %shift_right_logical3A_78 : vector<16xi32>
      %and3A_80 = arith.constant 127 : i32
      %and3A_81 = vector.broadcast %and3A_80 : i32 to vector<16xi32>
      %and3A_82 = arith.andi %get3A_76, %and3A_81 : vector<16xi32>
      %gather3A_83 = tpu.vector_load_idx %arg7[%shift_right_logical3A_79, %and3A_82] : memref<80x128xf32, #tpu.memory_space<vmem>>[vector<16xi32>, vector<16xi32>], vector<16xf32>,
      %get3A_84 = arith.index_cast %add3A_20 : i32 to index
      %get3A_85 = arith.constant 48 : index
      %get3A_86 = tpu.vector_load %arg6[%get3A_84, %get3A_85] {strides = array<i32>} : memref<160x128xi32, #tpu.memory_space<vmem>>, vector<16xi32>,
      %shift_right_logical3A_87 = arith.constant 7 : i32
      %shift_right_logical3A_88 = vector.broadcast %shift_right_logical3A_87 : i32 to vector<16xi32>
      %shift_right_logical3A_89 = arith.shrui %get3A_86, %shift_right_logical3A_88 : vector<16xi32>
      %and3A_90 = arith.constant 127 : i32
      %and3A_91 = vector.broadcast %and3A_90 : i32 to vector<16xi32>
      %and3A_92 = arith.andi %get3A_86, %and3A_91 : vector<16xi32>
      tpu.vector_store_idx %arg8[%shift_right_logical3A_89, %and3A_92], %gather3A_83 {add = true} : memref<80x128xf32, #tpu.memory_space<vmem>>[vector<16xi32>, vector<16xi32>], vector<16xf32>,
      %get3A_93 = arith.index_cast %add3A_20 : i32 to index
      %get3A_94 = arith.constant 64 : index
      %get3A_95 = tpu.vector_load %arg5[%get3A_93, %get3A_94] {strides = array<i32>} : memref<160x128xi32, #tpu.memory_space<vmem>>, vector<16xi32>,
      %shift_right_logical3A_96 = arith.constant 7 : i32
      %shift_right_logical3A_97 = vector.broadcast %shift_right_logical3A_96 : i32 to vector<16xi32>
      %shift_right_logical3A_98 = arith.shrui %get3A_95, %shift_right_logical3A_97 : vector<16xi32>
      %and3A_99 = arith.constant 127 : i32
      %and3A_100 = vector.broadcast %and3A_99 : i32 to vector<16xi32>
      %and3A_101 = arith.andi %get3A_95, %and3A_100 : vector<16xi32>
      %gather3A_102 = tpu.vector_load_idx %arg7[%shift_right_logical3A_98, %and3A_101] : memref<80x128xf32, #tpu.memory_space<vmem>>[vector<16xi32>, vector<16xi32>], vector<16xf32>,
      %get3A_103 = arith.index_cast %add3A_20 : i32 to index
      %get3A_104 = arith.constant 64 : index
      %get3A_105 = tpu.vector_load %arg6[%get3A_103, %get3A_104] {strides = array<i32>} : memref<160x128xi32, #tpu.memory_space<vmem>>, vector<16xi32>,
      %shift_right_logical3A_106 = arith.constant 7 : i32
      %shift_right_logical3A_107 = vector.broadcast %shift_right_logical3A_106 : i32 to vector<16xi32>
      %shift_right_logical3A_108 = arith.shrui %get3A_105, %shift_right_logical3A_107 : vector<16xi32>
      %and3A_109 = arith.constant 127 : i32
      %and3A_110 = vector.broadcast %and3A_109 : i32 to vector<16xi32>
      %and3A_111 = arith.andi %get3A_105, %and3A_110 : vector<16xi32>
      tpu.vector_store_idx %arg8[%shift_right_logical3A_108, %and3A_111], %gather3A_102 {add = true} : memref<80x128xf32, #tpu.memory_space<vmem>>[vector<16xi32>, vector<16xi32>], vector<16xf32>,
      %get3A_112 = arith.index_cast %add3A_20 : i32 to index
      %get3A_113 = arith.constant 80 : index
      %get3A_114 = tpu.vector_load %arg5[%get3A_112, %get3A_113] {strides = array<i32>} : memref<160x128xi32, #tpu.memory_space<vmem>>, vector<16xi32>,
      %shift_right_logical3A_115 = arith.constant 7 : i32
      %shift_right_logical3A_116 = vector.broadcast %shift_right_logical3A_115 : i32 to vector<16xi32>
      %shift_right_logical3A_117 = arith.shrui %get3A_114, %shift_right_logical3A_116 : vector<16xi32>
      %and3A_118 = arith.constant 127 : i32
      %and3A_119 = vector.broadcast %and3A_118 : i32 to vector<16xi32>
      %and3A_120 = arith.andi %get3A_114, %and3A_119 : vector<16xi32>
      %gather3A_121 = tpu.vector_load_idx %arg7[%shift_right_logical3A_117, %and3A_120] : memref<80x128xf32, #tpu.memory_space<vmem>>[vector<16xi32>, vector<16xi32>], vector<16xf32>,
      %get3A_122 = arith.index_cast %add3A_20 : i32 to index
      %get3A_123 = arith.constant 80 : index
      %get3A_124 = tpu.vector_load %arg6[%get3A_122, %get3A_123] {strides = array<i32>} : memref<160x128xi32, #tpu.memory_space<vmem>>, vector<16xi32>,
      %shift_right_logical3A_125 = arith.constant 7 : i32
      %shift_right_logical3A_126 = vector.broadcast %shift_right_logical3A_125 : i32 to vector<16xi32>
      %shift_right_logical3A_127 = arith.shrui %get3A_124, %shift_right_logical3A_126 : vector<16xi32>
      %and3A_128 = arith.constant 127 : i32
      %and3A_129 = vector.broadcast %and3A_128 : i32 to vector<16xi32>
      %and3A_130 = arith.andi %get3A_124, %and3A_129 : vector<16xi32>
      tpu.vector_store_idx %arg8[%shift_right_logical3A_127, %and3A_130], %gather3A_121 {add = true} : memref<80x128xf32, #tpu.memory_space<vmem>>[vector<16xi32>, vector<16xi32>], vector<16xf32>,
      %get3A_131 = arith.index_cast %add3A_20 : i32 to index
      %get3A_132 = arith.constant 96 : index
      %get3A_133 = tpu.vector_load %arg5[%get3A_131, %get3A_132] {strides = array<i32>} : memref<160x128xi32, #tpu.memory_space<vmem>>, vector<16xi32>,
      %shift_right_logical3A_134 = arith.constant 7 : i32
      %shift_right_logical3A_135 = vector.broadcast %shift_right_logical3A_134 : i32 to vector<16xi32>
      %shift_right_logical3A_136 = arith.shrui %get3A_133, %shift_right_logical3A_135 : vector<16xi32>
      %and3A_137 = arith.constant 127 : i32
      %and3A_138 = vector.broadcast %and3A_137 : i32 to vector<16xi32>
      %and3A_139 = arith.andi %get3A_133, %and3A_138 : vector<16xi32>
      %gather3A_140 = tpu.vector_load_idx %arg7[%shift_right_logical3A_136, %and3A_139] : memref<80x128xf32, #tpu.memory_space<vmem>>[vector<16xi32>, vector<16xi32>], vector<16xf32>,
      %get3A_141 = arith.index_cast %add3A_20 : i32 to index
      %get3A_142 = arith.constant 96 : index
      %get3A_143 = tpu.vector_load %arg6[%get3A_141, %get3A_142] {strides = array<i32>} : memref<160x128xi32, #tpu.memory_space<vmem>>, vector<16xi32>,
      %shift_right_logical3A_144 = arith.constant 7 : i32
      %shift_right_logical3A_145 = vector.broadcast %shift_right_logical3A_144 : i32 to vector<16xi32>
      %shift_right_logical3A_146 = arith.shrui %get3A_143, %shift_right_logical3A_145 : vector<16xi32>
      %and3A_147 = arith.constant 127 : i32
      %and3A_148 = vector.broadcast %and3A_147 : i32 to vector<16xi32>
      %and3A_149 = arith.andi %get3A_143, %and3A_148 : vector<16xi32>
      tpu.vector_store_idx %arg8[%shift_right_logical3A_146, %and3A_149], %gather3A_140 {add = true} : memref<80x128xf32, #tpu.memory_space<vmem>>[vector<16xi32>, vector<16xi32>], vector<16xf32>,
      %get3A_150 = arith.index_cast %add3A_20 : i32 to index
      %get3A_151 = arith.constant 112 : index
      %get3A_152 = tpu.vector_load %arg5[%get3A_150, %get3A_151] {strides = array<i32>} : memref<160x128xi32, #tpu.memory_space<vmem>>, vector<16xi32>,
      %shift_right_logical3A_153 = arith.constant 7 : i32
      %shift_right_logical3A_154 = vector.broadcast %shift_right_logical3A_153 : i32 to vector<16xi32>
      %shift_right_logical3A_155 = arith.shrui %get3A_152, %shift_right_logical3A_154 : vector<16xi32>
      %and3A_156 = arith.constant 127 : i32
      %and3A_157 = vector.broadcast %and3A_156 : i32 to vector<16xi32>
      %and3A_158 = arith.andi %get3A_152, %and3A_157 : vector<16xi32>
      %gather3A_159 = tpu.vector_load_idx %arg7[%shift_right_logical3A_155, %and3A_158] : memref<80x128xf32, #tpu.memory_space<vmem>>[vector<16xi32>, vector<16xi32>], vector<16xf32>,
      %get3A_160 = arith.index_cast %add3A_20 : i32 to index
      %get3A_161 = arith.constant 112 : index
      %get3A_162 = tpu.vector_load %arg6[%get3A_160, %get3A_161] {strides = array<i32>} : memref<160x128xi32, #tpu.memory_space<vmem>>, vector<16xi32>,
      %shift_right_logical3A_163 = arith.constant 7 : i32
      %shift_right_logical3A_164 = vector.broadcast %shift_right_logical3A_163 : i32 to vector<16xi32>
      %shift_right_logical3A_165 = arith.shrui %get3A_162, %shift_right_logical3A_164 : vector<16xi32>
      %and3A_166 = arith.constant 127 : i32
      %and3A_167 = vector.broadcast %and3A_166 : i32 to vector<16xi32>
      %and3A_168 = arith.andi %get3A_162, %and3A_167 : vector<16xi32>
      tpu.vector_store_idx %arg8[%shift_right_logical3A_165, %and3A_168], %gather3A_159 {add = true} : memref<80x128xf32, #tpu.memory_space<vmem>>[vector<16xi32>, vector<16xi32>], vector<16xf32>,
    }
    %scan3A_15 = arith.constant 160 : i32
    "tpu.region"() ({
      %run_scoped3A_16 = tpu.sem_alloc : memref<!tpu.dma_semaphore, #tpu.memory_space<semaphore_mem>>
      %dma_start3A = arith.constant 0 : i32
      %dma_start3A_17 = arith.constant 0 : i32
      %dma_start3A_18 = tpu.memref_slice %arg4[%add3A, %dma_start3A, %dma_start3A_17] : memref<32x80x128xf32, #tpu.memory_space<hbm>> -> memref<1x80x128xf32, #tpu.memory_space<hbm>>
      %dma_start3A_19 = tpu.memref_squeeze %dma_start3A_18 : memref<1x80x128xf32, #tpu.memory_space<hbm>> -> memref<80x128xf32, #tpu.memory_space<hbm>>
      %dma_start3A_20 = arith.constant 0 : i32
      %dma_start3A_21 = arith.constant 0 : i32
      %dma_start3A_22 = tpu.memref_slice %arg4[%add3A, %dma_start3A_20, %dma_start3A_21] : memref<32x80x128xf32, #tpu.memory_space<hbm>> -> memref<1x80x128xf32, #tpu.memory_space<hbm>>
      %dma_start3A_23 = tpu.memref_squeeze %dma_start3A_22 : memref<1x80x128xf32, #tpu.memory_space<hbm>> -> memref<80x128xf32, #tpu.memory_space<hbm>>
      tpu.enqueue_dma source(%arg8 : memref<80x128xf32, #tpu.memory_space<vmem>>) target(%dma_start3A_23 : memref<80x128xf32, #tpu.memory_space<hbm>>) target_semaphore(%run_scoped3A_16 : memref<!tpu.dma_semaphore, #tpu.memory_space<semaphore_mem>>)
      %dma_wait3A = arith.constant 0 : i32
      %dma_wait3A_24 = arith.constant 0 : i32
      %dma_wait3A_25 = tpu.memref_slice %arg4[%add3A, %dma_wait3A, %dma_wait3A_24] : memref<32x80x128xf32, #tpu.memory_space<hbm>> -> memref<1x80x128xf32, #tpu.memory_space<hbm>>
      %dma_wait3A_26 = tpu.memref_squeeze %dma_wait3A_25 : memref<1x80x128xf32, #tpu.memory_space<hbm>> -> memref<80x128xf32, #tpu.memory_space<hbm>>
      %dma_wait3A_27 = arith.constant 0 : i32
      %dma_wait3A_28 = arith.constant 0 : i32
      %dma_wait3A_29 = tpu.memref_slice %arg4[%add3A, %dma_wait3A_27, %dma_wait3A_28] : memref<32x80x128xf32, #tpu.memory_space<hbm>> -> memref<1x80x128xf32, #tpu.memory_space<hbm>>
      %dma_wait3A_30 = tpu.memref_squeeze %dma_wait3A_29 : memref<1x80x128xf32, #tpu.memory_space<hbm>> -> memref<80x128xf32, #tpu.memory_space<hbm>>
      tpu.wait_dma2 semaphore(%run_scoped3A_16 : memref<!tpu.dma_semaphore, #tpu.memory_space<semaphore_mem>>) src(%arg8 : memref<80x128xf32, #tpu.memory_space<vmem>>) dst(%dma_wait3A_30 : memref<80x128xf32, #tpu.memory_space<hbm>>)
      tpu.yield
    }) : () -> ()
    return
  }
}

#map = affine_map<(d0, d1) -> (0, 0, 0)>
module attributes {stable_mosaic.version = 14 : i64} {
  func.func @_sc_deg_body(%arg0: i32, %arg1: i32, %arg2: memref<2x5120x128xi32, #tpu.memory_space<hbm>>, %arg3: memref<32x80x128xf32, #tpu.memory_space<hbm>>, %arg4: memref<160x128xi32, #tpu.memory_space<vmem>>, %arg5: memref<80x128xf32, #tpu.memory_space<vmem>>) attributes {dimension_semantics = [#tpu.dimension_semantics<core_parallel>, #tpu.dimension_semantics<subcore_parallel>], iteration_bounds = array<i64: 2, 16>, scalar_prefetch = 0 : i64, scratch_operands = 2 : i64, tpu.core_type = #tpu.core_type<sc_vector_subcore>, window_params = [{transform_indices = #map}, {transform_indices = #map}]} {
    %mul3A = arith.constant 2 : i32
    %mul3A_0 = arith.muli %arg1, %mul3A : i32
    %add3A = arith.addi %mul3A_0, %arg0 : i32
    %broadcast_in_dim3A = arith.constant 0.000000e+00 : f32
    %broadcast_in_dim3A_1 = vector.broadcast %broadcast_in_dim3A : f32 to vector<16xf32>
    %scan3A = arith.constant 0 : i32
    %scan3A_2 = arith.constant 80 : i32
    %scan3A_3 = arith.addi %scan3A, %scan3A_2 : i32
    %scan3A_4 = arith.constant 1 : i32
    scf.for %scan3A_15 = %scan3A to %scan3A_3 step %scan3A_4  : i32 {
      %mul3A_16 = arith.constant 1 : i32
      %mul3A_17 = arith.muli %scan3A_15, %mul3A_16 : i32
      %add3A_18 = arith.constant 0 : i32
      %add3A_19 = arith.addi %add3A_18, %mul3A_17 : i32
      %swap3A = arith.index_cast %add3A_19 : i32 to index
      %swap3A_20 = arith.constant 0 : index
      %swap3A_21 = tpu.vector_load %arg5[%swap3A, %swap3A_20] {strides = array<i32>} : memref<80x128xf32, #tpu.memory_space<vmem>>, vector<16xf32>,
      tpu.vector_store %arg5[%swap3A, %swap3A_20], %broadcast_in_dim3A_1 {strides = array<i32>} : memref<80x128xf32, #tpu.memory_space<vmem>>, vector<16xf32>,
      %swap3A_22 = arith.index_cast %add3A_19 : i32 to index
      %swap3A_23 = arith.constant 16 : index
      %swap3A_24 = tpu.vector_load %arg5[%swap3A_22, %swap3A_23] {strides = array<i32>} : memref<80x128xf32, #tpu.memory_space<vmem>>, vector<16xf32>,
      tpu.vector_store %arg5[%swap3A_22, %swap3A_23], %broadcast_in_dim3A_1 {strides = array<i32>} : memref<80x128xf32, #tpu.memory_space<vmem>>, vector<16xf32>,
      %swap3A_25 = arith.index_cast %add3A_19 : i32 to index
      %swap3A_26 = arith.constant 32 : index
      %swap3A_27 = tpu.vector_load %arg5[%swap3A_25, %swap3A_26] {strides = array<i32>} : memref<80x128xf32, #tpu.memory_space<vmem>>, vector<16xf32>,
      tpu.vector_store %arg5[%swap3A_25, %swap3A_26], %broadcast_in_dim3A_1 {strides = array<i32>} : memref<80x128xf32, #tpu.memory_space<vmem>>, vector<16xf32>,
      %swap3A_28 = arith.index_cast %add3A_19 : i32 to index
      %swap3A_29 = arith.constant 48 : index
      %swap3A_30 = tpu.vector_load %arg5[%swap3A_28, %swap3A_29] {strides = array<i32>} : memref<80x128xf32, #tpu.memory_space<vmem>>, vector<16xf32>,
      tpu.vector_store %arg5[%swap3A_28, %swap3A_29], %broadcast_in_dim3A_1 {strides = array<i32>} : memref<80x128xf32, #tpu.memory_space<vmem>>, vector<16xf32>,
      %swap3A_31 = arith.index_cast %add3A_19 : i32 to index
      %swap3A_32 = arith.constant 64 : index
      %swap3A_33 = tpu.vector_load %arg5[%swap3A_31, %swap3A_32] {strides = array<i32>} : memref<80x128xf32, #tpu.memory_space<vmem>>, vector<16xf32>,
      tpu.vector_store %arg5[%swap3A_31, %swap3A_32], %broadcast_in_dim3A_1 {strides = array<i32>} : memref<80x128xf32, #tpu.memory_space<vmem>>, vector<16xf32>,
      %swap3A_34 = arith.index_cast %add3A_19 : i32 to index
      %swap3A_35 = arith.constant 80 : index
      %swap3A_36 = tpu.vector_load %arg5[%swap3A_34, %swap3A_35] {strides = array<i32>} : memref<80x128xf32, #tpu.memory_space<vmem>>, vector<16xf32>,
      tpu.vector_store %arg5[%swap3A_34, %swap3A_35], %broadcast_in_dim3A_1 {strides = array<i32>} : memref<80x128xf32, #tpu.memory_space<vmem>>, vector<16xf32>,
      %swap3A_37 = arith.index_cast %add3A_19 : i32 to index
      %swap3A_38 = arith.constant 96 : index
      %swap3A_39 = tpu.vector_load %arg5[%swap3A_37, %swap3A_38] {strides = array<i32>} : memref<80x128xf32, #tpu.memory_space<vmem>>, vector<16xf32>,
      tpu.vector_store %arg5[%swap3A_37, %swap3A_38], %broadcast_in_dim3A_1 {strides = array<i32>} : memref<80x128xf32, #tpu.memory_space<vmem>>, vector<16xf32>,
      %swap3A_40 = arith.index_cast %add3A_19 : i32 to index
      %swap3A_41 = arith.constant 112 : index
      %swap3A_42 = tpu.vector_load %arg5[%swap3A_40, %swap3A_41] {strides = array<i32>} : memref<80x128xf32, #tpu.memory_space<vmem>>, vector<16xf32>,
      tpu.vector_store %arg5[%swap3A_40, %swap3A_41], %broadcast_in_dim3A_1 {strides = array<i32>} : memref<80x128xf32, #tpu.memory_space<vmem>>, vector<16xf32>,
    }
    %scan3A_5 = arith.constant 80 : i32
    %mul3A_6 = arith.constant 160 : i32
    %mul3A_7 = arith.muli %add3A, %mul3A_6 : i32
    %run_scoped3A = arith.constant 1 : i32
    "tpu.region"() ({
      %run_scoped3A_15 = tpu.sem_alloc : memref<!tpu.dma_semaphore, #tpu.memory_space<semaphore_mem>>
      %dma_start3A = arith.constant 0 : i32
      %dma_start3A_16 = tpu.memref_slice %arg2[%run_scoped3A, %mul3A_7, %dma_start3A] : memref<2x5120x128xi32, #tpu.memory_space<hbm>> -> memref<1x160x128xi32, #tpu.memory_space<hbm>>
      %dma_start3A_17 = tpu.memref_squeeze %dma_start3A_16 : memref<1x160x128xi32, #tpu.memory_space<hbm>> -> memref<160x128xi32, #tpu.memory_space<hbm>>
      %dma_start3A_18 = arith.constant 0 : i32
      %dma_start3A_19 = tpu.memref_slice %arg2[%run_scoped3A, %mul3A_7, %dma_start3A_18] : memref<2x5120x128xi32, #tpu.memory_space<hbm>> -> memref<1x160x128xi32, #tpu.memory_space<hbm>>
      %dma_start3A_20 = tpu.memref_squeeze %dma_start3A_19 : memref<1x160x128xi32, #tpu.memory_space<hbm>> -> memref<160x128xi32, #tpu.memory_space<hbm>>
      tpu.enqueue_dma source(%dma_start3A_20 : memref<160x128xi32, #tpu.memory_space<hbm>>) target(%arg4 : memref<160x128xi32, #tpu.memory_space<vmem>>) target_semaphore(%run_scoped3A_15 : memref<!tpu.dma_semaphore, #tpu.memory_space<semaphore_mem>>)
      %dma_wait3A = arith.constant 0 : i32
      %dma_wait3A_21 = tpu.memref_slice %arg2[%run_scoped3A, %mul3A_7, %dma_wait3A] : memref<2x5120x128xi32, #tpu.memory_space<hbm>> -> memref<1x160x128xi32, #tpu.memory_space<hbm>>
      %dma_wait3A_22 = tpu.memref_squeeze %dma_wait3A_21 : memref<1x160x128xi32, #tpu.memory_space<hbm>> -> memref<160x128xi32, #tpu.memory_space<hbm>>
      %dma_wait3A_23 = arith.constant 0 : i32
      %dma_wait3A_24 = tpu.memref_slice %arg2[%run_scoped3A, %mul3A_7, %dma_wait3A_23] : memref<2x5120x128xi32, #tpu.memory_space<hbm>> -> memref<1x160x128xi32, #tpu.memory_space<hbm>>
      %dma_wait3A_25 = tpu.memref_squeeze %dma_wait3A_24 : memref<1x160x128xi32, #tpu.memory_space<hbm>> -> memref<160x128xi32, #tpu.memory_space<hbm>>
      tpu.wait_dma2 semaphore(%run_scoped3A_15 : memref<!tpu.dma_semaphore, #tpu.memory_space<semaphore_mem>>) src(%dma_wait3A_25 : memref<160x128xi32, #tpu.memory_space<hbm>>) dst(%arg4 : memref<160x128xi32, #tpu.memory_space<vmem>>)
      tpu.yield
    }) : () -> ()
    %broadcast_in_dim3A_8 = arith.constant 1.000000e+00 : f32
    %broadcast_in_dim3A_9 = vector.broadcast %broadcast_in_dim3A_8 : f32 to vector<16xf32>
    %scan3A_10 = arith.constant 0 : i32
    %scan3A_11 = arith.constant 160 : i32
    %scan3A_12 = arith.addi %scan3A_10, %scan3A_11 : i32
    %scan3A_13 = arith.constant 1 : i32
    scf.for %scan3A_15 = %scan3A_10 to %scan3A_12 step %scan3A_13  : i32 {
      %mul3A_16 = arith.constant 1 : i32
      %mul3A_17 = arith.muli %scan3A_15, %mul3A_16 : i32
      %add3A_18 = arith.constant 0 : i32
      %add3A_19 = arith.addi %add3A_18, %mul3A_17 : i32
      %get3A = arith.index_cast %add3A_19 : i32 to index
      %get3A_20 = arith.constant 0 : index
      %get3A_21 = tpu.vector_load %arg4[%get3A, %get3A_20] {strides = array<i32>} : memref<160x128xi32, #tpu.memory_space<vmem>>, vector<16xi32>,
      %shift_right_logical3A = arith.constant 7 : i32
      %shift_right_logical3A_22 = vector.broadcast %shift_right_logical3A : i32 to vector<16xi32>
      %shift_right_logical3A_23 = arith.shrui %get3A_21, %shift_right_logical3A_22 : vector<16xi32>
      %and3A = arith.constant 127 : i32
      %and3A_24 = vector.broadcast %and3A : i32 to vector<16xi32>
      %and3A_25 = arith.andi %get3A_21, %and3A_24 : vector<16xi32>
      tpu.vector_store_idx %arg5[%shift_right_logical3A_23, %and3A_25], %broadcast_in_dim3A_9 {add = true} : memref<80x128xf32, #tpu.memory_space<vmem>>[vector<16xi32>, vector<16xi32>], vector<16xf32>,
      %get3A_26 = arith.index_cast %add3A_19 : i32 to index
      %get3A_27 = arith.constant 16 : index
      %get3A_28 = tpu.vector_load %arg4[%get3A_26, %get3A_27] {strides = array<i32>} : memref<160x128xi32, #tpu.memory_space<vmem>>, vector<16xi32>,
      %shift_right_logical3A_29 = arith.constant 7 : i32
      %shift_right_logical3A_30 = vector.broadcast %shift_right_logical3A_29 : i32 to vector<16xi32>
      %shift_right_logical3A_31 = arith.shrui %get3A_28, %shift_right_logical3A_30 : vector<16xi32>
      %and3A_32 = arith.constant 127 : i32
      %and3A_33 = vector.broadcast %and3A_32 : i32 to vector<16xi32>
      %and3A_34 = arith.andi %get3A_28, %and3A_33 : vector<16xi32>
      tpu.vector_store_idx %arg5[%shift_right_logical3A_31, %and3A_34], %broadcast_in_dim3A_9 {add = true} : memref<80x128xf32, #tpu.memory_space<vmem>>[vector<16xi32>, vector<16xi32>], vector<16xf32>,
      %get3A_35 = arith.index_cast %add3A_19 : i32 to index
      %get3A_36 = arith.constant 32 : index
      %get3A_37 = tpu.vector_load %arg4[%get3A_35, %get3A_36] {strides = array<i32>} : memref<160x128xi32, #tpu.memory_space<vmem>>, vector<16xi32>,
      %shift_right_logical3A_38 = arith.constant 7 : i32
      %shift_right_logical3A_39 = vector.broadcast %shift_right_logical3A_38 : i32 to vector<16xi32>
      %shift_right_logical3A_40 = arith.shrui %get3A_37, %shift_right_logical3A_39 : vector<16xi32>
      %and3A_41 = arith.constant 127 : i32
      %and3A_42 = vector.broadcast %and3A_41 : i32 to vector<16xi32>
      %and3A_43 = arith.andi %get3A_37, %and3A_42 : vector<16xi32>
      tpu.vector_store_idx %arg5[%shift_right_logical3A_40, %and3A_43], %broadcast_in_dim3A_9 {add = true} : memref<80x128xf32, #tpu.memory_space<vmem>>[vector<16xi32>, vector<16xi32>], vector<16xf32>,
      %get3A_44 = arith.index_cast %add3A_19 : i32 to index
      %get3A_45 = arith.constant 48 : index
      %get3A_46 = tpu.vector_load %arg4[%get3A_44, %get3A_45] {strides = array<i32>} : memref<160x128xi32, #tpu.memory_space<vmem>>, vector<16xi32>,
      %shift_right_logical3A_47 = arith.constant 7 : i32
      %shift_right_logical3A_48 = vector.broadcast %shift_right_logical3A_47 : i32 to vector<16xi32>
      %shift_right_logical3A_49 = arith.shrui %get3A_46, %shift_right_logical3A_48 : vector<16xi32>
      %and3A_50 = arith.constant 127 : i32
      %and3A_51 = vector.broadcast %and3A_50 : i32 to vector<16xi32>
      %and3A_52 = arith.andi %get3A_46, %and3A_51 : vector<16xi32>
      tpu.vector_store_idx %arg5[%shift_right_logical3A_49, %and3A_52], %broadcast_in_dim3A_9 {add = true} : memref<80x128xf32, #tpu.memory_space<vmem>>[vector<16xi32>, vector<16xi32>], vector<16xf32>,
      %get3A_53 = arith.index_cast %add3A_19 : i32 to index
      %get3A_54 = arith.constant 64 : index
      %get3A_55 = tpu.vector_load %arg4[%get3A_53, %get3A_54] {strides = array<i32>} : memref<160x128xi32, #tpu.memory_space<vmem>>, vector<16xi32>,
      %shift_right_logical3A_56 = arith.constant 7 : i32
      %shift_right_logical3A_57 = vector.broadcast %shift_right_logical3A_56 : i32 to vector<16xi32>
      %shift_right_logical3A_58 = arith.shrui %get3A_55, %shift_right_logical3A_57 : vector<16xi32>
      %and3A_59 = arith.constant 127 : i32
      %and3A_60 = vector.broadcast %and3A_59 : i32 to vector<16xi32>
      %and3A_61 = arith.andi %get3A_55, %and3A_60 : vector<16xi32>
      tpu.vector_store_idx %arg5[%shift_right_logical3A_58, %and3A_61], %broadcast_in_dim3A_9 {add = true} : memref<80x128xf32, #tpu.memory_space<vmem>>[vector<16xi32>, vector<16xi32>], vector<16xf32>,
      %get3A_62 = arith.index_cast %add3A_19 : i32 to index
      %get3A_63 = arith.constant 80 : index
      %get3A_64 = tpu.vector_load %arg4[%get3A_62, %get3A_63] {strides = array<i32>} : memref<160x128xi32, #tpu.memory_space<vmem>>, vector<16xi32>,
      %shift_right_logical3A_65 = arith.constant 7 : i32
      %shift_right_logical3A_66 = vector.broadcast %shift_right_logical3A_65 : i32 to vector<16xi32>
      %shift_right_logical3A_67 = arith.shrui %get3A_64, %shift_right_logical3A_66 : vector<16xi32>
      %and3A_68 = arith.constant 127 : i32
      %and3A_69 = vector.broadcast %and3A_68 : i32 to vector<16xi32>
      %and3A_70 = arith.andi %get3A_64, %and3A_69 : vector<16xi32>
      tpu.vector_store_idx %arg5[%shift_right_logical3A_67, %and3A_70], %broadcast_in_dim3A_9 {add = true} : memref<80x128xf32, #tpu.memory_space<vmem>>[vector<16xi32>, vector<16xi32>], vector<16xf32>,
      %get3A_71 = arith.index_cast %add3A_19 : i32 to index
      %get3A_72 = arith.constant 96 : index
      %get3A_73 = tpu.vector_load %arg4[%get3A_71, %get3A_72] {strides = array<i32>} : memref<160x128xi32, #tpu.memory_space<vmem>>, vector<16xi32>,
      %shift_right_logical3A_74 = arith.constant 7 : i32
      %shift_right_logical3A_75 = vector.broadcast %shift_right_logical3A_74 : i32 to vector<16xi32>
      %shift_right_logical3A_76 = arith.shrui %get3A_73, %shift_right_logical3A_75 : vector<16xi32>
      %and3A_77 = arith.constant 127 : i32
      %and3A_78 = vector.broadcast %and3A_77 : i32 to vector<16xi32>
      %and3A_79 = arith.andi %get3A_73, %and3A_78 : vector<16xi32>
      tpu.vector_store_idx %arg5[%shift_right_logical3A_76, %and3A_79], %broadcast_in_dim3A_9 {add = true} : memref<80x128xf32, #tpu.memory_space<vmem>>[vector<16xi32>, vector<16xi32>], vector<16xf32>,
      %get3A_80 = arith.index_cast %add3A_19 : i32 to index
      %get3A_81 = arith.constant 112 : index
      %get3A_82 = tpu.vector_load %arg4[%get3A_80, %get3A_81] {strides = array<i32>} : memref<160x128xi32, #tpu.memory_space<vmem>>, vector<16xi32>,
      %shift_right_logical3A_83 = arith.constant 7 : i32
      %shift_right_logical3A_84 = vector.broadcast %shift_right_logical3A_83 : i32 to vector<16xi32>
      %shift_right_logical3A_85 = arith.shrui %get3A_82, %shift_right_logical3A_84 : vector<16xi32>
      %and3A_86 = arith.constant 127 : i32
      %and3A_87 = vector.broadcast %and3A_86 : i32 to vector<16xi32>
      %and3A_88 = arith.andi %get3A_82, %and3A_87 : vector<16xi32>
      tpu.vector_store_idx %arg5[%shift_right_logical3A_85, %and3A_88], %broadcast_in_dim3A_9 {add = true} : memref<80x128xf32, #tpu.memory_space<vmem>>[vector<16xi32>, vector<16xi32>], vector<16xf32>,
    }
    %scan3A_14 = arith.constant 160 : i32
    "tpu.region"() ({
      %run_scoped3A_15 = tpu.sem_alloc : memref<!tpu.dma_semaphore, #tpu.memory_space<semaphore_mem>>
      %dma_start3A = arith.constant 0 : i32
      %dma_start3A_16 = arith.constant 0 : i32
      %dma_start3A_17 = tpu.memref_slice %arg3[%add3A, %dma_start3A, %dma_start3A_16] : memref<32x80x128xf32, #tpu.memory_space<hbm>> -> memref<1x80x128xf32, #tpu.memory_space<hbm>>
      %dma_start3A_18 = tpu.memref_squeeze %dma_start3A_17 : memref<1x80x128xf32, #tpu.memory_space<hbm>> -> memref<80x128xf32, #tpu.memory_space<hbm>>
      %dma_start3A_19 = arith.constant 0 : i32
      %dma_start3A_20 = arith.constant 0 : i32
      %dma_start3A_21 = tpu.memref_slice %arg3[%add3A, %dma_start3A_19, %dma_start3A_20] : memref<32x80x128xf32, #tpu.memory_space<hbm>> -> memref<1x80x128xf32, #tpu.memory_space<hbm>>
      %dma_start3A_22 = tpu.memref_squeeze %dma_start3A_21 : memref<1x80x128xf32, #tpu.memory_space<hbm>> -> memref<80x128xf32, #tpu.memory_space<hbm>>
      tpu.enqueue_dma source(%arg5 : memref<80x128xf32, #tpu.memory_space<vmem>>) target(%dma_start3A_22 : memref<80x128xf32, #tpu.memory_space<hbm>>) target_semaphore(%run_scoped3A_15 : memref<!tpu.dma_semaphore, #tpu.memory_space<semaphore_mem>>)
      %dma_wait3A = arith.constant 0 : i32
      %dma_wait3A_23 = arith.constant 0 : i32
      %dma_wait3A_24 = tpu.memref_slice %arg3[%add3A, %dma_wait3A, %dma_wait3A_23] : memref<32x80x128xf32, #tpu.memory_space<hbm>> -> memref<1x80x128xf32, #tpu.memory_space<hbm>>
      %dma_wait3A_25 = tpu.memref_squeeze %dma_wait3A_24 : memref<1x80x128xf32, #tpu.memory_space<hbm>> -> memref<80x128xf32, #tpu.memory_space<hbm>>
      %dma_wait3A_26 = arith.constant 0 : i32
      %dma_wait3A_27 = arith.constant 0 : i32
      %dma_wait3A_28 = tpu.memref_slice %arg3[%add3A, %dma_wait3A_26, %dma_wait3A_27] : memref<32x80x128xf32, #tpu.memory_space<hbm>> -> memref<1x80x128xf32, #tpu.memory_space<hbm>>
      %dma_wait3A_29 = tpu.memref_squeeze %dma_wait3A_28 : memref<1x80x128xf32, #tpu.memory_space<hbm>> -> memref<80x128xf32, #tpu.memory_space<hbm>>
      tpu.wait_dma2 semaphore(%run_scoped3A_15 : memref<!tpu.dma_semaphore, #tpu.memory_space<semaphore_mem>>) src(%arg5 : memref<80x128xf32, #tpu.memory_space<vmem>>) dst(%dma_wait3A_29 : memref<80x128xf32, #tpu.memory_space<hbm>>)
      tpu.yield
    }) : () -> ()
    return
  }
}

module attributes {stable_mosaic.version = 14 : i64} {
  func.func @_tc_dis_body(%arg0: memref<32x80x128xf32, #tpu.memory_space<vmem>>, %arg1: memref<80x128xf32, #tpu.memory_space<vmem>>) attributes {dimension_semantics = [], scalar_prefetch = 0 : i64, scratch_operands = 0 : i64, tpu.core_type = #tpu.core_type<tc>} {
    %get3A = arith.constant 0 : index
    %get3A_0 = arith.constant 0 : index
    %get3A_1 = arith.constant 0 : index
    %get3A_2 = vector.load %arg0[%get3A, %get3A_0, %get3A_1] : memref<32x80x128xf32, #tpu.memory_space<vmem>>, vector<32x80x128xf32>
    %reduce_sum3A = arith.constant dense<0.000000e+00> : vector<80x128xf32>
    %reduce_sum3A_3 = vector.multi_reduction <add>, %get3A_2, %reduce_sum3A [0] : vector<32x80x128xf32> to vector<80x128xf32>
    %add3A = arith.constant 1.000000e+00 : f32
    %add3A_4 = vector.broadcast %add3A : f32 to vector<80x128xf32>
    %add3A_5 = arith.addf %reduce_sum3A_3, %add3A_4 : vector<80x128xf32>
    %rsqrt3A = math.rsqrt %add3A_5 : vector<80x128xf32>
    %swap3A = arith.constant 0 : index
    %swap3A_6 = arith.constant 0 : index
    %swap3A_7 = vector.load %arg1[%swap3A, %swap3A_6] : memref<80x128xf32, #tpu.memory_space<vmem>>, vector<80x128xf32>
    tpu.vector_store %arg1[%swap3A, %swap3A_6], %rsqrt3A {strides = array<i32>} : memref<80x128xf32, #tpu.memory_space<vmem>>, vector<80x128xf32>,
    return
  }
}

module attributes {stable_mosaic.version = 14 : i64} {
  func.func @_tc_u_body(%arg0: i32, %arg1: memref<1024x128xf32, #tpu.memory_space<vmem>>, %arg2: memref<128x128xf32, #tpu.memory_space<vmem>>, %arg3: memref<1024x1xf32, #tpu.memory_space<vmem>>, %arg4: memref<2x1024x64xf32, #tpu.memory_space<vmem>>) attributes {dimension_semantics = [#tpu.dimension_semantics<arbitrary>], iteration_bounds = array<i64: 10>, scalar_prefetch = 0 : i64, scratch_operands = 0 : i64, tpu.core_type = #tpu.core_type<tc>, window_params = [{transform_indices = @transform_0, window_bounds = array<i64: 1024, 128>}, {pipeline_mode = #tpu.pipeline_mode<synchronous>, transform_indices = @transform_1, window_bounds = array<i64: 128, 128>}, {transform_indices = @transform_2, window_bounds = array<i64: 1024, 1>}, {transform_indices = @transform_3, window_bounds = array<i64: 2, 1024, 64>}]} {
    %get3A = arith.constant 0 : index
    %get3A_0 = arith.constant 0 : index
    %get3A_1 = vector.load %arg1[%get3A, %get3A_0] : memref<1024x128xf32, #tpu.memory_space<vmem>>, vector<1024x128xf32>
    %get3A_2 = arith.constant 0 : index
    %get3A_3 = arith.constant 0 : index
    %get3A_4 = vector.load %arg2[%get3A_2, %get3A_3] : memref<128x128xf32, #tpu.memory_space<vmem>>, vector<128x128xf32>
    %dot_general3A = arith.constant dense<0.000000e+00> : vector<1024x128xf32>
    %dot_general3A_5 = tpu.matmul %get3A_1, %get3A_4, %dot_general3A {dimension_numbers = #tpu.dot_dimension_numbers<[1], [0], [0], [1], [0, 0, 1, 1], [], []>, transpose_lhs_hint = false} : vector<1024x128xf32>, vector<128x128xf32>, vector<1024x128xf32> -> vector<1024x128xf32>
    %get3A_6 = arith.constant 0 : index
    %get3A_7 = arith.constant 0 : index
    %get3A_8 = vector.load %arg3[%get3A_6, %get3A_7] : memref<1024x1xf32, #tpu.memory_space<vmem>>, vector<1024x1xf32>
    %mul3A = vector.broadcast %get3A_8 : vector<1024x1xf32> to vector<1024x128xf32>
    %mul3A_9 = arith.mulf %mul3A, %dot_general3A_5 : vector<1024x128xf32>
    %slice3A = vector.extract_strided_slice %mul3A_9 {offsets = [0, 0], sizes = [1024, 64], strides = [1, 1]} : vector<1024x128xf32> to vector<1024x64xf32>
    %swap3A = arith.constant 0 : index
    %swap3A_10 = arith.constant 0 : index
    %swap3A_11 = arith.constant 0 : index
    %swap3A_12 = vector.load %arg4[%swap3A, %swap3A_10, %swap3A_11] : memref<2x1024x64xf32, #tpu.memory_space<vmem>>, vector<1x1024x64xf32>
    %swap3A_13 = vector.shape_cast %swap3A_12 : vector<1x1024x64xf32> to vector<1024x64xf32>
    %swap3A_14 = vector.shape_cast %slice3A : vector<1024x64xf32> to vector<1x1024x64xf32>
    tpu.vector_store %arg4[%swap3A, %swap3A_10, %swap3A_11], %swap3A_14 {strides = array<i32>} : memref<2x1024x64xf32, #tpu.memory_space<vmem>>, vector<1x1024x64xf32>,
    %slice3A_15 = vector.extract_strided_slice %mul3A_9 {offsets = [0, 64], sizes = [1024, 64], strides = [1, 1]} : vector<1024x128xf32> to vector<1024x64xf32>
    %swap3A_16 = arith.constant 1 : index
    %swap3A_17 = arith.constant 0 : index
    %swap3A_18 = arith.constant 0 : index
    %swap3A_19 = vector.load %arg4[%swap3A_16, %swap3A_17, %swap3A_18] : memref<2x1024x64xf32, #tpu.memory_space<vmem>>, vector<1x1024x64xf32>
    %swap3A_20 = vector.shape_cast %swap3A_19 : vector<1x1024x64xf32> to vector<1024x64xf32>
    %swap3A_21 = vector.shape_cast %slice3A_15 : vector<1024x64xf32> to vector<1x1024x64xf32>
    tpu.vector_store %arg4[%swap3A_16, %swap3A_17, %swap3A_18], %swap3A_21 {strides = array<i32>} : memref<2x1024x64xf32, #tpu.memory_space<vmem>>, vector<1x1024x64xf32>,
    return
  }
  func.func @transform_0(%arg0: i32) -> (i32, i32) {
    %c0_i32 = arith.constant 0 : i32
    %c0_i32_0 = arith.constant 0 : i32
    return %arg0, %c0_i32 : i32, i32
  }
  func.func @transform_1(%arg0: i32) -> (i32, i32) {
    %c0_i32 = arith.constant 0 : i32
    %c0_i32_0 = arith.constant 0 : i32
    %c0_i32_1 = arith.constant 0 : i32
    return %c0_i32, %c0_i32_0 : i32, i32
  }
  func.func @transform_2(%arg0: i32) -> (i32, i32) {
    %c0_i32 = arith.constant 0 : i32
    %c0_i32_0 = arith.constant 0 : i32
    return %arg0, %c0_i32 : i32, i32
  }
  func.func @transform_3(%arg0: i32) -> (i32, i32, i32) {
    %c0_i32 = arith.constant 0 : i32
    %c0_i32_0 = arith.constant 0 : i32
    %c0_i32_1 = arith.constant 0 : i32
    return %c0_i32, %arg0, %c0_i32_0 : i32, i32, i32
  }
}

module attributes {stable_mosaic.version = 14 : i64} {
  func.func @_tc_t_body(%arg0: i32, %arg1: memref<2x1024x64xf32, #tpu.memory_space<vmem>>, %arg2: memref<2x1024x64xf32, #tpu.memory_space<vmem>>, %arg3: memref<1024x1xf32, #tpu.memory_space<vmem>>, %arg4: memref<2x64xf32, #tpu.memory_space<vmem>>, %arg5: memref<128x1xf32, #tpu.memory_space<vmem>>, %arg6: memref<1024x1xf32, #tpu.memory_space<vmem>>) attributes {dimension_semantics = [#tpu.dimension_semantics<arbitrary>], iteration_bounds = array<i64: 10>, scalar_prefetch = 0 : i64, scratch_operands = 0 : i64, tpu.core_type = #tpu.core_type<tc>, window_params = [{transform_indices = @transform_0, window_bounds = array<i64: 2, 1024, 64>}, {transform_indices = @transform_1, window_bounds = array<i64: 2, 1024, 64>}, {transform_indices = @transform_2, window_bounds = array<i64: 1024, 1>}, {pipeline_mode = #tpu.pipeline_mode<synchronous>, transform_indices = @transform_3, window_bounds = array<i64: 2, 64>}, {pipeline_mode = #tpu.pipeline_mode<synchronous>, transform_indices = @transform_4, window_bounds = array<i64: 128, 1>}, {transform_indices = @transform_5, window_bounds = array<i64: 1024, 1>}]} {
    %get3A = arith.constant 0 : index
    %get3A_0 = arith.constant 0 : index
    %get3A_1 = vector.load %arg3[%get3A, %get3A_0] : memref<1024x1xf32, #tpu.memory_space<vmem>>, vector<1024x1xf32>
    %get3A_2 = arith.constant 0 : index
    %get3A_3 = arith.constant 0 : index
    %get3A_4 = vector.load %arg4[%get3A_2, %get3A_3] : memref<2x64xf32, #tpu.memory_space<vmem>>, vector<2x64xf32>
    %get3A_5 = arith.constant 0 : index
    %get3A_6 = arith.constant 0 : index
    %get3A_7 = arith.constant 0 : index
    %get3A_8 = vector.load %arg1[%get3A_5, %get3A_6, %get3A_7] : memref<2x1024x64xf32, #tpu.memory_space<vmem>>, vector<1x1024x64xf32>
    %get3A_9 = vector.shape_cast %get3A_8 : vector<1x1024x64xf32> to vector<1024x64xf32>
    %get3A_10 = arith.constant 0 : index
    %get3A_11 = arith.constant 0 : index
    %get3A_12 = arith.constant 0 : index
    %get3A_13 = vector.load %arg2[%get3A_10, %get3A_11, %get3A_12] : memref<2x1024x64xf32, #tpu.memory_space<vmem>>, vector<1x1024x64xf32>
    %get3A_14 = vector.shape_cast %get3A_13 : vector<1x1024x64xf32> to vector<1024x64xf32>
    %add3A = arith.addf %get3A_9, %get3A_14 : vector<1024x64xf32>
    %mul3A = vector.broadcast %get3A_1 : vector<1024x1xf32> to vector<1024x64xf32>
    %mul3A_15 = arith.mulf %mul3A, %add3A : vector<1024x64xf32>
    %slice3A = vector.extract_strided_slice %get3A_4 {offsets = [0, 0], sizes = [1, 64], strides = [1, 1]} : vector<2x64xf32> to vector<1x64xf32>
    %add3A_16 = vector.broadcast %slice3A : vector<1x64xf32> to vector<1024x64xf32>
    %add3A_17 = arith.addf %mul3A_15, %add3A_16 : vector<1024x64xf32>
    %max3A = arith.constant 0.000000e+00 : f32
    %max3A_18 = vector.broadcast %max3A : f32 to vector<1024x64xf32>
    %max3A_19 = arith.maximumf %add3A_17, %max3A_18 : vector<1024x64xf32>
    %get3A_20 = arith.constant 1 : index
    %get3A_21 = arith.constant 0 : index
    %get3A_22 = arith.constant 0 : index
    %get3A_23 = vector.load %arg1[%get3A_20, %get3A_21, %get3A_22] : memref<2x1024x64xf32, #tpu.memory_space<vmem>>, vector<1x1024x64xf32>
    %get3A_24 = vector.shape_cast %get3A_23 : vector<1x1024x64xf32> to vector<1024x64xf32>
    %get3A_25 = arith.constant 1 : index
    %get3A_26 = arith.constant 0 : index
    %get3A_27 = arith.constant 0 : index
    %get3A_28 = vector.load %arg2[%get3A_25, %get3A_26, %get3A_27] : memref<2x1024x64xf32, #tpu.memory_space<vmem>>, vector<1x1024x64xf32>
    %get3A_29 = vector.shape_cast %get3A_28 : vector<1x1024x64xf32> to vector<1024x64xf32>
    %add3A_30 = arith.addf %get3A_24, %get3A_29 : vector<1024x64xf32>
    %mul3A_31 = vector.broadcast %get3A_1 : vector<1024x1xf32> to vector<1024x64xf32>
    %mul3A_32 = arith.mulf %mul3A_31, %add3A_30 : vector<1024x64xf32>
    %slice3A_33 = vector.extract_strided_slice %get3A_4 {offsets = [1, 0], sizes = [1, 64], strides = [1, 1]} : vector<2x64xf32> to vector<1x64xf32>
    %add3A_34 = vector.broadcast %slice3A_33 : vector<1x64xf32> to vector<1024x64xf32>
    %add3A_35 = arith.addf %mul3A_32, %add3A_34 : vector<1024x64xf32>
    %max3A_36 = arith.constant 0.000000e+00 : f32
    %max3A_37 = vector.broadcast %max3A_36 : f32 to vector<1024x64xf32>
    %max3A_38 = arith.maximumf %add3A_35, %max3A_37 : vector<1024x64xf32>
    %concatenate3A = tpu.concatenate %max3A_19, %max3A_38 in 1 : vector<1024x64xf32>, vector<1024x64xf32> -> vector<1024x128xf32>
    %get3A_39 = arith.constant 0 : index
    %get3A_40 = arith.constant 0 : index
    %get3A_41 = vector.load %arg5[%get3A_39, %get3A_40] : memref<128x1xf32, #tpu.memory_space<vmem>>, vector<128x1xf32>
    %dot_general3A = arith.constant dense<0.000000e+00> : vector<1024x1xf32>
    %dot_general3A_42 = tpu.matmul %concatenate3A, %get3A_41, %dot_general3A {dimension_numbers = #tpu.dot_dimension_numbers<[1], [0], [0], [1], [0, 0, 1, 1], [], []>, transpose_lhs_hint = false} : vector<1024x128xf32>, vector<128x1xf32>, vector<1024x1xf32> -> vector<1024x1xf32>
    %mul3A_43 = arith.mulf %get3A_1, %dot_general3A_42 : vector<1024x1xf32>
    %swap3A = arith.constant 0 : index
    %swap3A_44 = arith.constant 0 : index
    %swap3A_45 = vector.load %arg6[%swap3A, %swap3A_44] : memref<1024x1xf32, #tpu.memory_space<vmem>>, vector<1024x1xf32>
    tpu.vector_store %arg6[%swap3A, %swap3A_44], %mul3A_43 {strides = array<i32>} : memref<1024x1xf32, #tpu.memory_space<vmem>>, vector<1024x1xf32>,
    return
  }
  func.func @transform_0(%arg0: i32) -> (i32, i32, i32) {
    %c0_i32 = arith.constant 0 : i32
    %c0_i32_0 = arith.constant 0 : i32
    %c0_i32_1 = arith.constant 0 : i32
    return %c0_i32, %arg0, %c0_i32_0 : i32, i32, i32
  }
  func.func @transform_1(%arg0: i32) -> (i32, i32, i32) {
    %c0_i32 = arith.constant 0 : i32
    %c0_i32_0 = arith.constant 0 : i32
    %c0_i32_1 = arith.constant 0 : i32
    return %c0_i32, %arg0, %c0_i32_0 : i32, i32, i32
  }
  func.func @transform_2(%arg0: i32) -> (i32, i32) {
    %c0_i32 = arith.constant 0 : i32
    %c0_i32_0 = arith.constant 0 : i32
    return %arg0, %c0_i32 : i32, i32
  }
  func.func @transform_3(%arg0: i32) -> (i32, i32) {
    %c0_i32 = arith.constant 0 : i32
    %c0_i32_0 = arith.constant 0 : i32
    %c0_i32_1 = arith.constant 0 : i32
    return %c0_i32, %c0_i32_0 : i32, i32
  }
  func.func @transform_4(%arg0: i32) -> (i32, i32) {
    %c0_i32 = arith.constant 0 : i32
    %c0_i32_0 = arith.constant 0 : i32
    %c0_i32_1 = arith.constant 0 : i32
    return %c0_i32, %c0_i32_0 : i32, i32
  }
  func.func @transform_5(%arg0: i32) -> (i32, i32) {
    %c0_i32 = arith.constant 0 : i32
    %c0_i32_0 = arith.constant 0 : i32
    return %arg0, %c0_i32 : i32, i32
  }
}

module attributes {stable_mosaic.version = 14 : i64} {
  func.func @_tc_out_body(%arg0: memref<32x80x128xf32, #tpu.memory_space<vmem>>, %arg1: memref<80x128xf32, #tpu.memory_space<vmem>>, %arg2: memref<80x128xf32, #tpu.memory_space<vmem>>, %arg3: memref<1x1xf32, #tpu.memory_space<vmem>>, %arg4: memref<80x128xf32, #tpu.memory_space<vmem>>) attributes {dimension_semantics = [], scalar_prefetch = 0 : i64, scratch_operands = 0 : i64, tpu.core_type = #tpu.core_type<tc>} {
    %get3A = arith.constant 0 : index
    %get3A_0 = arith.constant 0 : index
    %get3A_1 = arith.constant 0 : index
    %get3A_2 = vector.load %arg0[%get3A, %get3A_0, %get3A_1] : memref<32x80x128xf32, #tpu.memory_space<vmem>>, vector<32x80x128xf32>
    %reduce_sum3A = arith.constant dense<0.000000e+00> : vector<80x128xf32>
    %reduce_sum3A_3 = vector.multi_reduction <add>, %get3A_2, %reduce_sum3A [0] : vector<32x80x128xf32> to vector<80x128xf32>
    %get3A_4 = arith.constant 0 : index
    %get3A_5 = arith.constant 0 : index
    %get3A_6 = vector.load %arg2[%get3A_4, %get3A_5] : memref<80x128xf32, #tpu.memory_space<vmem>>, vector<80x128xf32>
    %get3A_7 = arith.constant 0 : index
    %get3A_8 = arith.constant 0 : index
    %get3A_9 = vector.load %arg1[%get3A_7, %get3A_8] : memref<80x128xf32, #tpu.memory_space<vmem>>, vector<80x128xf32>
    %add3A = arith.addf %reduce_sum3A_3, %get3A_9 : vector<80x128xf32>
    %mul3A = arith.mulf %get3A_6, %add3A : vector<80x128xf32>
    %get3A_10 = arith.constant 0 : index
    %get3A_11 = arith.constant 0 : index
    %get3A_12 = vector.load %arg3[%get3A_10, %get3A_11] : memref<1x1xf32, #tpu.memory_space<vmem>>, vector<1x1xf32>
    %get3A_13 = vector.extract %get3A_12[0, 0] : f32 from vector<1x1xf32>
    %add3A_14 = vector.broadcast %get3A_13 : f32 to vector<80x128xf32>
    %add3A_15 = arith.addf %mul3A, %add3A_14 : vector<80x128xf32>
    %swap3A = arith.constant 0 : index
    %swap3A_16 = arith.constant 0 : index
    %swap3A_17 = vector.load %arg4[%swap3A, %swap3A_16] : memref<80x128xf32, #tpu.memory_space<vmem>>, vector<80x128xf32>
    tpu.vector_store %arg4[%swap3A, %swap3A_16], %add3A_15 {strides = array<i32>} : memref<80x128xf32, #tpu.memory_space<vmem>>, vector<80x128xf32>,
    return
  }
}

</mosaic_0001>

<sc_bundles>
// kernel: kernel.12.cloned.1.call-start
scs
__scs_entry_jumppad:
0x0: {  	(pc) =	sbr.rel $0x88, $3  }
0x1: {  	(tag) =	ssettag $0x0;
	lr =	simm.s32 $0x1  }
0x2: {  	[smem:$0x3F9B] =	sst lr;
	_ =	strace $0xD0000000  }
0x3: {  	_ = 	snop  }
0x4: {  	_ = 	snop  }
0x5: {  	_ = 	snop  }
0x6: {  	_ = 	snop  }
0x7: {  	_ = 	snop  }
__scs_overlays_trampoline_lowered:
0x8: {  	[smem:$0x3FAA] =	sst s0  }
0x9: {  	[smem:$0x3FAB] =	sst s1  }
0xa: {  	[smem:$0x3FAC] =	sst s2  }
0xb: {  	[smem:$0x3FAD] =	sst s3  }
0xc: {  	[smem:$0x3FAE] =	sst s4  }
0xd: {  	[smem:$0x3FAF] =	sst s5  }
0xe: {  	[smem:$0x3FB0] =	sst s6  }
0xf: {  	[smem:$0x3FB1] =	sst s7  }
0x10: {  	[smem:$0x3FB2] =	sst s8  }
0x11: {  	[smem:$0x3FB3] =	sst s9;
	s0 =	simm.s32 @!p0 $0x0  }
0x12: {  	s1 =	sld [smem:$0x3F99];
	s0 =	simm.s32 @p0 $0x1  }
0x13: {  	[smem:$0x3FB4] =	sst s0;
	s0 =	simm.s32 @!p1 $0x0  }
0x14: {  	s2 =	sld [smem:$0x3F98];
	s0 =	simm.s32 @p1 $0x1  }
0x15: {  	[smem:$0x3FB5] =	sst s0;
	s0 =	simm.s32 @!p2 $0x0  }
0x16: {  	s3 =	sld [smem:$0x3FDB];
	s0 =	simm.s32 @p2 $0x1  }
0x17: {  	s4 =	simm.s32 $0x1BF5;
	[smem:$0x3FB7] =	sst s0  }
0x18: {  	s0 =	sld [smem:$0x3F9A];
	_ =	swait.ge [sflag:s4], $0x0  }
0x19: {  	s7 =	sld [smem:$0x3F9B]  }
0x1a: {  	s8 =	sadd.s32 $0xFFFFE003, lr  }
0x1b: {  	s9 =	sadd.s32 $0xFFFFFEF7, lr;
	s5 =	simm.s32 $0xFFFFFFFF;
	p2 =	slt.u32 s8, $0xFFFFF086  }
0x1c: {  	p1 =	slt.u32 s9, $0xF7A;
	s5 =	simm.s32 @!p2 $0x0  }
0x1d: {  	s5 =	simm.s32 @p1 $0x1;
	p0 =	seq.s32 s7, s2  }
0x1e: {  	s7 =	smul.u32 @!p0 $0xF7A, s2;
	p2 =	seq.s32 @!p0 s5, $0x0  }
0x1f: {  	s9 =	smul.u32 $0xF7A, s1;
	s8 =	simm.s32 @!p0 $0x1BF5;
	p2 =	por !p2, p0  }
0x20: {  	[sflag:s8] =	ssyncset.s32 @!p0 $0xFFFFF086;
	s6 =	sadd.s32 @!p0 s3, s7;
	s7 =	simm.s32 @!p0 $0x108  }
0x21: {  	s3 =	sadd.s32 s3, s9;
	s6 =	sadd.s32 @!p0 $0x88, s6;
	s7 =	simm.s32 @p2 $0x1082  }
0x22: {  	[simem:s7], [sflag:s8] =	dma.local @!p0 [hbm:s6], $0xF7A  }
0x23: {  	s9 =	sor.u32 $0xD0000000, s2;
	s6 =	simm.s32 $0x108;
	_ =	swait.ge @!p0 [sflag:s8], $0x0  }
0x24: {  	s3 =	sadd.s32 $0x88, s3;
	s6 =	simm.s32 @!p1 $0x1082;
	[sflag:s4] =	ssyncset.s32 $0xFFFFF086  }
0x25: {  	[simem:s6], [sflag:s4] =	dma.local [hbm:s3], $0xF7A  }
0x26: {  	[smem:$0x3F9B] =	sst s1;
	(tag) =	ssettag s2;
	_ =	strace s9  }
0x27: {  	s1 =	sld [smem:$0x3FAB]  }
0x28: {  	s2 =	sld [smem:$0x3FAC]  }
0x29: {  	s4 =	sld [smem:$0x3FAE]  }
0x2a: {  	p0 =	seq.s32 s5, $0x0;
	s5 =	sld [smem:$0x3FAF]  }
0x2b: {  	s6 =	sld [smem:$0x3FB0]  }
0x2c: {  	s7 =	sld [smem:$0x3FB1]  }
0x2d: {  	s3 =	simm.s32 $0x108;
	s8 =	sld [smem:$0x3FB2]  }
0x2e: {  	s3 =	simm.s32 @!p0 $0x1082;
	s9 =	sld [smem:$0x3FB3]  }
0x2f: {  	lr =	sadd.s32 s0, s3;
	s0 =	sld [smem:$0x3FAA]  }
0x30: {  	s3 =	sld [smem:$0x3FAD]  }
0x31: {  	[smem:$0x3FB6] =	sst s10  }
0x32: {  	s10 =	sld [smem:$0x3FB4];
	_ =	sdelay $0x3  }
0x33: {  	p0 =	seq.s32 s10, $0x1;
	s10 =	sld [smem:$0x3FB6];
	_ =	sdelay $0x3  }
0x34: {  	[smem:$0x3FB6] =	sst s10  }
0x35: {  	s10 =	sld [smem:$0x3FB5];
	_ =	sdelay $0x3  }
0x36: {  	p1 =	seq.s32 s10, $0x1;
	s10 =	sld [smem:$0x3FB6];
	_ =	sdelay $0x3  }
0x37: {  	[smem:$0x3FB6] =	sst s10  }
0x38: {  	s10 =	sld [smem:$0x3FB7]  }
0x39: {  	_ = 	snop;
	(pc) =	sbr.ind lr, $3  }
0x3a: {  	_ = 	snop  }
0x3b: {  	_ = 	snop  }
0x3c: {  	p2 =	seq.s32 s10, $0x1;
	s10 =	sld [smem:$0x3FB6]  }
0x3d: {  	_ =	shalt  }
0x3e: {  	_ =	shalt  }
0x3f: {  	_ =	shalt  }
0x40: {  	_ =	shalt  }
0x41: {  	_ =	shalt  }
0x42: {  	_ =	shalt  }
0x43: {  	_ =	shalt  }
0x44: {  	_ =	shalt  }
0x45: {  	_ =	shalt  }
0x46: {  	_ =	shalt  }
0x47: {  	_ =	shalt  }
0x48: {  	_ =	shalt  }
0x49: {  	_ =	shalt  }
0x4a: {  	_ =	shalt  }
0x4b: {  	_ =	shalt  }
0x4c: {  	_ =	shalt  }
0x4d: {  	_ =	shalt  }
0x4e: {  	_ =	shalt  }
0x4f: {  	_ =	shalt  }
0x50: {  	_ =	shalt  }
0x51: {  	_ =	shalt  }
0x52: {  	_ =	shalt  }
0x53: {  	_ =	shalt  }
0x54: {  	_ =	shalt  }
0x55: {  	_ =	shalt  }
0x56: {  	_ =	shalt  }
0x57: {  	_ =	shalt  }
0x58: {  	_ =	shalt  }
0x59: {  	_ =	shalt  }
0x5a: {  	_ =	shalt  }
0x5b: {  	_ =	shalt  }
0x5c: {  	_ =	shalt  }
0x5d: {  	_ =	shalt  }
0x5e: {  	_ =	shalt  }
0x5f: {  	_ =	shalt  }
0x60: {  	_ =	shalt  }
0x61: {  	_ =	shalt  }
0x62: {  	_ =	shalt  }
0x63: {  	_ =	shalt  }
0x64: {  	_ =	shalt  }
0x65: {  	_ =	shalt  }
0x66: {  	_ =	shalt  }
0x67: {  	_ =	shalt  }
0x68: {  	_ =	shalt  }
0x69: {  	_ =	shalt  }
0x6a: {  	_ =	shalt  }
0x6b: {  	_ =	shalt  }
0x6c: {  	_ =	shalt  }
0x6d: {  	_ =	shalt  }
0x6e: {  	_ =	shalt  }
0x6f: {  	_ =	shalt  }
0x70: {  	_ =	shalt  }
0x71: {  	_ =	shalt  }
0x72: {  	_ =	shalt  }
0x73: {  	_ =	shalt  }
0x74: {  	_ =	shalt  }
0x75: {  	_ =	shalt  }
0x76: {  	_ =	shalt  }
0x77: {  	_ =	shalt  }
0x78: {  	_ =	shalt  }
0x79: {  	_ =	shalt  }
0x7a: {  	_ =	shalt  }
0x7b: {  	_ =	shalt  }
0x7c: {  	_ =	shalt  }
0x7d: {  	_ =	shalt  }
0x7e: {  	_ =	shalt  }
0x7f: {  	_ =	shalt  }
0x80: {  	_ =	shalt  }
0x81: {  	_ =	shalt  }
0x82: {  	_ =	shalt  }
0x83: {  	_ =	shalt  }
0x84: {  	_ =	shalt  }
0x85: {  	_ =	shalt  }
0x86: {  	_ =	shalt  }
0x87: {  	_ =	shalt  }
.Lfunc_end0:
.L_simem_size_0:
called_computation.1_lowered:
.L_overlay_start_0:
0x88: {  	s2 =	sld [smem:$0x3FD9]  }
0x89: {  	s3 =	sld [smem:$0x3FFE];
	_ =	sdelay $0x1  }
0x8a: {  	s1 =	srdreg.scid  }
0x8b: {  	s0 =	sand.u32 $0x1, s1  }
0x8c: {  	s16 =	sshll.u32 s0, $0xA;
	s2 =	sadd.s32 s3, s2  }
0x8d: {  	s2 =	sadd.s32 s2, s16  }
0x8e: {  	[smem:$0x3FC2] =	sst s2  }
0x8f: {  	_ = 	snop  }
0x90: {  	(tm) =	ssettm $0x1  }
0x91: {  	s17 =	sld [smem:$0x3FFB];
	_ =	sdelay $0x3  }
0x92: {  	_ =	strace s17  }
0x93: {  	s2 =	sld [smem:$0x3FFC];
	_ =	sdelay $0x3  }
0x94: {  	_ =	strace s2  }
0x95: {  	s2 =	sld [smem:$0x3FFD];
	_ =	sdelay $0x3  }
0x96: {  	_ =	strace s2  }
0x97: {  	_ =	strace $0x8FFFFFFF  }
0x98: {  	s18 =	sld [smem:$0x3FDB];
	_ =	sdelay $0x1  }
0x99: {  	s19 =	simm.s32 $_scs_section_size  }
0x9a: {  	s4 =	simm.s32 $_size__tile_overlayer_lowered;
	s5 =	simm.s32 $_tile_overlayer_lowered  }
0x9b: {  	s22 =	simm.s32 $0x1BFF;
	s21 =	sshll.u32 s5, $0x1;
	s2 =	sadd.s32 s19, s18  }
0x9c: {  	s6 =	simm.s32 $0x0;
	s20 =	sshll.u32 s4, $0x1;
	s4 =	sadd.s32 s21, s2  }
0x9d: {  	[timem:s6], [sflag:s22] =	dma.local [hbm:s4], s20  }
0x9e: {  	_ =	swait.ge [sflag:s22], s20  }
0x9f: {  	s3 =	ssub.s32 $0x0, s20;
	[sflag:s22] =	ssyncset.done $0x0  }
0xa0: {  	[sflag:s22] =	ssyncadd.s32 s3;
	_ =	sdelay $0x1  }
0xa1: {  	s23 =	simm.s32 $0x1B8B  }
0xa2: {  	_ =	swait.ge [sflag:s23], $0x1  }
0xa3: {  	[sflag:s23] =	ssyncset.done $0x0  }
0xa4: {  	s25 =	simm.s32 $0x1B8E;
	s24 =	sld [smem:$0x3FFE];
	[sflag:s23] =	ssyncadd.s32 $0xFFFFFFFF  }
0xa5: {  	s26 =	simm.s32 $execute0_lowered;
	[smem:$0x3FD2] =	sst s25  }
0xa6: {  	s4 =	sshll.u32 s26, $0x1;
	_ =	strace $0x80000049;
	[dreg:$0x1] =	wrdreg $0xFFFFFFFF  }
0xa7: {  	s28 =	simm.s32 $_size_execute0_lowered;
	s2 =	sadd.s32 s2, s4;
	[dreg:$0x0] =	wrdreg $0x0  }
0xa8: {  	s4 =	sshll.u32 s28, $0x1;
	[dreg:$0x2] =	wrdreg s2  }
0xa9: {  	[dreg:$0x3] =	wrdreg s4  }
0xaa: {  	[dreg:$0x4] =	wrdreg $0xC0  }
0xab: {  	_ =	task [dreg:s6], $0x5FFFF  }
0xac: {  	[dreg:$0x1] =	wrdreg $0xFFFFFFFF  }
0xad: {  	[dreg:$0x0] =	wrdreg $0x60  }
0xae: {  	[dreg:$0x2] =	wrdreg s24  }
0xaf: {  	[dreg:$0x3] =	wrdreg $0xA0000  }
0xb0: {  	[dreg:$0x4] =	wrdreg $0x140000  }
0xb1: {  	[dreg:$0x5] =	wrdreg $0x9  }
0xb2: {  	_ =	task.clear_ibuf [dreg:s6], $0x6FFFF;
	_ =	strace $0x90000049  }
0xb3: {  	s29 =	simm.s32 $0x9;
	_ =	strace $0x8000004B  }
0xb4: {  	_ =	swait.ge [sflag:s29], $0x1  }
0xb5: {  	[sflag:s29] =	ssyncadd.s32 $0xFFFFFFFF  }
0xb6: {  	_ =	strace $0x9000004B  }
0xb7: {  	_ =	sfence  }
0xb8: {  	s30 =	sld [smem:$0x0];
	_ =	sdelay $0x2  }
0xb9: {  	s31 =	sshll.u32 s1, $0xD;
	s1 =	sshrl.u32 s1, $0x2  }
0xba: {  	s3 =	sand.u32 $0x4000, s31;
	s1 =	sadd.s32 s1, s30  }
0xbb: {  	s0 =	sor.u32 s3, s0;
	s1 =	sshll.u32 s1, $0x11  }
0xbc: {  	s0 =	sor.u32 s1, s0  }
0xbd: {  	s0 =	sadd.s32 $0x8F2B, s0  }
0xbe: {  	[sflag:s0] =	ssyncadd.remote.s32 $0x1  }
0xbf: {  	_ =	sfence.sel $0xFFFF  }
0xc0: {  	[dreg:$0x0] =	wrdreg $0xFFFFFFFF;
	(pc) =	sbr.abs _section_cstart, $3  }
0xc1: {  	[dreg:$0x1] =	wrdreg $0xFFFFFFFF  }
0xc2: {  	_ =	task.clear_ibuf [dreg:s6], $0x2FFFF;
	_ =	strace $0x9FFFFFFF  }
0xc3: {  	(tm) =	ssettm $0x7FFFFFFF  }
tec
execute0_lowered:
.L_overlay_start_1:
0x0: {  	(tag) =	ssettag $0x1  }
0x1: {  	s0 =	rddreg [dreg:$0x0]  }
0x2: {  	s2 =	rddreg [dreg:$0x1];
	s1 =	srdreg.scid  }
0x3: {  	s8 =	stileid.u32;
	s3 =	rddreg [dreg:$0x2];
	s4 =	simm.s32 $0x0  }
0x4: {  	s17 =	simm.s32 $0x80;
	s18 =	simm.s32 $0x2000;
	s19 =	simm.s32 $0x4000  }
0x5: {  	s21 =	simm.s32 $0x6000;
	s23 =	simm.s32 $0x8000;
	s28 =	simm.s32 $0x2  }
0x6: {  	s30 =	simm.s32 $0x6;
	s20 =	simm.s32 $0x7;
	s31 =	simm.s32 $0x8  }
0x7: {  	s1 =	sand.u32 $0x1, s1;
	s5 =	smul.u32 $0xA000, s8;
	[smem:$0x7FF] =	sst s4  }
0x8: {  	s12 =	sadd.s32 $0x34400, s0;
	s9 =	sadd.s32 $0x2A400, s0;
	s14 =	smul.u32 $0x1400, s8  }
0x9: {  	s24 =	sshll.u32 s8, $0x6;
	s6 =	smul.u32 $0xA0000, s1;
	s1 =	ssub.s32 $0x2, s1  }
0xa: {  	_ =	strace $0x8000004A;
	[dreg:$0x4] =	wrdreg s9;
	s7 =	sshrl.u32 s1, $0x1  }
0xb: {  	s13 =	sadd.s32 s5, s2;
	s25 =	sshrl.u32 s5, $0x3;
	s29 =	sadd.s32 s14, s12  }
0xc: {  	s14 =	simm.s32 $0x9;
	s6 =	sadd.s32 s5, s6;
	s1 =	ssub.s32 s1, s7  }
0xd: {  	s7 =	sadd.s32 s12, s25;
	s5 =	sadd.s32 s5, s3;
	s12 =	sadd.s32 $0x14100, s29  }
0xe: {  	s13 =	sshrl.u32 s13, $0x3;
	s25 =	simm.s32 $0x5;
	s6 =	sshrl.u32 s6, $0x3  }
0xf: {  	s9 =	sadd.s32 $0x14000, s7;
	s11 =	smax.u32 s1, $0x1;
	s15 =	sshrl.u32 s5, $0x3  }
0x10: {  	s1 =	simm.s32 $0x3;
	s0 =	sadd.s32 s6, s0;
	s6 =	sor.u32 $0x1C09, s24  }
0x11: {  	s24 =	simm.s32 $0x1;
	s26 =	sadd.s32 $0xD4400, s0;
	s10 =	sadd.s32 $0xFC400, s0  }
0x12: {  	s0 =	simm.s32 $0x0;
	[dreg:$0x5] =	wrdreg s26;
	s26 =	simm.s32 $0x4  }
.LBB2_1:
0x13: {  	s5 =	rddreg [dreg:$0x4]  }
0x14: {  	[spmem:s13], [sflag:s6] =	dma.local [hbm:s5], $0x1400  }
0x15: {  	_ =	swait.ge [sflag:s14], $0x1400  }
0x16: {  	[sflag:s14] =	ssyncset.done $0x0  }
0x17: {  	s16 =	rddreg [dreg:$0x5];
	[sflag:s14] =	ssyncadd.s32 $0xFFFFEC00  }
0x18: {  	[spmem:s15], [sflag:s6] =	dma.local [hbm:s16], $0x1400  }
0x19: {  	_ =	swait.ge [sflag:s14], $0x1400  }
0x1a: {  	[sflag:s14] =	ssyncset.done $0x0  }
0x1b: {  	[sflag:s14] =	ssyncadd.s32 $0xFFFFEC00  }
0x1c: {  	[bflag:$0x0] =	sbarrier.arrive $0xFFFF  }
0x1d: {  	[tilespmem:s4], [sflag:$0x9] =	stream.linear.gather [hbm4b:s7+s4], $0x800, $0x38;
	[tilespmem:$0x1E000] =	vst v63  }
0x1e: {  	_ =	swait.ge [sflag:s14], $0x800  }
0x1f: {  	[sflag:s14] =	ssyncset.done $0x0  }
0x20: {  	s22 =	simm.s32 $0x1000;
	[sflag:s14] =	ssyncadd.s32 $0xFFFFF800  }
0x21: {  	[tilespmem:s22], [sflag:$0x9] =	stream.linear.gather [hbm4b:s9+s4], $0x800, $0x38;
	[tilespmem:$0x1E000] =	vst v63  }
0x22: {  	_ =	swait.ge [sflag:s14], $0x800  }
0x23: {  	[sflag:s14] =	ssyncset.done $0x0  }
0x24: {  	[sflag:s14] =	ssyncadd.s32 $0xFFFFF800  }
0x25: {  	[tilespmem:s18], [sflag:$0x1] =	stream.indirect.gather [spmem:s3], $0x40, s4, s17, $0xb8;
	[tilespmem:$0x1E000] =	vst v63  }
0x26: {  	_ = 	snop  }
0x27: {  	[tilespmem:s19], [sflag:$0x2] =	stream.indirect.gather [spmem:s3], $0x40, s17, s17, $0xb8;
	[tilespmem:$0x1E000] =	vst v63  }
0x28: {  	s8 =	simm.s32 $0x100  }
0x29: {  	[tilespmem:s21], [sflag:$0x3] =	stream.indirect.gather [spmem:s3], $0x40, s8, s17, $0xb8;
	[tilespmem:$0x1E000] =	vst v63  }
0x2a: {  	s16 =	simm.s32 $0x180  }
0x2b: {  	[tilespmem:s23], [sflag:$0x4] =	stream.indirect.gather [spmem:s3], $0x40, s16, s17, $0xb8;
	[tilespmem:$0x1E000] =	vst v63  }
0x2c: {  	_ =	swait.ge [sflag:s24], $0x2000  }
0x2d: {  	[sflag:s24] =	ssyncset.done $0x0  }
0x2e: {  	[sflag:s24] =	ssyncadd.s32 $0xFFFFE000  }
0x2f: {  	[spmem:s2] =	stream.indirect.scatter.add.f32 [tilespmem:s18], [sflag:$0x5], $0x40, s22, s17, $0xb8;
	[tilespmem:$0x1E000] =	vst v63  }
0x30: {  	_ =	swait.ge [sflag:s25], $0x2000  }
0x31: {  	[sflag:s25] =	ssyncset.done $0x0  }
0x32: {  	s22 =	simm.s32 $0x200;
	[sflag:s25] =	ssyncadd.s32 $0xFFFFE000  }
0x33: {  	[tilespmem:s18], [sflag:$0x1] =	stream.indirect.gather [spmem:s3], $0x40, s22, s17, $0xb8;
	[tilespmem:$0x1E000] =	vst v63  }
0x34: {  	_ =	swait.ge [sflag:s28], $0x2000  }
0x35: {  	[sflag:s28] =	ssyncset.done $0x0  }
0x36: {  	s8 =	simm.s32 $0x1080;
	[sflag:s28] =	ssyncadd.s32 $0xFFFFE000  }
0x37: {  	[spmem:s2] =	stream.indirect.scatter.add.f32 [tilespmem:s19], [sflag:$0x6], $0x40, s8, s17, $0xb8;
	[tilespmem:$0x1E000] =	vst v63  }
0x38: {  	_ =	swait.ge [sflag:s30], $0x2000  }
0x39: {  	[sflag:s30] =	ssyncset.done $0x0  }
0x3a: {  	s16 =	simm.s32 $0x280;
	[sflag:s30] =	ssyncadd.s32 $0xFFFFE000  }
0x3b: {  	[tilespmem:s19], [sflag:$0x2] =	stream.indirect.gather [spmem:s3], $0x40, s16, s17, $0xb8;
	[tilespmem:$0x1E000] =	vst v63  }
0x3c: {  	_ =	swait.ge [sflag:s1], $0x2000  }
0x3d: {  	[sflag:s1] =	ssyncset.done $0x0  }
0x3e: {  	s22 =	simm.s32 $0x1100;
	[sflag:s1] =	ssyncadd.s32 $0xFFFFE000  }
0x3f: {  	[spmem:s2] =	stream.indirect.scatter.add.f32 [tilespmem:s21], [sflag:$0x7], $0x40, s22, s17, $0xb8;
	[tilespmem:$0x1E000] =	vst v63  }
0x40: {  	_ =	swait.ge [sflag:s20], $0x2000  }
0x41: {  	[sflag:s20] =	ssyncset.done $0x0  }
0x42: {  	s8 =	simm.s32 $0x300;
	[sflag:s20] =	ssyncadd.s32 $0xFFFFE000  }
0x43: {  	[tilespmem:s21], [sflag:$0x3] =	stream.indirect.gather [spmem:s3], $0x40, s8, s17, $0xb8;
	[tilespmem:$0x1E000] =	vst v63  }
0x44: {  	_ =	swait.ge [sflag:s26], $0x2000  }
0x45: {  	[sflag:s26] =	ssyncset.done $0x0  }
0x46: {  	s16 =	simm.s32 $0x1180;
	[sflag:s26] =	ssyncadd.s32 $0xFFFFE000  }
0x47: {  	[spmem:s2] =	stream.indirect.scatter.add.f32 [tilespmem:s23], [sflag:$0x8], $0x40, s16, s17, $0xb8;
	[tilespmem:$0x1E000] =	vst v63  }
0x48: {  	_ =	swait.ge [sflag:s31], $0x2000  }
0x49: {  	[sflag:s31] =	ssyncset.done $0x0  }
0x4a: {  	s22 =	simm.s32 $0x380;
	[sflag:s31] =	ssyncadd.s32 $0xFFFFE000  }
0x4b: {  	[tilespmem:s23], [sflag:$0x4] =	stream.indirect.gather [spmem:s3], $0x40, s22, s17, $0xb8;
	[tilespmem:$0x1E000] =	vst v63  }
0x4c: {  	_ =	swait.ge [sflag:s24], $0x2000  }
0x4d: {  	[sflag:s24] =	ssyncset.done $0x0  }
0x4e: {  	s8 =	simm.s32 $0x1200;
	[sflag:s24] =	ssyncadd.s32 $0xFFFFE000  }
0x4f: {  	[spmem:s2] =	stream.indirect.scatter.add.f32 [tilespmem:s18], [sflag:$0x5], $0x40, s8, s17, $0xb8;
	[tilespmem:$0x1E000] =	vst v63  }
0x50: {  	_ =	swait.ge [sflag:s25], $0x2000  }
0x51: {  	[sflag:s25] =	ssyncset.done $0x0  }
0x52: {  	s16 =	simm.s32 $0x400;
	[sflag:s25] =	ssyncadd.s32 $0xFFFFE000  }
0x53: {  	[tilespmem:s18], [sflag:$0x1] =	stream.indirect.gather [spmem:s3], $0x40, s16, s17, $0xb8;
	[tilespmem:$0x1E000] =	vst v63  }
0x54: {  	_ =	swait.ge [sflag:s28], $0x2000  }
0x55: {  	[sflag:s28] =	ssyncset.done $0x0  }
0x56: {  	s22 =	simm.s32 $0x1280;
	[sflag:s28] =	ssyncadd.s32 $0xFFFFE000  }
0x57: {  	[spmem:s2] =	stream.indirect.scatter.add.f32 [tilespmem:s19], [sflag:$0x6], $0x40, s22, s17, $0xb8;
	[tilespmem:$0x1E000] =	vst v63  }
0x58: {  	_ =	swait.ge [sflag:s30], $0x2000  }
0x59: {  	[sflag:s30] =	ssyncset.done $0x0  }
0x5a: {  	s8 =	simm.s32 $0x480;
	[sflag:s30] =	ssyncadd.s32 $0xFFFFE000  }
0x5b: {  	[tilespmem:s19], [sflag:$0x2] =	stream.indirect.gather [spmem:s3], $0x40, s8, s17, $0xb8;
	[tilespmem:$0x1E000] =	vst v63  }
0x5c: {  	_ =	swait.ge [sflag:s1], $0x2000  }
0x5d: {  	[sflag:s1] =	ssyncset.done $0x0  }
0x5e: {  	s16 =	simm.s32 $0x1300;
	[sflag:s1] =	ssyncadd.s32 $0xFFFFE000  }
0x5f: {  	[spmem:s2] =	stream.indirect.scatter.add.f32 [tilespmem:s21], [sflag:$0x7], $0x40, s16, s17, $0xb8;
	[tilespmem:$0x1E000] =	vst v63  }
0x60: {  	_ =	swait.ge [sflag:s20], $0x2000  }
0x61: {  	[sflag:s20] =	ssyncset.done $0x0  }
0x62: {  	s22 =	simm.s32 $0x500;
	[sflag:s20] =	ssyncadd.s32 $0xFFFFE000  }
0x63: {  	[tilespmem:s21], [sflag:$0x3] =	stream.indirect.gather [spmem:s3], $0x40, s22, s17, $0xb8;
	[tilespmem:$0x1E000] =	vst v63  }
0x64: {  	_ =	swait.ge [sflag:s26], $0x2000  }
0x65: {  	[sflag:s26] =	ssyncset.done $0x0  }
0x66: {  	s8 =	simm.s32 $0x1380;
	[sflag:s26] =	ssyncadd.s32 $0xFFFFE000  }
0x67: {  	[spmem:s2] =	stream.indirect.scatter.add.f32 [tilespmem:s23], [sflag:$0x8], $0x40, s8, s17, $0xb8;
	[tilespmem:$0x1E000] =	vst v63  }
0x68: {  	_ =	swait.ge [sflag:s31], $0x2000  }
0x69: {  	[sflag:s31] =	ssyncset.done $0x0  }
0x6a: {  	s16 =	simm.s32 $0x580;
	[sflag:s31] =	ssyncadd.s32 $0xFFFFE000  }
0x6b: {  	[tilespmem:s23], [sflag:$0x4] =	stream.indirect.gather [spmem:s3], $0x40, s16, s17, $0xb8;
	[tilespmem:$0x1E000] =	vst v63  }
0x6c: {  	_ =	swait.ge [sflag:s24], $0x2000  }
0x6d: {  	[sflag:s24] =	ssyncset.done $0x0  }
0x6e: {  	s22 =	simm.s32 $0x1400;
	[sflag:s24] =	ssyncadd.s32 $0xFFFFE000  }
0x6f: {  	[spmem:s2] =	stream.indirect.scatter.add.f32 [tilespmem:s18], [sflag:$0x5], $0x40, s22, s17, $0xb8;
	[tilespmem:$0x1E000] =	vst v63  }
0x70: {  	_ =	swait.ge [sflag:s25], $0x2000  }
0x71: {  	[sflag:s25] =	ssyncset.done $0x0  }
0x72: {  	s8 =	simm.s32 $0x600;
	[sflag:s25] =	ssyncadd.s32 $0xFFFFE000  }
0x73: {  	[tilespmem:s18], [sflag:$0x1] =	stream.indirect.gather [spmem:s3], $0x40, s8, s17, $0xb8;
	[tilespmem:$0x1E000] =	vst v63  }
0x74: {  	_ =	swait.ge [sflag:s28], $0x2000  }
0x75: {  	[sflag:s28] =	ssyncset.done $0x0  }
0x76: {  	s16 =	simm.s32 $0x1480;
	[sflag:s28] =	ssyncadd.s32 $0xFFFFE000  }
0x77: {  	[spmem:s2] =	stream.indirect.scatter.add.f32 [tilespmem:s19], [sflag:$0x6], $0x40, s16, s17, $0xb8;
	[tilespmem:$0x1E000] =	vst v63  }
0x78: {  	_ =	swait.ge [sflag:s30], $0x2000  }
0x79: {  	[sflag:s30] =	ssyncset.done $0x0  }
0x7a: {  	s22 =	simm.s32 $0x680;
	[sflag:s30] =	ssyncadd.s32 $0xFFFFE000  }
0x7b: {  	[tilespmem:s19], [sflag:$0x2] =	stream.indirect.gather [spmem:s3], $0x40, s22, s17, $0xb8;
	[tilespmem:$0x1E000] =	vst v63  }
0x7c: {  	_ =	swait.ge [sflag:s1], $0x2000  }
0x7d: {  	[sflag:s1] =	ssyncset.done $0x0  }
0x7e: {  	s8 =	simm.s32 $0x1500;
	[sflag:s1] =	ssyncadd.s32 $0xFFFFE000  }
0x7f: {  	[spmem:s2] =	stream.indirect.scatter.add.f32 [tilespmem:s21], [sflag:$0x7], $0x40, s8, s17, $0xb8;
	[tilespmem:$0x1E000] =	vst v63  }
0x80: {  	_ =	swait.ge [sflag:s20], $0x2000  }
0x81: {  	[sflag:s20] =	ssyncset.done $0x0  }
0x82: {  	s16 =	simm.s32 $0x700;
	[sflag:s20] =	ssyncadd.s32 $0xFFFFE000  }
0x83: {  	[tilespmem:s21], [sflag:$0x3] =	stream.indirect.gather [spmem:s3], $0x40, s16, s17, $0xb8;
	[tilespmem:$0x1E000] =	vst v63  }
0x84: {  	_ =	swait.ge [sflag:s26], $0x2000  }
0x85: {  	[sflag:s26] =	ssyncset.done $0x0  }
0x86: {  	s22 =	simm.s32 $0x1580;
	[sflag:s26] =	ssyncadd.s32 $0xFFFFE000  }
0x87: {  	[spmem:s2] =	stream.indirect.scatter.add.f32 [tilespmem:s23], [sflag:$0x8], $0x40, s22, s17, $0xb8;
	[tilespmem:$0x1E000] =	vst v63  }
0x88: {  	_ =	swait.ge [sflag:s31], $0x2000  }
0x89: {  	[sflag:s31] =	ssyncset.done $0x0  }
0x8a: {  	s8 =	simm.s32 $0x780;
	[sflag:s31] =	ssyncadd.s32 $0xFFFFE000  }
0x8b: {  	[tilespmem:s23], [sflag:$0x4] =	stream.indirect.gather [spmem:s3], $0x40, s8, s17, $0xb8;
	[tilespmem:$0x1E000] =	vst v63  }
0x8c: {  	_ =	swait.ge [sflag:s24], $0x2000  }
0x8d: {  	[sflag:s24] =	ssyncset.done $0x0  }
0x8e: {  	s16 =	simm.s32 $0x1600;
	s22 =	simm.s32 $0x800;
	[sflag:s24] =	ssyncadd.s32 $0xFFFFE000  }
0x8f: {  	[spmem:s2] =	stream.indirect.scatter.add.f32 [tilespmem:s18], [sflag:$0x5], $0x40, s16, s17, $0xb8;
	[tilespmem:$0x1E000] =	vst v63  }
0x90: {  	s5 =	sand.u32 $0x800, s22;
	s16 =	sadd.s32 $0xFFFEC000, s12  }
0x91: {  	[tilespmem:s5], [sflag:$0x9] =	stream.linear.gather [hbm4b:s16+s4], $0x800, $0x38;
	[tilespmem:$0x1E000] =	vst v63  }
0x92: {  	_ =	swait.ge [sflag:s14], $0x800  }
0x93: {  	[sflag:s14] =	ssyncset.done $0x0  }
0x94: {  	s16 =	sor.u32 $0x1000, s5;
	[sflag:s14] =	ssyncadd.s32 $0xFFFFF800  }
0x95: {  	[tilespmem:s16], [sflag:$0x9] =	stream.linear.gather [hbm4b:s12+s4], $0x800, $0x38;
	[tilespmem:$0x1E000] =	vst v63  }
0x96: {  	_ =	swait.ge [sflag:s14], $0x800  }
0x97: {  	[sflag:s14] =	ssyncset.done $0x0  }
0x98: {  	[sflag:s14] =	ssyncadd.s32 $0xFFFFF800  }
0x99: {  	_ =	swait.ge [sflag:s25], $0x2000  }
0x9a: {  	[sflag:s25] =	ssyncset.done $0x0  }
0x9b: {  	[sflag:s25] =	ssyncadd.s32 $0xFFFFE000  }
0x9c: {  	[tilespmem:s18], [sflag:$0x1] =	stream.indirect.gather [spmem:s3], $0x40, s5, s17, $0xb8;
	[tilespmem:$0x1E000] =	vst v63  }
0x9d: {  	_ =	swait.ge [sflag:s28], $0x2000  }
0x9e: {  	[sflag:s28] =	ssyncset.done $0x0  }
0x9f: {  	s22 =	sxor.u32 $0x1E80, s5;
	[sflag:s28] =	ssyncadd.s32 $0xFFFFE000  }
0xa0: {  	[spmem:s2] =	stream.indirect.scatter.add.f32 [tilespmem:s19], [sflag:$0x6], $0x40, s22, s17, $0xb8;
	[tilespmem:$0x1E000] =	vst v63  }
0xa1: {  	_ =	swait.ge [sflag:s30], $0x2000  }
0xa2: {  	[sflag:s30] =	ssyncset.done $0x0  }
0xa3: {  	s8 =	sor.u32 $0x80, s5;
	[sflag:s30] =	ssyncadd.s32 $0xFFFFE000  }
0xa4: {  	[tilespmem:s19], [sflag:$0x2] =	stream.indirect.gather [spmem:s3], $0x40, s8, s17, $0xb8;
	[tilespmem:$0x1E000] =	vst v63  }
0xa5: {  	_ =	swait.ge [sflag:s1], $0x2000  }
0xa6: {  	[sflag:s1] =	ssyncset.done $0x0  }
0xa7: {  	s8 =	sxor.u32 $0x1F00, s5;
	[sflag:s1] =	ssyncadd.s32 $0xFFFFE000  }
0xa8: {  	[spmem:s2] =	stream.indirect.scatter.add.f32 [tilespmem:s21], [sflag:$0x7], $0x40, s8, s17, $0xb8;
	[tilespmem:$0x1E000] =	vst v63  }
0xa9: {  	_ =	swait.ge [sflag:s20], $0x2000  }
0xaa: {  	[sflag:s20] =	ssyncset.done $0x0  }
0xab: {  	s8 =	sor.u32 $0x100, s5;
	[sflag:s20] =	ssyncadd.s32 $0xFFFFE000  }
0xac: {  	[tilespmem:s21], [sflag:$0x3] =	stream.indirect.gather [spmem:s3], $0x40, s8, s17, $0xb8;
	[tilespmem:$0x1E000] =	vst v63  }
0xad: {  	_ =	swait.ge [sflag:s26], $0x2000  }
0xae: {  	[sflag:s26] =	ssyncset.done $0x0  }
0xaf: {  	s8 =	sxor.u32 $0x1F80, s5;
	[sflag:s26] =	ssyncadd.s32 $0xFFFFE000  }
0xb0: {  	[spmem:s2] =	stream.indirect.scatter.add.f32 [tilespmem:s23], [sflag:$0x8], $0x40, s8, s17, $0xb8;
	[tilespmem:$0x1E000] =	vst v63  }
0xb1: {  	_ =	swait.ge [sflag:s31], $0x2000  }
0xb2: {  	[sflag:s31] =	ssyncset.done $0x0  }
0xb3: {  	s8 =	sor.u32 $0x180, s5;
	[sflag:s31] =	ssyncadd.s32 $0xFFFFE000  }
0xb4: {  	[tilespmem:s23], [sflag:$0x4] =	stream.indirect.gather [spmem:s3], $0x40, s8, s17, $0xb8;
	[tilespmem:$0x1E000] =	vst v63  }
0xb5: {  	_ =	swait.ge [sflag:s24], $0x2000  }
0xb6: {  	[sflag:s24] =	ssyncset.done $0x0  }
0xb7: {  	[sflag:s24] =	ssyncadd.s32 $0xFFFFE000  }
0xb8: {  	[spmem:s2] =	stream.indirect.scatter.add.f32 [tilespmem:s18], [sflag:$0x5], $0x40, s16, s17, $0xb8;
	[tilespmem:$0x1E000] =	vst v63  }
0xb9: {  	_ =	swait.ge [sflag:s25], $0x2000  }
0xba: {  	[sflag:s25] =	ssyncset.done $0x0  }
0xbb: {  	s22 =	sor.u32 $0x200, s5;
	[sflag:s25] =	ssyncadd.s32 $0xFFFFE000  }
0xbc: {  	[tilespmem:s18], [sflag:$0x1] =	stream.indirect.gather [spmem:s3], $0x40, s22, s17, $0xb8;
	[tilespmem:$0x1E000] =	vst v63  }
0xbd: {  	_ =	swait.ge [sflag:s28], $0x2000  }
0xbe: {  	[sflag:s28] =	ssyncset.done $0x0  }
0xbf: {  	s8 =	sor.u32 $0x1080, s5;
	[sflag:s28] =	ssyncadd.s32 $0xFFFFE000  }
0xc0: {  	[spmem:s2] =	stream.indirect.scatter.add.f32 [tilespmem:s19], [sflag:$0x6], $0x40, s8, s17, $0xb8;
	[tilespmem:$0x1E000] =	vst v63  }
0xc1: {  	_ =	swait.ge [sflag:s30], $0x2000  }
0xc2: {  	[sflag:s30] =	ssyncset.done $0x0  }
0xc3: {  	s22 =	sor.u32 $0x280, s5;
	[sflag:s30] =	ssyncadd.s32 $0xFFFFE000  }
0xc4: {  	[tilespmem:s19], [sflag:$0x2] =	stream.indirect.gather [spmem:s3], $0x40, s22, s17, $0xb8;
	[tilespmem:$0x1E000] =	vst v63  }
0xc5: {  	_ =	swait.ge [sflag:s1], $0x2000  }
0xc6: {  	[sflag:s1] =	ssyncset.done $0x0  }
0xc7: {  	s8 =	sor.u32 $0x1100, s5;
	[sflag:s1] =	ssyncadd.s32 $0xFFFFE000  }
0xc8: {  	[spmem:s2] =	stream.indirect.scatter.add.f32 [tilespmem:s21], [sflag:$0x7], $0x40, s8, s17, $0xb8;
	[tilespmem:$0x1E000] =	vst v63  }
0xc9: {  	_ =	swait.ge [sflag:s20], $0x2000  }
0xca: {  	[sflag:s20] =	ssyncset.done $0x0  }
0xcb: {  	s22 =	sor.u32 $0x300, s5;
	[sflag:s20] =	ssyncadd.s32 $0xFFFFE000  }
0xcc: {  	[tilespmem:s21], [sflag:$0x3] =	stream.indirect.gather [spmem:s3], $0x40, s22, s17, $0xb8;
	[tilespmem:$0x1E000] =	vst v63  }
0xcd: {  	_ =	swait.ge [sflag:s26], $0x2000  }
0xce: {  	[sflag:s26] =	ssyncset.done $0x0  }
0xcf: {  	s8 =	sor.u32 $0x1180, s5;
	[sflag:s26] =	ssyncadd.s32 $0xFFFFE000  }
0xd0: {  	[spmem:s2] =	stream.indirect.scatter.add.f32 [tilespmem:s23], [sflag:$0x8], $0x40, s8, s17, $0xb8;
	[tilespmem:$0x1E000] =	vst v63  }
0xd1: {  	_ =	swait.ge [sflag:s31], $0x2000  }
0xd2: {  	[sflag:s31] =	ssyncset.done $0x0  }
0xd3: {  	s22 =	sor.u32 $0x380, s5;
	[sflag:s31] =	ssyncadd.s32 $0xFFFFE000  }
0xd4: {  	[tilespmem:s23], [sflag:$0x4] =	stream.indirect.gather [spmem:s3], $0x40, s22, s17, $0xb8;
	[tilespmem:$0x1E000] =	vst v63  }
0xd5: {  	_ =	swait.ge [sflag:s24], $0x2000  }
0xd6: {  	[sflag:s24] =	ssyncset.done $0x0  }
0xd7: {  	s8 =	sor.u32 $0x1200, s5;
	[sflag:s24] =	ssyncadd.s32 $0xFFFFE000  }
0xd8: {  	[spmem:s2] =	stream.indirect.scatter.add.f32 [tilespmem:s18], [sflag:$0x5], $0x40, s8, s17, $0xb8;
	[tilespmem:$0x1E000] =	vst v63  }
0xd9: {  	_ =	swait.ge [sflag:s25], $0x2000  }
0xda: {  	[sflag:s25] =	ssyncset.done $0x0  }
0xdb: {  	s22 =	sor.u32 $0x400, s5;
	[sflag:s25] =	ssyncadd.s32 $0xFFFFE000  }
0xdc: {  	[tilespmem:s18], [sflag:$0x1] =	stream.indirect.gather [spmem:s3], $0x40, s22, s17, $0xb8;
	[tilespmem:$0x1E000] =	vst v63  }
0xdd: {  	_ =	swait.ge [sflag:s28], $0x2000  }
0xde: {  	[sflag:s28] =	ssyncset.done $0x0  }
0xdf: {  	s8 =	sor.u32 $0x1280, s5;
	[sflag:s28] =	ssyncadd.s32 $0xFFFFE000  }
0xe0: {  	[spmem:s2] =	stream.indirect.scatter.add.f32 [tilespmem:s19], [sflag:$0x6], $0x40, s8, s17, $0xb8;
	[tilespmem:$0x1E000] =	vst v63  }
0xe1: {  	_ =	swait.ge [sflag:s30], $0x2000  }
0xe2: {  	[sflag:s30] =	ssyncset.done $0x0  }
0xe3: {  	s22 =	sor.u32 $0x480, s5;
	[sflag:s30] =	ssyncadd.s32 $0xFFFFE000  }
0xe4: {  	[tilespmem:s19], [sflag:$0x2] =	stream.indirect.gather [spmem:s3], $0x40, s22, s17, $0xb8;
	[tilespmem:$0x1E000] =	vst v63  }
0xe5: {  	_ =	swait.ge [sflag:s1], $0x2000  }
0xe6: {  	[sflag:s1] =	ssyncset.done $0x0  }
0xe7: {  	s8 =	sor.u32 $0x1300, s5;
	[sflag:s1] =	ssyncadd.s32 $0xFFFFE000  }
0xe8: {  	[spmem:s2] =	stream.indirect.scatter.add.f32 [tilespmem:s21], [sflag:$0x7], $0x40, s8, s17, $0xb8;
	[tilespmem:$0x1E000] =	vst v63  }
0xe9: {  	_ =	swait.ge [sflag:s20], $0x2000  }
0xea: {  	[sflag:s20] =	ssyncset.done $0x0  }
0xeb: {  	s22 =	sor.u32 $0x500, s5;
	[sflag:s20] =	ssyncadd.s32 $0xFFFFE000  }
0xec: {  	[tilespmem:s21], [sflag:$0x3] =	stream.indirect.gather [spmem:s3], $0x40, s22, s17, $0xb8;
	[tilespmem:$0x1E000] =	vst v63  }
0xed: {  	_ =	swait.ge [sflag:s26], $0x2000  }
0xee: {  	[sflag:s26] =	ssyncset.done $0x0  }
0xef: {  	s8 =	sor.u32 $0x1380, s5;
	[sflag:s26] =	ssyncadd.s32 $0xFFFFE000  }
0xf0: {  	[spmem:s2] =	stream.indirect.scatter.add.f32 [tilespmem:s23], [sflag:$0x8], $0x40, s8, s17, $0xb8;
	[tilespmem:$0x1E000] =	vst v63  }
0xf1: {  	_ =	swait.ge [sflag:s31], $0x2000  }
0xf2: {  	[sflag:s31] =	ssyncset.done $0x0  }
0xf3: {  	s22 =	sor.u32 $0x580, s5;
	[sflag:s31] =	ssyncadd.s32 $0xFFFFE000  }
0xf4: {  	[tilespmem:s23], [sflag:$0x4] =	stream.indirect.gather [spmem:s3], $0x40, s22, s17, $0xb8;
	[tilespmem:$0x1E000] =	vst v63  }
0xf5: {  	_ =	swait.ge [sflag:s24], $0x2000  }
0xf6: {  	[sflag:s24] =	ssyncset.done $0x0  }
0xf7: {  	s8 =	sor.u32 $0x1400, s5;
	[sflag:s24] =	ssyncadd.s32 $0xFFFFE000  }
0xf8: {  	[spmem:s2] =	stream.indirect.scatter.add.f32 [tilespmem:s18], [sflag:$0x5], $0x40, s8, s17, $0xb8;
	[tilespmem:$0x1E000] =	vst v63  }
0xf9: {  	_ =	swait.ge [sflag:s25], $0x2000  }
0xfa: {  	[sflag:s25] =	ssyncset.done $0x0  }
0xfb: {  	s22 =	sor.u32 $0x600, s5;
	[sflag:s25] =	ssyncadd.s32 $0xFFFFE000  }
0xfc: {  	[tilespmem:s18], [sflag:$0x1] =	stream.indirect.gather [spmem:s3], $0x40, s22, s17, $0xb8;
	[tilespmem:$0x1E000] =	vst v63  }
0xfd: {  	_ =	swait.ge [sflag:s28], $0x2000  }
0xfe: {  	[sflag:s28] =	ssyncset.done $0x0  }
0xff: {  	s8 =	sor.u32 $0x1480, s5;
	[sflag:s28] =	ssyncadd.s32 $0xFFFFE000  }
0x100: {  	[spmem:s2] =	stream.indirect.scatter.add.f32 [tilespmem:s19], [sflag:$0x6], $0x40, s8, s17, $0xb8;
	[tilespmem:$0x1E000] =	vst v63  }
0x101: {  	_ =	swait.ge [sflag:s30], $0x2000  }
0x102: {  	[sflag:s30] =	ssyncset.done $0x0  }
0x103: {  	s22 =	sor.u32 $0x680, s5;
	[sflag:s30] =	ssyncadd.s32 $0xFFFFE000  }
0x104: {  	[tilespmem:s19], [sflag:$0x2] =	stream.indirect.gather [spmem:s3], $0x40, s22, s17, $0xb8;
	[tilespmem:$0x1E000] =	vst v63  }
0x105: {  	_ =	swait.ge [sflag:s1], $0x2000  }
0x106: {  	[sflag:s1] =	ssyncset.done $0x0  }
0x107: {  	s8 =	sor.u32 $0x1500, s5;
	[sflag:s1] =	ssyncadd.s32 $0xFFFFE000  }
0x108: {  	[spmem:s2] =	stream.indirect.scatter.add.f32 [tilespmem:s21], [sflag:$0x7], $0x40, s8, s17, $0xb8;
	[tilespmem:$0x1E000] =	vst v63  }
0x109: {  	_ =	swait.ge [sflag:s20], $0x2000  }
0x10a: {  	[sflag:s20] =	ssyncset.done $0x0  }
0x10b: {  	s22 =	sor.u32 $0x700, s5;
	[sflag:s20] =	ssyncadd.s32 $0xFFFFE000  }
0x10c: {  	[tilespmem:s21], [sflag:$0x3] =	stream.indirect.gather [spmem:s3], $0x40, s22, s17, $0xb8;
	[tilespmem:$0x1E000] =	vst v63  }
0x10d: {  	_ =	swait.ge [sflag:s26], $0x2000  }
0x10e: {  	[sflag:s26] =	ssyncset.done $0x0  }
0x10f: {  	s8 =	sor.u32 $0x1580, s5;
	[sflag:s26] =	ssyncadd.s32 $0xFFFFE000  }
0x110: {  	[spmem:s2] =	stream.indirect.scatter.add.f32 [tilespmem:s23], [sflag:$0x8], $0x40, s8, s17, $0xb8;
	[tilespmem:$0x1E000] =	vst v63  }
0x111: {  	_ =	swait.ge [sflag:s31], $0x2000  }
0x112: {  	[sflag:s31] =	ssyncset.done $0x0  }
0x113: {  	s22 =	sor.u32 $0x780, s5;
	[sflag:s31] =	ssyncadd.s32 $0xFFFFE000  }
0x114: {  	[tilespmem:s23], [sflag:$0x4] =	stream.indirect.gather [spmem:s3], $0x40, s22, s17, $0xb8;
	[tilespmem:$0x1E000] =	vst v63  }
0x115: {  	_ =	swait.ge [sflag:s24], $0x2000  }
0x116: {  	s29 =	sadd.s32 $0x100, s12;
	[sflag:s24] =	ssyncset.done $0x0  }
0x117: {  	s5 =	sor.u32 $0x1600, s5;
	s22 =	simm.s32 $0x1000;
	[sflag:s24] =	ssyncadd.s32 $0xFFFFE000  }
.LBB2_2:
0x118: {  	[spmem:s2] =	stream.indirect.scatter.add.f32 [tilespmem:s18], [sflag:$0x5], $0x40, s5, s17, $0xb8;
	[tilespmem:$0x1E000] =	vst v63  }
0x119: {  	s5 =	sand.u32 $0x800, s22;
	s16 =	sadd.s32 $0xFFFEC000, s29;
	p0 =	sne.s32 s22, $0x9800  }
0x11a: {  	[tilespmem:s5], [sflag:$0x9] =	stream.linear.gather [hbm4b:s16+s4], $0x800, $0x38;
	[tilespmem:$0x1E000] =	vst v63  }
0x11b: {  	s22 =	sadd.s32 $0x800, s22;
	_ =	swait.ge [sflag:s14], $0x800  }
0x11c: {  	[sflag:s14] =	ssyncset.done $0x0  }
0x11d: {  	s16 =	sor.u32 $0x1000, s5;
	[sflag:s14] =	ssyncadd.s32 $0xFFFFF800  }
0x11e: {  	[tilespmem:s16], [sflag:$0x9] =	stream.linear.gather [hbm4b:s29+s4], $0x800, $0x38;
	[tilespmem:$0x1E000] =	vst v63  }
0x11f: {  	_ =	swait.ge [sflag:s14], $0x800  }
0x120: {  	[sflag:s14] =	ssyncset.done $0x0  }
0x121: {  	[sflag:s14] =	ssyncadd.s32 $0xFFFFF800  }
0x122: {  	_ =	swait.ge [sflag:s25], $0x2000  }
0x123: {  	[sflag:s25] =	ssyncset.done $0x0  }
0x124: {  	[sflag:s25] =	ssyncadd.s32 $0xFFFFE000  }
0x125: {  	[tilespmem:s18], [sflag:$0x1] =	stream.indirect.gather [spmem:s3], $0x40, s5, s17, $0xb8;
	[tilespmem:$0x1E000] =	vst v63  }
0x126: {  	_ =	swait.ge [sflag:s28], $0x2000  }
0x127: {  	[sflag:s28] =	ssyncset.done $0x0  }
0x128: {  	s8 =	sxor.u32 $0x1E80, s5;
	[sflag:s28] =	ssyncadd.s32 $0xFFFFE000  }
0x129: {  	[spmem:s2] =	stream.indirect.scatter.add.f32 [tilespmem:s19], [sflag:$0x6], $0x40, s8, s17, $0xb8;
	[tilespmem:$0x1E000] =	vst v63  }
0x12a: {  	_ =	swait.ge [sflag:s30], $0x2000  }
0x12b: {  	[sflag:s30] =	ssyncset.done $0x0  }
0x12c: {  	s8 =	sor.u32 $0x80, s5;
	[sflag:s30] =	ssyncadd.s32 $0xFFFFE000  }
0x12d: {  	[tilespmem:s19], [sflag:$0x2] =	stream.indirect.gather [spmem:s3], $0x40, s8, s17, $0xb8;
	[tilespmem:$0x1E000] =	vst v63  }
0x12e: {  	_ =	swait.ge [sflag:s1], $0x2000  }
0x12f: {  	[sflag:s1] =	ssyncset.done $0x0  }
0x130: {  	s8 =	sxor.u32 $0x1F00, s5;
	[sflag:s1] =	ssyncadd.s32 $0xFFFFE000  }
0x131: {  	[spmem:s2] =	stream.indirect.scatter.add.f32 [tilespmem:s21], [sflag:$0x7], $0x40, s8, s17, $0xb8;
	[tilespmem:$0x1E000] =	vst v63  }
0x132: {  	_ =	swait.ge [sflag:s20], $0x2000  }
0x133: {  	[sflag:s20] =	ssyncset.done $0x0  }
0x134: {  	s8 =	sor.u32 $0x100, s5;
	[sflag:s20] =	ssyncadd.s32 $0xFFFFE000  }
0x135: {  	[tilespmem:s21], [sflag:$0x3] =	stream.indirect.gather [spmem:s3], $0x40, s8, s17, $0xb8;
	[tilespmem:$0x1E000] =	vst v63  }
0x136: {  	_ =	swait.ge [sflag:s26], $0x2000  }
0x137: {  	[sflag:s26] =	ssyncset.done $0x0  }
0x138: {  	s8 =	sxor.u32 $0x1F80, s5;
	[sflag:s26] =	ssyncadd.s32 $0xFFFFE000  }
0x139: {  	[spmem:s2] =	stream.indirect.scatter.add.f32 [tilespmem:s23], [sflag:$0x8], $0x40, s8, s17, $0xb8;
	[tilespmem:$0x1E000] =	vst v63  }
0x13a: {  	_ =	swait.ge [sflag:s31], $0x2000  }
0x13b: {  	[sflag:s31] =	ssyncset.done $0x0  }
0x13c: {  	s8 =	sor.u32 $0x180, s5;
	[sflag:s31] =	ssyncadd.s32 $0xFFFFE000  }
0x13d: {  	[tilespmem:s23], [sflag:$0x4] =	stream.indirect.gather [spmem:s3], $0x40, s8, s17, $0xb8;
	[tilespmem:$0x1E000] =	vst v63  }
0x13e: {  	_ =	swait.ge [sflag:s24], $0x2000  }
0x13f: {  	[sflag:s24] =	ssyncset.done $0x0  }
0x140: {  	[sflag:s24] =	ssyncadd.s32 $0xFFFFE000  }
0x141: {  	[spmem:s2] =	stream.indirect.scatter.add.f32 [tilespmem:s18], [sflag:$0x5], $0x40, s16, s17, $0xb8;
	[tilespmem:$0x1E000] =	vst v63  }
0x142: {  	_ =	swait.ge [sflag:s25], $0x2000  }
0x143: {  	[sflag:s25] =	ssyncset.done $0x0  }
0x144: {  	s8 =	sor.u32 $0x200, s5;
	[sflag:s25] =	ssyncadd.s32 $0xFFFFE000  }
0x145: {  	[tilespmem:s18], [sflag:$0x1] =	stream.indirect.gather [spmem:s3], $0x40, s8, s17, $0xb8;
	[tilespmem:$0x1E000] =	vst v63  }
0x146: {  	_ =	swait.ge [sflag:s28], $0x2000  }
0x147: {  	[sflag:s28] =	ssyncset.done $0x0  }
0x148: {  	s8 =	sor.u32 $0x1080, s5;
	[sflag:s28] =	ssyncadd.s32 $0xFFFFE000  }
0x149: {  	[spmem:s2] =	stream.indirect.scatter.add.f32 [tilespmem:s19], [sflag:$0x6], $0x40, s8, s17, $0xb8;
	[tilespmem:$0x1E000] =	vst v63  }
0x14a: {  	_ =	swait.ge [sflag:s30], $0x2000  }
0x14b: {  	[sflag:s30] =	ssyncset.done $0x0  }
0x14c: {  	s8 =	sor.u32 $0x280, s5;
	[sflag:s30] =	ssyncadd.s32 $0xFFFFE000  }
0x14d: {  	[tilespmem:s19], [sflag:$0x2] =	stream.indirect.gather [spmem:s3], $0x40, s8, s17, $0xb8;
	[tilespmem:$0x1E000] =	vst v63  }
0x14e: {  	_ =	swait.ge [sflag:s1], $0x2000  }
0x14f: {  	[sflag:s1] =	ssyncset.done $0x0  }
0x150: {  	s8 =	sor.u32 $0x1100, s5;
	[sflag:s1] =	ssyncadd.s32 $0xFFFFE000  }
0x151: {  	[spmem:s2] =	stream.indirect.scatter.add.f32 [tilespmem:s21], [sflag:$0x7], $0x40, s8, s17, $0xb8;
	[tilespmem:$0x1E000] =	vst v63  }
0x152: {  	_ =	swait.ge [sflag:s20], $0x2000  }
0x153: {  	[sflag:s20] =	ssyncset.done $0x0  }
0x154: {  	s8 =	sor.u32 $0x300, s5;
	[sflag:s20] =	ssyncadd.s32 $0xFFFFE000  }
0x155: {  	[tilespmem:s21], [sflag:$0x3] =	stream.indirect.gather [spmem:s3], $0x40, s8, s17, $0xb8;
	[tilespmem:$0x1E000] =	vst v63  }
0x156: {  	_ =	swait.ge [sflag:s26], $0x2000  }
0x157: {  	[sflag:s26] =	ssyncset.done $0x0  }
0x158: {  	s8 =	sor.u32 $0x1180, s5;
	[sflag:s26] =	ssyncadd.s32 $0xFFFFE000  }
0x159: {  	[spmem:s2] =	stream.indirect.scatter.add.f32 [tilespmem:s23], [sflag:$0x8], $0x40, s8, s17, $0xb8;
	[tilespmem:$0x1E000] =	vst v63  }
0x15a: {  	_ =	swait.ge [sflag:s31], $0x2000  }
0x15b: {  	[sflag:s31] =	ssyncset.done $0x0  }
0x15c: {  	s8 =	sor.u32 $0x380, s5;
	[sflag:s31] =	ssyncadd.s32 $0xFFFFE000  }
0x15d: {  	[tilespmem:s23], [sflag:$0x4] =	stream.indirect.gather [spmem:s3], $0x40, s8, s17, $0xb8;
	[tilespmem:$0x1E000] =	vst v63  }
0x15e: {  	_ =	swait.ge [sflag:s24], $0x2000  }
0x15f: {  	[sflag:s24] =	ssyncset.done $0x0  }
0x160: {  	s8 =	sor.u32 $0x1200, s5;
	[sflag:s24] =	ssyncadd.s32 $0xFFFFE000  }
0x161: {  	[spmem:s2] =	stream.indirect.scatter.add.f32 [tilespmem:s18], [sflag:$0x5], $0x40, s8, s17, $0xb8;
	[tilespmem:$0x1E000] =	vst v63  }
0x162: {  	_ =	swait.ge [sflag:s25], $0x2000  }
0x163: {  	[sflag:s25] =	ssyncset.done $0x0  }
0x164: {  	s8 =	sor.u32 $0x400, s5;
	[sflag:s25] =	ssyncadd.s32 $0xFFFFE000  }
0x165: {  	[tilespmem:s18], [sflag:$0x1] =	stream.indirect.gather [spmem:s3], $0x40, s8, s17, $0xb8;
	[tilespmem:$0x1E000] =	vst v63  }
0x166: {  	_ =	swait.ge [sflag:s28], $0x2000  }
0x167: {  	[sflag:s28] =	ssyncset.done $0x0  }
0x168: {  	s8 =	sor.u32 $0x1280, s5;
	[sflag:s28] =	ssyncadd.s32 $0xFFFFE000  }
0x169: {  	[spmem:s2] =	stream.indirect.scatter.add.f32 [tilespmem:s19], [sflag:$0x6], $0x40, s8, s17, $0xb8;
	[tilespmem:$0x1E000] =	vst v63  }
0x16a: {  	_ =	swait.ge [sflag:s30], $0x2000  }
0x16b: {  	[sflag:s30] =	ssyncset.done $0x0  }
0x16c: {  	s8 =	sor.u32 $0x480, s5;
	[sflag:s30] =	ssyncadd.s32 $0xFFFFE000  }
0x16d: {  	[tilespmem:s19], [sflag:$0x2] =	stream.indirect.gather [spmem:s3], $0x40, s8, s17, $0xb8;
	[tilespmem:$0x1E000] =	vst v63  }
0x16e: {  	_ =	swait.ge [sflag:s1], $0x2000  }
0x16f: {  	[sflag:s1] =	ssyncset.done $0x0  }
0x170: {  	s8 =	sor.u32 $0x1300, s5;
	[sflag:s1] =	ssyncadd.s32 $0xFFFFE000  }
0x171: {  	[spmem:s2] =	stream.indirect.scatter.add.f32 [tilespmem:s21], [sflag:$0x7], $0x40, s8, s17, $0xb8;
	[tilespmem:$0x1E000] =	vst v63  }
0x172: {  	_ =	swait.ge [sflag:s20], $0x2000  }
0x173: {  	[sflag:s20] =	ssyncset.done $0x0  }
0x174: {  	s8 =	sor.u32 $0x500, s5;
	[sflag:s20] =	ssyncadd.s32 $0xFFFFE000  }
0x175: {  	[tilespmem:s21], [sflag:$0x3] =	stream.indirect.gather [spmem:s3], $0x40, s8, s17, $0xb8;
	[tilespmem:$0x1E000] =	vst v63  }
0x176: {  	_ =	swait.ge [sflag:s26], $0x2000  }
0x177: {  	[sflag:s26] =	ssyncset.done $0x0  }
0x178: {  	s8 =	sor.u32 $0x1380, s5;
	[sflag:s26] =	ssyncadd.s32 $0xFFFFE000  }
0x179: {  	[spmem:s2] =	stream.indirect.scatter.add.f32 [tilespmem:s23], [sflag:$0x8], $0x40, s8, s17, $0xb8;
	[tilespmem:$0x1E000] =	vst v63  }
0x17a: {  	_ =	swait.ge [sflag:s31], $0x2000  }
0x17b: {  	[sflag:s31] =	ssyncset.done $0x0  }
0x17c: {  	s8 =	sor.u32 $0x580, s5;
	[sflag:s31] =	ssyncadd.s32 $0xFFFFE000  }
0x17d: {  	[tilespmem:s23], [sflag:$0x4] =	stream.indirect.gather [spmem:s3], $0x40, s8, s17, $0xb8;
	[tilespmem:$0x1E000] =	vst v63  }
0x17e: {  	_ =	swait.ge [sflag:s24], $0x2000  }
0x17f: {  	[sflag:s24] =	ssyncset.done $0x0  }
0x180: {  	s8 =	sor.u32 $0x1400, s5;
	[sflag:s24] =	ssyncadd.s32 $0xFFFFE000  }
0x181: {  	[spmem:s2] =	stream.indirect.scatter.add.f32 [tilespmem:s18], [sflag:$0x5], $0x40, s8, s17, $0xb8;
	[tilespmem:$0x1E000] =	vst v63  }
0x182: {  	_ =	swait.ge [sflag:s25], $0x2000  }
0x183: {  	[sflag:s25] =	ssyncset.done $0x0  }
0x184: {  	s8 =	sor.u32 $0x600, s5;
	[sflag:s25] =	ssyncadd.s32 $0xFFFFE000  }
0x185: {  	[tilespmem:s18], [sflag:$0x1] =	stream.indirect.gather [spmem:s3], $0x40, s8, s17, $0xb8;
	[tilespmem:$0x1E000] =	vst v63  }
0x186: {  	_ =	swait.ge [sflag:s28], $0x2000  }
0x187: {  	[sflag:s28] =	ssyncset.done $0x0  }
0x188: {  	s8 =	sor.u32 $0x1480, s5;
	[sflag:s28] =	ssyncadd.s32 $0xFFFFE000  }
0x189: {  	[spmem:s2] =	stream.indirect.scatter.add.f32 [tilespmem:s19], [sflag:$0x6], $0x40, s8, s17, $0xb8;
	[tilespmem:$0x1E000] =	vst v63  }
0x18a: {  	_ =	swait.ge [sflag:s30], $0x2000  }
0x18b: {  	[sflag:s30] =	ssyncset.done $0x0  }
0x18c: {  	s8 =	sor.u32 $0x680, s5;
	[sflag:s30] =	ssyncadd.s32 $0xFFFFE000  }
0x18d: {  	[tilespmem:s19], [sflag:$0x2] =	stream.indirect.gather [spmem:s3], $0x40, s8, s17, $0xb8;
	[tilespmem:$0x1E000] =	vst v63  }
0x18e: {  	_ =	swait.ge [sflag:s1], $0x2000  }
0x18f: {  	[sflag:s1] =	ssyncset.done $0x0  }
0x190: {  	s8 =	sor.u32 $0x1500, s5;
	[sflag:s1] =	ssyncadd.s32 $0xFFFFE000  }
0x191: {  	[spmem:s2] =	stream.indirect.scatter.add.f32 [tilespmem:s21], [sflag:$0x7], $0x40, s8, s17, $0xb8;
	[tilespmem:$0x1E000] =	vst v63  }
0x192: {  	_ =	swait.ge [sflag:s20], $0x2000  }
0x193: {  	[sflag:s20] =	ssyncset.done $0x0  }
0x194: {  	s8 =	sor.u32 $0x700, s5;
	[sflag:s20] =	ssyncadd.s32 $0xFFFFE000  }
0x195: {  	[tilespmem:s21], [sflag:$0x3] =	stream.indirect.gather [spmem:s3], $0x40, s8, s17, $0xb8;
	[tilespmem:$0x1E000] =	vst v63  }
0x196: {  	_ =	swait.ge [sflag:s26], $0x2000  }
0x197: {  	[sflag:s26] =	ssyncset.done $0x0  }
0x198: {  	s8 =	sor.u32 $0x1580, s5;
	[sflag:s26] =	ssyncadd.s32 $0xFFFFE000  }
0x199: {  	[spmem:s2] =	stream.indirect.scatter.add.f32 [tilespmem:s23], [sflag:$0x8], $0x40, s8, s17, $0xb8;
	[tilespmem:$0x1E000] =	vst v63  }
0x19a: {  	_ =	swait.ge [sflag:s31], $0x2000  }
0x19b: {  	[sflag:s31] =	ssyncset.done $0x0  }
.Ltmp0:
0x19c: {  	s8 =	sor.u32 $0x780, s5;
	[sflag:s31] =	ssyncadd.s32 $0xFFFFE000;
	(pc) =	sbr.rel @p0 .LBB2_2-.Ltmp0, $4  }
0x19d: {  	[tilespmem:s23], [sflag:$0x4] =	stream.indirect.gather [spmem:s3], $0x40, s8, s17, $0xb8;
	[tilespmem:$0x1E000] =	vst v63  }
0x19e: {  	_ =	swait.ge [sflag:s24], $0x2000  }
0x19f: {  	[sflag:s24] =	ssyncset.done $0x0  }
0x1a0: {  	s29 =	sadd.s32 $0x100, s29;
	s5 =	sor.u32 $0x1600, s5;
	[sflag:s24] =	ssyncadd.s32 $0xFFFFE000  }
0x1a1: {  	[spmem:s2] =	stream.indirect.scatter.add.f32 [tilespmem:s18], [sflag:$0x5], $0x40, s5, s17, $0xb8;
	[tilespmem:$0x1E000] =	vst v63  }
0x1a2: {  	_ =	swait.ge [sflag:s28], $0x2000  }
0x1a3: {  	[sflag:s28] =	ssyncset.done $0x0  }
0x1a4: {  	s16 =	simm.s32 $0x1E80;
	[sflag:s28] =	ssyncadd.s32 $0xFFFFE000  }
0x1a5: {  	[spmem:s2] =	stream.indirect.scatter.add.f32 [tilespmem:s19], [sflag:$0x6], $0x40, s16, s17, $0xb8;
	[tilespmem:$0x1E000] =	vst v63  }
0x1a6: {  	_ =	swait.ge [sflag:s1], $0x2000  }
0x1a7: {  	[sflag:s1] =	ssyncset.done $0x0  }
0x1a8: {  	s22 =	simm.s32 $0x1F00;
	[sflag:s1] =	ssyncadd.s32 $0xFFFFE000  }
0x1a9: {  	[spmem:s2] =	stream.indirect.scatter.add.f32 [tilespmem:s21], [sflag:$0x7], $0x40, s22, s17, $0xb8;
	[tilespmem:$0x1E000] =	vst v63  }
0x1aa: {  	_ =	swait.ge [sflag:s26], $0x2000  }
0x1ab: {  	[sflag:s26] =	ssyncset.done $0x0  }
0x1ac: {  	s29 =	simm.s32 $0x1F80;
	[sflag:s26] =	ssyncadd.s32 $0xFFFFE000  }
0x1ad: {  	[spmem:s2] =	stream.indirect.scatter.add.f32 [tilespmem:s23], [sflag:$0x8], $0x40, s29, s17, $0xb8;
	[tilespmem:$0x1E000] =	vst v63  }
0x1ae: {  	_ =	swait.ge [sflag:s25], $0x2000  }
0x1af: {  	[sflag:s25] =	ssyncset.done $0x0  }
0x1b0: {  	[sflag:s25] =	ssyncadd.s32 $0xFFFFE000  }
0x1b1: {  	_ =	swait.ge [sflag:s30], $0x2000  }
0x1b2: {  	[sflag:s30] =	ssyncset.done $0x0  }
0x1b3: {  	[sflag:s30] =	ssyncadd.s32 $0xFFFFE000  }
0x1b4: {  	_ =	swait.ge [sflag:s20], $0x2000  }
0x1b5: {  	[sflag:s20] =	ssyncset.done $0x0  }
0x1b6: {  	[sflag:s20] =	ssyncadd.s32 $0xFFFFE000  }
0x1b7: {  	_ =	swait.ge [sflag:s31], $0x2000  }
0x1b8: {  	s0 =	sadd.s32 $0x1, s0;
	[sflag:s31] =	ssyncset.done $0x0  }
0x1b9: {  	p0 =	sne.s32 s0, s11;
	[sflag:s31] =	ssyncadd.s32 $0xFFFFE000  }
.Ltmp1:
0x1ba: {  	[bflag:$0x0] =	sbarrier.arrive $0xFFFF;
	(pc) =	sbr.rel @p0 .LBB2_1-.Ltmp1, $4  }
0x1bb: {  	[hbm:s10], [sflag:s6] =	dma.local [spmem:s13], $0x1400  }
0x1bc: {  	_ =	swait.ge [sflag:s14], $0x1400  }
0x1bd: {  	[sflag:s14] =	ssyncset.done $0x0  }
0x1be: {  	[sflag:s14] =	ssyncadd.s32 $0xFFFFEC00  }
0x1bf: {  	_ =	sfence.sel $0x180000  }
0x1c0: {  	[bflag:$0x0] =	sbarrier.arrive $0xFFFF  }
0x1c1: {  	_ =	strace $0x9000004A  }
0x1c2: {  	s0 =	stileid.u32;
	[bflag:$0x2] =	sbarrier.arrive $0xFFFF  }
0x1c3: {  	p0 =	sne.s32 s0, $0x0;
	s0 =	rddreg [dreg:$0x3]  }
0x1c4: {  	s0 =	sadd.s32 @!p0 $0x100000, s0  }
0x1c5: {  	[sflag:s0] =	ssyncadd.tile.s32 @!p0 $0x1;
	_ =	shalt  }
.Lfunc_end2:
_tile_overlayer_lowered:
.L_overlay_start_2:
0x1c6: {  	(tag) =	ssettag $0x2  }
0x1c7: {  	s0 =	rddreg [dreg:$0x0];
	s2 =	stileid.u32  }
0x1c8: {  	s1 =	rddreg [dreg:$0x1];
	p0 =	sne.s32 s2, $0x0  }
0x1c9: {  	s3 =	rddreg [dreg:$0x2];
	[bflag:$0x3] =	sbarrier.arrive $0xFFFF;
	s2 =	simm.s32 @!p0 $0x1C09  }
0x1ca: {  	[timem:s3], [sflag:s2] =	dma.local @!p0 [hbm:s0], s1  }
0x1cb: {  	s0 =	simm.s32 @!p0 $0x9  }
0x1cc: {  	_ =	swait.ge @!p0 [sflag:s0], s1  }
0x1cd: {  	s1 =	ssub.s32 @!p0 $0x0, s1;
	[sflag:s0] =	ssyncset.done @!p0 $0x0  }
0x1ce: {  	[sflag:s0] =	ssyncadd.s32 @!p0 s1  }
0x1cf: {  	[bflag:$0x3] =	sbarrier.arrive $0xFFFF  }
0x1d0: {  	_ =	shalt  }

// kernel: kernel.15.cloned.1.call-start
scs
__scs_entry_jumppad:
0x0: {  	(pc) =	sbr.rel $0x88, $3  }
0x1: {  	(tag) =	ssettag $0x0;
	lr =	simm.s32 $0x1  }
0x2: {  	[smem:$0x3F9B] =	sst lr;
	_ =	strace $0xD0000000  }
0x3: {  	_ = 	snop  }
0x4: {  	_ = 	snop  }
0x5: {  	_ = 	snop  }
0x6: {  	_ = 	snop  }
0x7: {  	_ = 	snop  }
__scs_overlays_trampoline_lowered:
0x8: {  	[smem:$0x3FAA] =	sst s0  }
0x9: {  	[smem:$0x3FAB] =	sst s1  }
0xa: {  	[smem:$0x3FAC] =	sst s2  }
0xb: {  	[smem:$0x3FAD] =	sst s3  }
0xc: {  	[smem:$0x3FAE] =	sst s4  }
0xd: {  	[smem:$0x3FAF] =	sst s5  }
0xe: {  	[smem:$0x3FB0] =	sst s6  }
0xf: {  	[smem:$0x3FB1] =	sst s7  }
0x10: {  	[smem:$0x3FB2] =	sst s8  }
0x11: {  	[smem:$0x3FB3] =	sst s9;
	s0 =	simm.s32 @!p0 $0x0  }
0x12: {  	s1 =	sld [smem:$0x3F99];
	s0 =	simm.s32 @p0 $0x1  }
0x13: {  	[smem:$0x3FB4] =	sst s0;
	s0 =	simm.s32 @!p1 $0x0  }
0x14: {  	s2 =	sld [smem:$0x3F98];
	s0 =	simm.s32 @p1 $0x1  }
0x15: {  	[smem:$0x3FB5] =	sst s0;
	s0 =	simm.s32 @!p2 $0x0  }
0x16: {  	s3 =	sld [smem:$0x3FDB];
	s0 =	simm.s32 @p2 $0x1  }
0x17: {  	s4 =	simm.s32 $0x1BF5;
	[smem:$0x3FB7] =	sst s0  }
0x18: {  	s0 =	sld [smem:$0x3F9A];
	_ =	swait.ge [sflag:s4], $0x0  }
0x19: {  	s7 =	sld [smem:$0x3F9B]  }
0x1a: {  	s8 =	sadd.s32 $0xFFFFE003, lr  }
0x1b: {  	s9 =	sadd.s32 $0xFFFFFEF7, lr;
	s5 =	simm.s32 $0xFFFFFFFF;
	p2 =	slt.u32 s8, $0xFFFFF086  }
0x1c: {  	p1 =	slt.u32 s9, $0xF7A;
	s5 =	simm.s32 @!p2 $0x0  }
0x1d: {  	s5 =	simm.s32 @p1 $0x1;
	p0 =	seq.s32 s7, s2  }
0x1e: {  	s7 =	smul.u32 @!p0 $0xF7A, s2;
	p2 =	seq.s32 @!p0 s5, $0x0  }
0x1f: {  	s9 =	smul.u32 $0xF7A, s1;
	s8 =	simm.s32 @!p0 $0x1BF5;
	p2 =	por !p2, p0  }
0x20: {  	[sflag:s8] =	ssyncset.s32 @!p0 $0xFFFFF086;
	s6 =	sadd.s32 @!p0 s3, s7;
	s7 =	simm.s32 @!p0 $0x108  }
0x21: {  	s3 =	sadd.s32 s3, s9;
	s6 =	sadd.s32 @!p0 $0x88, s6;
	s7 =	simm.s32 @p2 $0x1082  }
0x22: {  	[simem:s7], [sflag:s8] =	dma.local @!p0 [hbm:s6], $0xF7A  }
0x23: {  	s9 =	sor.u32 $0xD0000000, s2;
	s6 =	simm.s32 $0x108;
	_ =	swait.ge @!p0 [sflag:s8], $0x0  }
0x24: {  	s3 =	sadd.s32 $0x88, s3;
	s6 =	simm.s32 @!p1 $0x1082;
	[sflag:s4] =	ssyncset.s32 $0xFFFFF086  }
0x25: {  	[simem:s6], [sflag:s4] =	dma.local [hbm:s3], $0xF7A  }
0x26: {  	[smem:$0x3F9B] =	sst s1;
	(tag) =	ssettag s2;
	_ =	strace s9  }
0x27: {  	s1 =	sld [smem:$0x3FAB]  }
0x28: {  	s2 =	sld [smem:$0x3FAC]  }
0x29: {  	s4 =	sld [smem:$0x3FAE]  }
0x2a: {  	p0 =	seq.s32 s5, $0x0;
	s5 =	sld [smem:$0x3FAF]  }
0x2b: {  	s6 =	sld [smem:$0x3FB0]  }
0x2c: {  	s7 =	sld [smem:$0x3FB1]  }
0x2d: {  	s3 =	simm.s32 $0x108;
	s8 =	sld [smem:$0x3FB2]  }
0x2e: {  	s3 =	simm.s32 @!p0 $0x1082;
	s9 =	sld [smem:$0x3FB3]  }
0x2f: {  	lr =	sadd.s32 s0, s3;
	s0 =	sld [smem:$0x3FAA]  }
0x30: {  	s3 =	sld [smem:$0x3FAD]  }
0x31: {  	[smem:$0x3FB6] =	sst s10  }
0x32: {  	s10 =	sld [smem:$0x3FB4];
	_ =	sdelay $0x3  }
0x33: {  	p0 =	seq.s32 s10, $0x1;
	s10 =	sld [smem:$0x3FB6];
	_ =	sdelay $0x3  }
0x34: {  	[smem:$0x3FB6] =	sst s10  }
0x35: {  	s10 =	sld [smem:$0x3FB5];
	_ =	sdelay $0x3  }
0x36: {  	p1 =	seq.s32 s10, $0x1;
	s10 =	sld [smem:$0x3FB6];
	_ =	sdelay $0x3  }
0x37: {  	[smem:$0x3FB6] =	sst s10  }
0x38: {  	s10 =	sld [smem:$0x3FB7]  }
0x39: {  	_ = 	snop;
	(pc) =	sbr.ind lr, $3  }
0x3a: {  	_ = 	snop  }
0x3b: {  	_ = 	snop  }
0x3c: {  	p2 =	seq.s32 s10, $0x1;
	s10 =	sld [smem:$0x3FB6]  }
0x3d: {  	_ =	shalt  }
0x3e: {  	_ =	shalt  }
0x3f: {  	_ =	shalt  }
0x40: {  	_ =	shalt  }
0x41: {  	_ =	shalt  }
0x42: {  	_ =	shalt  }
0x43: {  	_ =	shalt  }
0x44: {  	_ =	shalt  }
0x45: {  	_ =	shalt  }
0x46: {  	_ =	shalt  }
0x47: {  	_ =	shalt  }
0x48: {  	_ =	shalt  }
0x49: {  	_ =	shalt  }
0x4a: {  	_ =	shalt  }
0x4b: {  	_ =	shalt  }
0x4c: {  	_ =	shalt  }
0x4d: {  	_ =	shalt  }
0x4e: {  	_ =	shalt  }
0x4f: {  	_ =	shalt  }
0x50: {  	_ =	shalt  }
0x51: {  	_ =	shalt  }
0x52: {  	_ =	shalt  }
0x53: {  	_ =	shalt  }
0x54: {  	_ =	shalt  }
0x55: {  	_ =	shalt  }
0x56: {  	_ =	shalt  }
0x57: {  	_ =	shalt  }
0x58: {  	_ =	shalt  }
0x59: {  	_ =	shalt  }
0x5a: {  	_ =	shalt  }
0x5b: {  	_ =	shalt  }
0x5c: {  	_ =	shalt  }
0x5d: {  	_ =	shalt  }
0x5e: {  	_ =	shalt  }
0x5f: {  	_ =	shalt  }
0x60: {  	_ =	shalt  }
0x61: {  	_ =	shalt  }
0x62: {  	_ =	shalt  }
0x63: {  	_ =	shalt  }
0x64: {  	_ =	shalt  }
0x65: {  	_ =	shalt  }
0x66: {  	_ =	shalt  }
0x67: {  	_ =	shalt  }
0x68: {  	_ =	shalt  }
0x69: {  	_ =	shalt  }
0x6a: {  	_ =	shalt  }
0x6b: {  	_ =	shalt  }
0x6c: {  	_ =	shalt  }
0x6d: {  	_ =	shalt  }
0x6e: {  	_ =	shalt  }
0x6f: {  	_ =	shalt  }
0x70: {  	_ =	shalt  }
0x71: {  	_ =	shalt  }
0x72: {  	_ =	shalt  }
0x73: {  	_ =	shalt  }
0x74: {  	_ =	shalt  }
0x75: {  	_ =	shalt  }
0x76: {  	_ =	shalt  }
0x77: {  	_ =	shalt  }
0x78: {  	_ =	shalt  }
0x79: {  	_ =	shalt  }
0x7a: {  	_ =	shalt  }
0x7b: {  	_ =	shalt  }
0x7c: {  	_ =	shalt  }
0x7d: {  	_ =	shalt  }
0x7e: {  	_ =	shalt  }
0x7f: {  	_ =	shalt  }
0x80: {  	_ =	shalt  }
0x81: {  	_ =	shalt  }
0x82: {  	_ =	shalt  }
0x83: {  	_ =	shalt  }
0x84: {  	_ =	shalt  }
0x85: {  	_ =	shalt  }
0x86: {  	_ =	shalt  }
0x87: {  	_ =	shalt  }
.Lfunc_end0:
.L_simem_size_0:
called_computation.2_lowered:
.L_overlay_start_0:
0x88: {  	s2 =	sld [smem:$0x3FD9]  }
0x89: {  	s3 =	sld [smem:$0x3FFE];
	_ =	sdelay $0x1  }
0x8a: {  	s1 =	srdreg.scid  }
0x8b: {  	s0 =	sand.u32 $0x1, s1  }
0x8c: {  	s16 =	sshll.u32 s0, $0xA;
	s2 =	sadd.s32 s3, s2  }
0x8d: {  	s2 =	sadd.s32 s2, s16  }
0x8e: {  	[smem:$0x3FC2] =	sst s2  }
0x8f: {  	_ = 	snop  }
0x90: {  	(tm) =	ssettm $0x1  }
0x91: {  	s17 =	sld [smem:$0x3FFB];
	_ =	sdelay $0x3  }
0x92: {  	_ =	strace s17  }
0x93: {  	s2 =	sld [smem:$0x3FFC];
	_ =	sdelay $0x3  }
0x94: {  	_ =	strace s2  }
0x95: {  	s2 =	sld [smem:$0x3FFD];
	_ =	sdelay $0x3  }
0x96: {  	_ =	strace s2  }
0x97: {  	_ =	strace $0x8FFFFFFF  }
0x98: {  	s18 =	sld [smem:$0x3FDB];
	_ =	sdelay $0x1  }
0x99: {  	s19 =	simm.s32 $_scs_section_size  }
0x9a: {  	s4 =	simm.s32 $_size__tile_overlayer_lowered;
	s5 =	simm.s32 $_tile_overlayer_lowered  }
0x9b: {  	s22 =	simm.s32 $0x1BFF;
	s21 =	sshll.u32 s5, $0x1;
	s2 =	sadd.s32 s19, s18  }
0x9c: {  	s6 =	simm.s32 $0x0;
	s20 =	sshll.u32 s4, $0x1;
	s4 =	sadd.s32 s21, s2  }
0x9d: {  	[timem:s6], [sflag:s22] =	dma.local [hbm:s4], s20  }
0x9e: {  	_ =	swait.ge [sflag:s22], s20  }
0x9f: {  	s3 =	ssub.s32 $0x0, s20;
	[sflag:s22] =	ssyncset.done $0x0  }
0xa0: {  	[sflag:s22] =	ssyncadd.s32 s3;
	_ =	sdelay $0x1  }
0xa1: {  	s23 =	simm.s32 $0x1B8B  }
0xa2: {  	_ =	swait.ge [sflag:s23], $0x1  }
0xa3: {  	[sflag:s23] =	ssyncset.done $0x0  }
0xa4: {  	s25 =	simm.s32 $0x1B8E;
	s24 =	sld [smem:$0x3FFE];
	[sflag:s23] =	ssyncadd.s32 $0xFFFFFFFF  }
0xa5: {  	s26 =	simm.s32 $execute0_lowered;
	[smem:$0x3FD2] =	sst s25  }
0xa6: {  	s4 =	sshll.u32 s26, $0x1;
	_ =	strace $0x8000004C;
	[dreg:$0x1] =	wrdreg $0xFFFFFFFF  }
0xa7: {  	s28 =	simm.s32 $_size_execute0_lowered;
	s2 =	sadd.s32 s2, s4;
	[dreg:$0x0] =	wrdreg $0x0  }
0xa8: {  	s4 =	sshll.u32 s28, $0x1;
	[dreg:$0x2] =	wrdreg s2  }
0xa9: {  	[dreg:$0x3] =	wrdreg s4  }
0xaa: {  	[dreg:$0x4] =	wrdreg $0xC0  }
0xab: {  	_ =	task [dreg:s6], $0x5FFFF  }
0xac: {  	[dreg:$0x1] =	wrdreg $0xFFFFFFFF  }
0xad: {  	[dreg:$0x0] =	wrdreg $0x60  }
0xae: {  	[dreg:$0x2] =	wrdreg s24  }
0xaf: {  	[dreg:$0x3] =	wrdreg $0x9  }
0xb0: {  	_ =	task.clear_ibuf [dreg:s6], $0x4FFFF;
	_ =	strace $0x9000004C  }
0xb1: {  	s29 =	simm.s32 $0x9;
	_ =	strace $0x8000004E  }
0xb2: {  	_ =	swait.ge [sflag:s29], $0x1  }
0xb3: {  	[sflag:s29] =	ssyncadd.s32 $0xFFFFFFFF  }
0xb4: {  	_ =	strace $0x9000004E  }
0xb5: {  	_ =	sfence  }
0xb6: {  	s30 =	sld [smem:$0x0];
	_ =	sdelay $0x2  }
0xb7: {  	s31 =	sshll.u32 s1, $0xD;
	s1 =	sshrl.u32 s1, $0x2  }
0xb8: {  	s3 =	sand.u32 $0x4000, s31;
	s1 =	sadd.s32 s1, s30  }
0xb9: {  	s0 =	sor.u32 s3, s0;
	s1 =	sshll.u32 s1, $0x11  }
0xba: {  	s0 =	sor.u32 s1, s0  }
0xbb: {  	s0 =	sadd.s32 $0x8F2B, s0  }
0xbc: {  	[sflag:s0] =	ssyncadd.remote.s32 $0x1  }
0xbd: {  	_ =	sfence.sel $0xFFFF  }
0xbe: {  	[dreg:$0x0] =	wrdreg $0xFFFFFFFF;
	(pc) =	sbr.abs _section_cstart, $3  }
0xbf: {  	[dreg:$0x1] =	wrdreg $0xFFFFFFFF  }
0xc0: {  	_ =	task.clear_ibuf [dreg:s6], $0x2FFFF;
	_ =	strace $0x9FFFFFFF  }
0xc1: {  	(tm) =	ssettm $0x7FFFFFFF  }
tec
execute0_lowered:
.L_overlay_start_1:
0x0: {  	(tag) =	ssettag $0x1  }
0x1: {  	s1 =	srdreg.scid  }
0x2: {  	s0 =	stileid.u32;
	s4 =	rddreg [dreg:$0x0];
	s2 =	simm.s32 $0x0  }
0x3: {  	s10 =	simm.s32 $0x5000;
	s3 =	sand.u32 $0x1, s1;
	s5 =	sshll.u32 s0, $0x1  }
0x4: {  	s11 =	simm.s32 $0xC800;
	s1 =	rddreg [dreg:$0x1];
	s5 =	sor.u32 s3, s5  }
0x5: {  	s12 =	simm.s32 $0x0;
	[smem:$0x7FF] =	sst s2;
	s6 =	smul.u32 $0x5000, s5  }
0x6: {  	_ =	strace $0x8000004D;
	s7 =	ssub.s32 $0x2, s3;
	s3 =	sadd.s32 $0x2A400, s4  }
0x7: {  	s5 =	smul.u32 $0x500, s5;
	s8 =	sshrl.u32 s7, $0x1;
	s6 =	sshrl.u32 s6, $0x3  }
0x8: {  	s7 =	ssub.s32 s7, s8;
	s8 =	simm.s32 $0xA000;
	s6 =	sadd.s32 s6, s4  }
0x9: {  	s9 =	sadd.s32 s5, s4;
	s7 =	smax.u32 s7, $0x1;
	s4 =	sadd.s32 $0x2400, s6  }
0xa: {  	v0 =	vimm.f32 $0.0e+00;
	s5 =	sadd.s32 $0x16400, s6;
	s6 =	sadd.s32 $0x2AA00, s9;
	s9 =	simm.s32 $0x1  }
.LBB2_1:
0xb: {  	[tilespmem:s8], [sflag:$0x1] =	stream.linear.gather [hbm4b:s3+s2], $0x2800, $0x38;
	[tilespmem:$0xF000] =	vst v63  }
0xc: {  	_ =	swait.ge [sflag:s9], $0x2800  }
0xd: {  	[sflag:s9] =	ssyncset.done $0x0  }
0xe: {  	[sflag:s9] =	ssyncadd.s32 $0xFFFFD800  }
0xf: {  	[tilespmem:s2], [sflag:$0x1] =	stream.linear.gather [hbm4b:s4+s2], $0x5000, $0x38;
	[tilespmem:$0xF000] =	vst v63  }
0x10: {  	_ =	swait.ge [sflag:s9], $0x5000  }
0x11: {  	[sflag:s9] =	ssyncset.done $0x0  }
0x12: {  	[sflag:s9] =	ssyncadd.s32 $0xFFFFB000  }
0x13: {  	[tilespmem:s10], [sflag:$0x1] =	stream.linear.gather [hbm4b:s5+s2], $0x5000, $0x38;
	[tilespmem:$0xF000] =	vst v63  }
0x14: {  	_ =	swait.ge [sflag:s9], $0x5000  }
0x15: {  	[sflag:s9] =	ssyncset.done $0x0  }
0x16: {  	s13 =	simm.s32 $0x0;
	s14 =	simm.s32 $0x200;
	[sflag:s9] =	ssyncadd.s32 $0xFFFFB000  }
.LBB2_2:
0x17: {  	p0 =	sne.s32 s14, $0x9E00;
	[tilespmem:s13+$0xC870] =	vst v0  }
0x18: {  	[tilespmem:s13+$0xC800] =	vst v0  }
0x19: {  	[tilespmem:s13+$0xC810] =	vst v0  }
.Ltmp0:
0x1a: {  	[tilespmem:s13+$0xC820] =	vst v0;
	(pc) =	sbr.rel @p0 .LBB2_2-.Ltmp0, $4  }
0x1b: {  	[tilespmem:s13+$0xC830] =	vst v0  }
0x1c: {  	[tilespmem:s13+$0xC840] =	vst v0  }
0x1d: {  	[tilespmem:s13+$0xC850] =	vst v0  }
0x1e: {  	[tilespmem:s13+$0xC860] =	vst v0;
	s13 =	sshra.s32 s14, $0x2;
	s14 =	sadd.s32 $0x200, s14  }
0x1f: {  	[tilespmem:s13+$0xC870] =	vst v0  }
0x20: {  	[tilespmem:s13+$0xC800] =	vst v0  }
0x21: {  	[tilespmem:s13+$0xC810] =	vst v0  }
0x22: {  	[tilespmem:s13+$0xC820] =	vst v0  }
0x23: {  	[tilespmem:s13+$0xC830] =	vst v0  }
0x24: {  	[tilespmem:s13+$0xC840] =	vst v0  }
0x25: {  	[tilespmem:s13+$0xC850] =	vst v0  }
0x26: {  	[tilespmem:s13+$0xC860] =	vst v0;
	s13 =	simm.s32 $0x0  }
.LBB2_4:
0x27: {  	s14 =	sshra.s32 s13, $0x2  }
0x28: {  	v1 =	vld [tilespmem:s14+$0x0];
	_ =	sdelay $0x4  }
0x29: {  	v2 =	vld [tilespmem:s14+$0x5000];
	_ =	sdelay $0x2  }
0x2a: {  	v1 =	vld.idx.msk [tilespmem:v1+s8+$0x0], $0xffff;
	_ =	sdelay $0x4  }
0x2b: {  	[tilespmem:v2+s11+$0x0] =	vst.idx.add.f32.msk $0xffff, v1  }
0x2c: {  	v1 =	vld [tilespmem:s14+$0x10];
	_ =	sdelay $0x4  }
0x2d: {  	v2 =	vld [tilespmem:s14+$0x5010];
	_ =	sdelay $0x2  }
0x2e: {  	v1 =	vld.idx.msk [tilespmem:v1+s8+$0x0], $0xffff;
	_ =	sdelay $0x4  }
0x2f: {  	[tilespmem:v2+s11+$0x0] =	vst.idx.add.f32.msk $0xffff, v1  }
0x30: {  	v1 =	vld [tilespmem:s14+$0x20];
	_ =	sdelay $0x4  }
0x31: {  	v2 =	vld [tilespmem:s14+$0x5020];
	_ =	sdelay $0x2  }
0x32: {  	v1 =	vld.idx.msk [tilespmem:v1+s8+$0x0], $0xffff;
	_ =	sdelay $0x4  }
0x33: {  	[tilespmem:v2+s11+$0x0] =	vst.idx.add.f32.msk $0xffff, v1  }
0x34: {  	v1 =	vld [tilespmem:s14+$0x30];
	_ =	sdelay $0x4  }
0x35: {  	v2 =	vld [tilespmem:s14+$0x5030];
	_ =	sdelay $0x2  }
0x36: {  	v1 =	vld.idx.msk [tilespmem:v1+s8+$0x0], $0xffff;
	_ =	sdelay $0x4  }
0x37: {  	[tilespmem:v2+s11+$0x0] =	vst.idx.add.f32.msk $0xffff, v1  }
0x38: {  	v1 =	vld [tilespmem:s14+$0x40];
	_ =	sdelay $0x4  }
0x39: {  	v2 =	vld [tilespmem:s14+$0x5040];
	_ =	sdelay $0x2  }
0x3a: {  	v1 =	vld.idx.msk [tilespmem:v1+s8+$0x0], $0xffff;
	_ =	sdelay $0x4  }
0x3b: {  	[tilespmem:v2+s11+$0x0] =	vst.idx.add.f32.msk $0xffff, v1  }
0x3c: {  	v1 =	vld [tilespmem:s14+$0x50];
	_ =	sdelay $0x4  }
0x3d: {  	v2 =	vld [tilespmem:s14+$0x5050];
	_ =	sdelay $0x2  }
0x3e: {  	v1 =	vld.idx.msk [tilespmem:v1+s8+$0x0], $0xffff;
	_ =	sdelay $0x4  }
0x3f: {  	[tilespmem:v2+s11+$0x0] =	vst.idx.add.f32.msk $0xffff, v1  }
0x40: {  	v1 =	vld [tilespmem:s14+$0x60];
	_ =	sdelay $0x4  }
0x41: {  	v2 =	vld [tilespmem:s14+$0x5060];
	_ =	sdelay $0x2  }
0x42: {  	v1 =	vld.idx.msk [tilespmem:v1+s8+$0x0], $0xffff;
	_ =	sdelay $0x4  }
0x43: {  	[tilespmem:v2+s11+$0x0] =	vst.idx.add.f32.msk $0xffff, v1  }
0x44: {  	v1 =	vld [tilespmem:s14+$0x70];
	_ =	sdelay $0x4  }
0x45: {  	v2 =	vld [tilespmem:s14+$0x5070];
	_ =	sdelay $0x2  }
0x46: {  	p0 =	sne.s32 s13, $0x13E00;
	v1 =	vld.idx.msk [tilespmem:v1+s8+$0x0], $0xffff  }
.Ltmp1:
0x47: {  	_ = 	snop;
	(pc) =	sbr.rel @p0 .LBB2_4-.Ltmp1, $2  }
0x48: {  	_ =	sdelay $0x2  }
0x49: {  	s13 =	sadd.s32 $0x200, s13;
	[tilespmem:v2+s11+$0x0] =	vst.idx.add.f32.msk $0xffff, v1  }
0x4a: {  	s12 =	sadd.s32 $0x1, s12  }
0x4b: {  	p0 =	sne.s32 s12, s7  }
.Ltmp2:
0x4c: {  	_ = 	snop;
	(pc) =	sbr.rel @p0 .LBB2_1-.Ltmp2, $4  }
0x4d: {  	[hbm4b:s6+s2] =	stream.linear.scatter [tilespmem:s11], [sflag:$0x1], $0x2800, $0x38;
	[tilespmem:$0xF000] =	vst v63  }
0x4e: {  	_ =	swait.ge [sflag:s9], $0x2800  }
0x4f: {  	[sflag:s9] =	ssyncset.done $0x0  }
0x50: {  	[sflag:s9] =	ssyncadd.s32 $0xFFFFD800  }
0x51: {  	_ =	sfence.sel $0x180000  }
0x52: {  	[bflag:$0x0] =	sbarrier.arrive $0xFFFF  }
0x53: {  	p0 =	sne.s32 s0, $0x0;
	_ =	strace $0x9000004D  }
0x54: {  	s0 =	sadd.s32 @!p0 $0x100000, s1;
	[bflag:$0x2] =	sbarrier.arrive $0xFFFF  }
0x55: {  	[sflag:s0] =	ssyncadd.tile.s32 @!p0 $0x1;
	_ =	shalt  }
.Lfunc_end2:
_tile_overlayer_lowered:
.L_overlay_start_2:
0x56: {  	(tag) =	ssettag $0x2  }
0x57: {  	s0 =	rddreg [dreg:$0x0];
	s2 =	stileid.u32  }
0x58: {  	s1 =	rddreg [dreg:$0x1];
	p0 =	sne.s32 s2, $0x0  }
0x59: {  	s3 =	rddreg [dreg:$0x2];
	[bflag:$0x3] =	sbarrier.arrive $0xFFFF;
	s2 =	simm.s32 @!p0 $0x1C01  }
0x5a: {  	[timem:s3], [sflag:s2] =	dma.local @!p0 [hbm:s0], s1  }
0x5b: {  	s0 =	simm.s32 @!p0 $0x1  }
0x5c: {  	_ =	swait.ge @!p0 [sflag:s0], s1  }
0x5d: {  	s1 =	ssub.s32 @!p0 $0x0, s1;
	[sflag:s0] =	ssyncset.done @!p0 $0x0  }
0x5e: {  	[sflag:s0] =	ssyncadd.s32 @!p0 s1  }
0x5f: {  	[bflag:$0x3] =	sbarrier.arrive $0xFFFF  }
0x60: {  	_ =	shalt  }

// kernel: kernel.9.cloned.1.call-start
scs
__scs_entry_jumppad:
0x0: {  	(pc) =	sbr.rel $0x88, $3  }
0x1: {  	(tag) =	ssettag $0x0;
	lr =	simm.s32 $0x1  }
0x2: {  	[smem:$0x3F9B] =	sst lr;
	_ =	strace $0xD0000000  }
0x3: {  	_ = 	snop  }
0x4: {  	_ = 	snop  }
0x5: {  	_ = 	snop  }
0x6: {  	_ = 	snop  }
0x7: {  	_ = 	snop  }
__scs_overlays_trampoline_lowered:
0x8: {  	[smem:$0x3FAA] =	sst s0  }
0x9: {  	[smem:$0x3FAB] =	sst s1  }
0xa: {  	[smem:$0x3FAC] =	sst s2  }
0xb: {  	[smem:$0x3FAD] =	sst s3  }
0xc: {  	[smem:$0x3FAE] =	sst s4  }
0xd: {  	[smem:$0x3FAF] =	sst s5  }
0xe: {  	[smem:$0x3FB0] =	sst s6  }
0xf: {  	[smem:$0x3FB1] =	sst s7  }
0x10: {  	[smem:$0x3FB2] =	sst s8  }
0x11: {  	[smem:$0x3FB3] =	sst s9;
	s0 =	simm.s32 @!p0 $0x0  }
0x12: {  	s1 =	sld [smem:$0x3F99];
	s0 =	simm.s32 @p0 $0x1  }
0x13: {  	[smem:$0x3FB4] =	sst s0;
	s0 =	simm.s32 @!p1 $0x0  }
0x14: {  	s2 =	sld [smem:$0x3F98];
	s0 =	simm.s32 @p1 $0x1  }
0x15: {  	[smem:$0x3FB5] =	sst s0;
	s0 =	simm.s32 @!p2 $0x0  }
0x16: {  	s3 =	sld [smem:$0x3FDB];
	s0 =	simm.s32 @p2 $0x1  }
0x17: {  	s4 =	simm.s32 $0x1BF5;
	[smem:$0x3FB7] =	sst s0  }
0x18: {  	s0 =	sld [smem:$0x3F9A];
	_ =	swait.ge [sflag:s4], $0x0  }
0x19: {  	s7 =	sld [smem:$0x3F9B]  }
0x1a: {  	s8 =	sadd.s32 $0xFFFFE003, lr  }
0x1b: {  	s9 =	sadd.s32 $0xFFFFFEF7, lr;
	s5 =	simm.s32 $0xFFFFFFFF;
	p2 =	slt.u32 s8, $0xFFFFF086  }
0x1c: {  	p1 =	slt.u32 s9, $0xF7A;
	s5 =	simm.s32 @!p2 $0x0  }
0x1d: {  	s5 =	simm.s32 @p1 $0x1;
	p0 =	seq.s32 s7, s2  }
0x1e: {  	s7 =	smul.u32 @!p0 $0xF7A, s2;
	p2 =	seq.s32 @!p0 s5, $0x0  }
0x1f: {  	s9 =	smul.u32 $0xF7A, s1;
	s8 =	simm.s32 @!p0 $0x1BF5;
	p2 =	por !p2, p0  }
0x20: {  	[sflag:s8] =	ssyncset.s32 @!p0 $0xFFFFF086;
	s6 =	sadd.s32 @!p0 s3, s7;
	s7 =	simm.s32 @!p0 $0x108  }
0x21: {  	s3 =	sadd.s32 s3, s9;
	s6 =	sadd.s32 @!p0 $0x88, s6;
	s7 =	simm.s32 @p2 $0x1082  }
0x22: {  	[simem:s7], [sflag:s8] =	dma.local @!p0 [hbm:s6], $0xF7A  }
0x23: {  	s9 =	sor.u32 $0xD0000000, s2;
	s6 =	simm.s32 $0x108;
	_ =	swait.ge @!p0 [sflag:s8], $0x0  }
0x24: {  	s3 =	sadd.s32 $0x88, s3;
	s6 =	simm.s32 @!p1 $0x1082;
	[sflag:s4] =	ssyncset.s32 $0xFFFFF086  }
0x25: {  	[simem:s6], [sflag:s4] =	dma.local [hbm:s3], $0xF7A  }
0x26: {  	[smem:$0x3F9B] =	sst s1;
	(tag) =	ssettag s2;
	_ =	strace s9  }
0x27: {  	s1 =	sld [smem:$0x3FAB]  }
0x28: {  	s2 =	sld [smem:$0x3FAC]  }
0x29: {  	s4 =	sld [smem:$0x3FAE]  }
0x2a: {  	p0 =	seq.s32 s5, $0x0;
	s5 =	sld [smem:$0x3FAF]  }
0x2b: {  	s6 =	sld [smem:$0x3FB0]  }
0x2c: {  	s7 =	sld [smem:$0x3FB1]  }
0x2d: {  	s3 =	simm.s32 $0x108;
	s8 =	sld [smem:$0x3FB2]  }
0x2e: {  	s3 =	simm.s32 @!p0 $0x1082;
	s9 =	sld [smem:$0x3FB3]  }
0x2f: {  	lr =	sadd.s32 s0, s3;
	s0 =	sld [smem:$0x3FAA]  }
0x30: {  	s3 =	sld [smem:$0x3FAD]  }
0x31: {  	[smem:$0x3FB6] =	sst s10  }
0x32: {  	s10 =	sld [smem:$0x3FB4];
	_ =	sdelay $0x3  }
0x33: {  	p0 =	seq.s32 s10, $0x1;
	s10 =	sld [smem:$0x3FB6];
	_ =	sdelay $0x3  }
0x34: {  	[smem:$0x3FB6] =	sst s10  }
0x35: {  	s10 =	sld [smem:$0x3FB5];
	_ =	sdelay $0x3  }
0x36: {  	p1 =	seq.s32 s10, $0x1;
	s10 =	sld [smem:$0x3FB6];
	_ =	sdelay $0x3  }
0x37: {  	[smem:$0x3FB6] =	sst s10  }
0x38: {  	s10 =	sld [smem:$0x3FB7]  }
0x39: {  	_ = 	snop;
	(pc) =	sbr.ind lr, $3  }
0x3a: {  	_ = 	snop  }
0x3b: {  	_ = 	snop  }
0x3c: {  	p2 =	seq.s32 s10, $0x1;
	s10 =	sld [smem:$0x3FB6]  }
0x3d: {  	_ =	shalt  }
0x3e: {  	_ =	shalt  }
0x3f: {  	_ =	shalt  }
0x40: {  	_ =	shalt  }
0x41: {  	_ =	shalt  }
0x42: {  	_ =	shalt  }
0x43: {  	_ =	shalt  }
0x44: {  	_ =	shalt  }
0x45: {  	_ =	shalt  }
0x46: {  	_ =	shalt  }
0x47: {  	_ =	shalt  }
0x48: {  	_ =	shalt  }
0x49: {  	_ =	shalt  }
0x4a: {  	_ =	shalt  }
0x4b: {  	_ =	shalt  }
0x4c: {  	_ =	shalt  }
0x4d: {  	_ =	shalt  }
0x4e: {  	_ =	shalt  }
0x4f: {  	_ =	shalt  }
0x50: {  	_ =	shalt  }
0x51: {  	_ =	shalt  }
0x52: {  	_ =	shalt  }
0x53: {  	_ =	shalt  }
0x54: {  	_ =	shalt  }
0x55: {  	_ =	shalt  }
0x56: {  	_ =	shalt  }
0x57: {  	_ =	shalt  }
0x58: {  	_ =	shalt  }
0x59: {  	_ =	shalt  }
0x5a: {  	_ =	shalt  }
0x5b: {  	_ =	shalt  }
0x5c: {  	_ =	shalt  }
0x5d: {  	_ =	shalt  }
0x5e: {  	_ =	shalt  }
0x5f: {  	_ =	shalt  }
0x60: {  	_ =	shalt  }
0x61: {  	_ =	shalt  }
0x62: {  	_ =	shalt  }
0x63: {  	_ =	shalt  }
0x64: {  	_ =	shalt  }
0x65: {  	_ =	shalt  }
0x66: {  	_ =	shalt  }
0x67: {  	_ =	shalt  }
0x68: {  	_ =	shalt  }
0x69: {  	_ =	shalt  }
0x6a: {  	_ =	shalt  }
0x6b: {  	_ =	shalt  }
0x6c: {  	_ =	shalt  }
0x6d: {  	_ =	shalt  }
0x6e: {  	_ =	shalt  }
0x6f: {  	_ =	shalt  }
0x70: {  	_ =	shalt  }
0x71: {  	_ =	shalt  }
0x72: {  	_ =	shalt  }
0x73: {  	_ =	shalt  }
0x74: {  	_ =	shalt  }
0x75: {  	_ =	shalt  }
0x76: {  	_ =	shalt  }
0x77: {  	_ =	shalt  }
0x78: {  	_ =	shalt  }
0x79: {  	_ =	shalt  }
0x7a: {  	_ =	shalt  }
0x7b: {  	_ =	shalt  }
0x7c: {  	_ =	shalt  }
0x7d: {  	_ =	shalt  }
0x7e: {  	_ =	shalt  }
0x7f: {  	_ =	shalt  }
0x80: {  	_ =	shalt  }
0x81: {  	_ =	shalt  }
0x82: {  	_ =	shalt  }
0x83: {  	_ =	shalt  }
0x84: {  	_ =	shalt  }
0x85: {  	_ =	shalt  }
0x86: {  	_ =	shalt  }
0x87: {  	_ =	shalt  }
.Lfunc_end0:
.L_simem_size_0:
called_computation_lowered:
.L_overlay_start_0:
0x88: {  	s2 =	sld [smem:$0x3FD9]  }
0x89: {  	s3 =	sld [smem:$0x3FFE];
	_ =	sdelay $0x1  }
0x8a: {  	s1 =	srdreg.scid  }
0x8b: {  	s0 =	sand.u32 $0x1, s1  }
0x8c: {  	s16 =	sshll.u32 s0, $0xA;
	s2 =	sadd.s32 s3, s2  }
0x8d: {  	s2 =	sadd.s32 s2, s16  }
0x8e: {  	[smem:$0x3FC2] =	sst s2  }
0x8f: {  	_ = 	snop  }
0x90: {  	(tm) =	ssettm $0x1  }
0x91: {  	s17 =	sld [smem:$0x3FFB];
	_ =	sdelay $0x3  }
0x92: {  	_ =	strace s17  }
0x93: {  	s2 =	sld [smem:$0x3FFC];
	_ =	sdelay $0x3  }
0x94: {  	_ =	strace s2  }
0x95: {  	s2 =	sld [smem:$0x3FFD];
	_ =	sdelay $0x3  }
0x96: {  	_ =	strace s2  }
0x97: {  	_ =	strace $0x8FFFFFFF  }
0x98: {  	s18 =	sld [smem:$0x3FDB];
	_ =	sdelay $0x1  }
0x99: {  	s19 =	simm.s32 $_scs_section_size  }
0x9a: {  	s4 =	simm.s32 $_size__tile_overlayer_lowered;
	s5 =	simm.s32 $_tile_overlayer_lowered  }
0x9b: {  	s22 =	simm.s32 $0x1BFF;
	s21 =	sshll.u32 s5, $0x1;
	s2 =	sadd.s32 s19, s18  }
0x9c: {  	s6 =	simm.s32 $0x0;
	s20 =	sshll.u32 s4, $0x1;
	s4 =	sadd.s32 s21, s2  }
0x9d: {  	[timem:s6], [sflag:s22] =	dma.local [hbm:s4], s20  }
0x9e: {  	_ =	swait.ge [sflag:s22], s20  }
0x9f: {  	s3 =	ssub.s32 $0x0, s20;
	[sflag:s22] =	ssyncset.done $0x0  }
0xa0: {  	[sflag:s22] =	ssyncadd.s32 s3;
	_ =	sdelay $0x1  }
0xa1: {  	s23 =	simm.s32 $0x1B8B  }
0xa2: {  	_ =	swait.ge [sflag:s23], $0x1  }
0xa3: {  	[sflag:s23] =	ssyncset.done $0x0  }
0xa4: {  	s25 =	simm.s32 $0x1B8E;
	s24 =	sld [smem:$0x3FFE];
	[sflag:s23] =	ssyncadd.s32 $0xFFFFFFFF  }
0xa5: {  	s26 =	simm.s32 $execute0_lowered;
	[smem:$0x3FD2] =	sst s25  }
0xa6: {  	s4 =	sshll.u32 s26, $0x1;
	_ =	strace $0x80000046;
	[dreg:$0x1] =	wrdreg $0xFFFFFFFF  }
0xa7: {  	s28 =	simm.s32 $_size_execute0_lowered;
	s2 =	sadd.s32 s2, s4;
	[dreg:$0x0] =	wrdreg $0x0  }
0xa8: {  	s4 =	sshll.u32 s28, $0x1;
	[dreg:$0x2] =	wrdreg s2  }
0xa9: {  	[dreg:$0x3] =	wrdreg s4  }
0xaa: {  	[dreg:$0x4] =	wrdreg $0xC0  }
0xab: {  	_ =	task [dreg:s6], $0x5FFFF  }
0xac: {  	[dreg:$0x1] =	wrdreg $0xFFFFFFFF  }
0xad: {  	[dreg:$0x0] =	wrdreg $0x60  }
0xae: {  	[dreg:$0x2] =	wrdreg s24  }
0xaf: {  	[dreg:$0x3] =	wrdreg $0x9  }
0xb0: {  	_ =	task.clear_ibuf [dreg:s6], $0x4FFFF;
	_ =	strace $0x90000046  }
0xb1: {  	s29 =	simm.s32 $0x9;
	_ =	strace $0x80000048  }
0xb2: {  	_ =	swait.ge [sflag:s29], $0x1  }
0xb3: {  	[sflag:s29] =	ssyncadd.s32 $0xFFFFFFFF  }
0xb4: {  	_ =	strace $0x90000048  }
0xb5: {  	_ =	sfence  }
0xb6: {  	s30 =	sld [smem:$0x0];
	_ =	sdelay $0x2  }
0xb7: {  	s31 =	sshll.u32 s1, $0xD;
	s1 =	sshrl.u32 s1, $0x2  }
0xb8: {  	s3 =	sand.u32 $0x4000, s31;
	s1 =	sadd.s32 s1, s30  }
0xb9: {  	s0 =	sor.u32 s3, s0;
	s1 =	sshll.u32 s1, $0x11  }
0xba: {  	s0 =	sor.u32 s1, s0  }
0xbb: {  	s0 =	sadd.s32 $0x8F2B, s0  }
0xbc: {  	[sflag:s0] =	ssyncadd.remote.s32 $0x1  }
0xbd: {  	_ =	sfence.sel $0xFFFF  }
0xbe: {  	[dreg:$0x0] =	wrdreg $0xFFFFFFFF;
	(pc) =	sbr.abs _section_cstart, $3  }
0xbf: {  	[dreg:$0x1] =	wrdreg $0xFFFFFFFF  }
0xc0: {  	_ =	task.clear_ibuf [dreg:s6], $0x2FFFF;
	_ =	strace $0x9FFFFFFF  }
0xc1: {  	(tm) =	ssettm $0x7FFFFFFF  }
tec
execute0_lowered:
.L_overlay_start_1:
0x0: {  	(tag) =	ssettag $0x1  }
0x1: {  	s1 =	srdreg.scid;
	s0 =	stileid.u32  }
0x2: {  	s3 =	sand.u32 $0x1, s1;
	s30 =	sshll.u32 s0, $0x1  }
0x3: {  	s4 =	rddreg [dreg:$0x0];
	s5 =	sor.u32 s3, s30  }
0x4: {  	s2 =	simm.s32 $0x0;
	s8 =	simm.s32 $0x0;
	s6 =	smul.u32 $0x5000, s5  }
0x5: {  	[smem:$0x7FF] =	sst s2;
	s3 =	ssub.s32 $0x2, s3;
	s5 =	smul.u32 $0x500, s5  }
0x6: {  	s1 =	rddreg [dreg:$0x1];
	_ =	strace $0x80000047;
	s7 =	sshrl.u32 s3, $0x1  }
0x7: {  	s7 =	ssub.s32 s3, s7;
	s6 =	sshrl.u32 s6, $0x3;
	s5 =	sadd.s32 s5, s4  }
0x8: {  	s31 =	sadd.s32 s4, s6;
	s4 =	sadd.s32 $0x2A400, s5;
	s5 =	smax.u32 s7, $0x1  }
0x9: {  	v0 =	vimm.f32 $0.0e+00;
	v1 =	vimm.f32 $1.000000000e+00;
	s6 =	simm.s32 $0x1;
	s7 =	simm.s32 $0x5000;
	s3 =	sadd.s32 $0x16400, s31  }
.LBB2_1:
0xa: {  	s9 =	simm.s32 $0x0;
	s10 =	simm.s32 $0x200  }
.LBB2_2:
0xb: {  	p0 =	sne.s32 s10, $0x9E00;
	[tilespmem:s9+$0x5070] =	vst v0  }
0xc: {  	[tilespmem:s9+$0x5000] =	vst v0  }
0xd: {  	[tilespmem:s9+$0x5010] =	vst v0  }
.Ltmp0:
0xe: {  	[tilespmem:s9+$0x5020] =	vst v0;
	(pc) =	sbr.rel @p0 .LBB2_2-.Ltmp0, $4  }
0xf: {  	[tilespmem:s9+$0x5030] =	vst v0  }
0x10: {  	[tilespmem:s9+$0x5040] =	vst v0  }
0x11: {  	[tilespmem:s9+$0x5050] =	vst v0  }
0x12: {  	[tilespmem:s9+$0x5060] =	vst v0;
	s9 =	sshra.s32 s10, $0x2;
	s10 =	sadd.s32 $0x200, s10  }
0x13: {  	[tilespmem:s9+$0x5070] =	vst v0  }
0x14: {  	[tilespmem:s9+$0x5000] =	vst v0  }
0x15: {  	[tilespmem:s9+$0x5010] =	vst v0  }
0x16: {  	[tilespmem:s9+$0x5020] =	vst v0  }
0x17: {  	[tilespmem:s9+$0x5030] =	vst v0  }
0x18: {  	[tilespmem:s9+$0x5040] =	vst v0  }
0x19: {  	[tilespmem:s9+$0x5050] =	vst v0  }
0x1a: {  	[tilespmem:s9+$0x5060] =	vst v0;
	s9 =	simm.s32 $0x0  }
0x1b: {  	[tilespmem:s9], [sflag:$0x1] =	stream.linear.gather [hbm4b:s3+s9], $0x5000, $0x38;
	[tilespmem:$0x7800] =	vst v63  }
0x1c: {  	_ =	swait.ge [sflag:s6], $0x5000  }
0x1d: {  	[sflag:s6] =	ssyncset.done $0x0  }
0x1e: {  	[sflag:s6] =	ssyncadd.s32 $0xFFFFB000  }
.LBB2_4:
0x1f: {  	s10 =	sshra.s32 s9, $0x2  }
0x20: {  	v2 =	vld [tilespmem:s10+$0x0];
	_ =	sdelay $0x7  }
0x21: {  	[tilespmem:v2+s7+$0x0] =	vst.idx.add.f32.msk $0xffff, v1  }
0x22: {  	v2 =	vld [tilespmem:s10+$0x10];
	_ =	sdelay $0x7  }
0x23: {  	[tilespmem:v2+s7+$0x0] =	vst.idx.add.f32.msk $0xffff, v1  }
0x24: {  	v2 =	vld [tilespmem:s10+$0x20];
	_ =	sdelay $0x7  }
0x25: {  	[tilespmem:v2+s7+$0x0] =	vst.idx.add.f32.msk $0xffff, v1  }
0x26: {  	v2 =	vld [tilespmem:s10+$0x30];
	_ =	sdelay $0x7  }
0x27: {  	[tilespmem:v2+s7+$0x0] =	vst.idx.add.f32.msk $0xffff, v1  }
0x28: {  	v2 =	vld [tilespmem:s10+$0x40];
	_ =	sdelay $0x7  }
0x29: {  	[tilespmem:v2+s7+$0x0] =	vst.idx.add.f32.msk $0xffff, v1  }
0x2a: {  	v2 =	vld [tilespmem:s10+$0x50];
	_ =	sdelay $0x7  }
0x2b: {  	[tilespmem:v2+s7+$0x0] =	vst.idx.add.f32.msk $0xffff, v1  }
0x2c: {  	v2 =	vld [tilespmem:s10+$0x60];
	_ =	sdelay $0x7  }
0x2d: {  	[tilespmem:v2+s7+$0x0] =	vst.idx.add.f32.msk $0xffff, v1  }
0x2e: {  	v2 =	vld [tilespmem:s10+$0x70];
	_ =	sdelay $0x2  }
0x2f: {  	p0 =	sne.s32 s9, $0x13E00  }
.Ltmp1:
0x30: {  	_ = 	snop;
	(pc) =	sbr.rel @p0 .LBB2_4-.Ltmp1, $2  }
0x31: {  	_ =	sdelay $0x2  }
0x32: {  	s9 =	sadd.s32 $0x200, s9;
	[tilespmem:v2+s7+$0x0] =	vst.idx.add.f32.msk $0xffff, v1  }
0x33: {  	s8 =	sadd.s32 $0x1, s8  }
0x34: {  	p0 =	sne.s32 s8, s5  }
.Ltmp2:
0x35: {  	_ = 	snop;
	(pc) =	sbr.rel @p0 .LBB2_1-.Ltmp2, $4  }
0x36: {  	[hbm4b:s4+s2] =	stream.linear.scatter [tilespmem:s7], [sflag:$0x1], $0x2800, $0x38;
	[tilespmem:$0x7800] =	vst v63  }
0x37: {  	_ =	swait.ge [sflag:s6], $0x2800  }
0x38: {  	[sflag:s6] =	ssyncset.done $0x0  }
0x39: {  	[sflag:s6] =	ssyncadd.s32 $0xFFFFD800  }
0x3a: {  	_ =	sfence.sel $0x180000  }
0x3b: {  	[bflag:$0x0] =	sbarrier.arrive $0xFFFF  }
0x3c: {  	p0 =	sne.s32 s0, $0x0;
	_ =	strace $0x90000047  }
0x3d: {  	s0 =	sadd.s32 @!p0 $0x100000, s1;
	[bflag:$0x2] =	sbarrier.arrive $0xFFFF  }
0x3e: {  	[sflag:s0] =	ssyncadd.tile.s32 @!p0 $0x1;
	_ =	shalt  }
.Lfunc_end2:
_tile_overlayer_lowered:
.L_overlay_start_2:
0x3f: {  	(tag) =	ssettag $0x2  }
0x40: {  	s0 =	rddreg [dreg:$0x0];
	s2 =	stileid.u32  }
0x41: {  	s1 =	rddreg [dreg:$0x1];
	p0 =	sne.s32 s2, $0x0  }
0x42: {  	s3 =	rddreg [dreg:$0x2];
	[bflag:$0x3] =	sbarrier.arrive $0xFFFF;
	s2 =	simm.s32 @!p0 $0x1C01  }
0x43: {  	[timem:s3], [sflag:s2] =	dma.local @!p0 [hbm:s0], s1  }
0x44: {  	s0 =	simm.s32 @!p0 $0x1  }
0x45: {  	_ =	swait.ge @!p0 [sflag:s0], s1  }
0x46: {  	s1 =	ssub.s32 @!p0 $0x0, s1;
	[sflag:s0] =	ssyncset.done @!p0 $0x0  }
0x47: {  	[sflag:s0] =	ssyncadd.s32 @!p0 s1  }
0x48: {  	[bflag:$0x3] =	sbarrier.arrive $0xFFFF  }
0x49: {  	_ =	shalt  }

</sc_bundles>
